<compile_context>
chip_gen: v7x
topology: tpu7x:2x2x1
jax: 0.10.2.dev20260603
libtpu: 0.0.44.dev20260713+nightly
codegen_flags: <defaults>
</compile_context>

<pallas_src>
import functools

import jax
import jax.numpy as jnp
from jax import lax
from jax.experimental import pallas as pl
from jax.experimental.pallas import tpu as pltpu
from jax.experimental.pallas import tpu_sc as plsc

NC = 2
NS = 16
NW = NC * NS
IDXW = 128
K = 10
NBUF = 2


def _sc_gather(idx2d, table):
    n_rows, d = table.shape
    b = idx2d.shape[0] * idx2d.shape[1]
    chunk = K * IDXW
    per_w = b // NW
    steps = per_w // chunk
    assert per_w % chunk == 0 and steps % 2 == 0 and steps >= 4

    mesh = plsc.VectorSubcoreMesh(core_axis_name="c", subcore_axis_name="s")

    @functools.partial(
        pl.kernel,
        mesh=mesh,
        out_type=jax.ShapeDtypeStruct((b, 128), jnp.float32),
        scratch_types=[
            pltpu.VMEM((NBUF, K, IDXW), jnp.int32),
            pltpu.VMEM((NBUF, chunk, d), jnp.float32),
            [pltpu.SemaphoreType.DMA] * NBUF,
            [pltpu.SemaphoreType.DMA] * NBUF,
            [pltpu.SemaphoreType.DMA] * NBUF,
        ],
        compiler_params=pltpu.CompilerParams(use_tc_tiling_on_sc=False),
    )
    def gather_kernel(table_hbm, idx_hbm, out_hbm, idx_v, rows_v,
                      sem_idx, sem_g, sem_st):
        wid = lax.axis_index("s") * NC + lax.axis_index("c")
        row0 = wid * (per_w // IDXW)
        out0 = wid * per_w

        def idx_copy(s, bb):
            sc = jnp.minimum(s, steps - 1)
            return pltpu.make_async_copy(
                idx_hbm.at[pl.ds(row0 + sc * K, K)], idx_v.at[bb], sem_idx[bb])

        def fire_gathers(bb):
            copies = []
            for j in range(K):
                copies.append(
                    pltpu.async_copy(
                        table_hbm.at[idx_v.at[bb].at[j]],
                        rows_v.at[bb].at[pl.ds(j * IDXW, IDXW)],
                        sem_g[bb],
                    ))
            return copies

        def store_copy(s, bb):
            return pltpu.make_async_copy(
                rows_v.at[bb],
                out_hbm.at[pl.ds(out0 + s * chunk, chunk), pl.ds(0, d)],
                sem_st[bb])

        def run_step(s, bb, wait_store):
            idx_copy(s, bb).wait()
            if wait_store:
                store_copy(s, bb).wait()
            for c in fire_gathers(bb):
                c.wait()
            idx_copy(s + NBUF, bb).start()
            store_copy(s, bb).start()

        for bb in range(NBUF):
            idx_copy(bb, bb).start()
        for bb in range(NBUF):
            run_step(bb, bb, wait_store=False)

        def pair(g, carry):
            s0 = NBUF + g * NBUF
            for bb in range(NBUF):
                run_step(s0 + bb, bb, wait_store=True)
            return carry

        lax.fori_loop(0, (steps - NBUF) // NBUF, pair, 0)

        for bb in range(NBUF):
            store_copy(steps - NBUF + bb, bb).wait()
            idx_copy(0, bb).wait()

    return gather_kernel(table, idx2d)


def kernel(coeffs, table):
    batch, seq = coeffs.shape
    d = table.shape[1]
    b = batch * seq
    idx2d = coeffs.reshape(b // IDXW, IDXW)
    out128 = _sc_gather(idx2d, table)
    return out128[:, :d].reshape(batch, seq, d)

# --- scband reference (transcript-rebuilt; emitter-appended) ---
"""Pipeline reference for scband-field-embed-55525337203255 (READ-ONLY COPY).

The authoritative reference and input builder live on the scoring server;
editing this copy changes nothing except your own understanding.
"""

import jax, jax.numpy as jnp
import numpy as np

P = 1000000
EMBED_DIM = 32
BATCH = 16384
SEQ = 200

def setup_inputs(seed: int = 0) -> dict:
    key = jax.random.key(seed)
    k_idx, k_tab = jax.random.split(key)
    coeffs = jax.random.randint(k_idx, (BATCH, SEQ), 0, P, dtype=jnp.int64 if jax.config.jax_enable_x64 else jnp.int32).astype(jnp.int32)
    table = jax.random.normal(k_tab, (P, EMBED_DIM), dtype=jnp.float32)
    return {"coeffs": coeffs, "table": table}

def reference(coeffs, table):
    # FieldEmbed.__call__: vmap(vmap(embedding))(coeffs) == row-gather from the table
    return jnp.take(table, coeffs, axis=0)

if __name__ == "__main__":
    import jax
    _d = setup_inputs()
    print(jax.jit(kernel)(*tuple(_d.values())))

</pallas_src>

<mosaic_0001>
#map = affine_map<(d0, d1) -> (0, 0)>
module attributes {stable_mosaic.version = 14 : i64} {
  func.func @gather_kernel(%arg0: i32, %arg1: i32, %arg2: memref<1000000x32xf32, #tpu.memory_space<hbm>>, %arg3: memref<25600x128xi32, #tpu.memory_space<hbm>>, %arg4: memref<3276800x128xf32, #tpu.memory_space<hbm>>, %arg5: memref<2x10x128xi32, #tpu.memory_space<vmem>>, %arg6: memref<2x1280x32xf32, #tpu.memory_space<vmem>>, %arg7: memref<!tpu.dma_semaphore, #tpu.memory_space<semaphore_mem>>, %arg8: memref<!tpu.dma_semaphore, #tpu.memory_space<semaphore_mem>>, %arg9: memref<!tpu.dma_semaphore, #tpu.memory_space<semaphore_mem>>, %arg10: memref<!tpu.dma_semaphore, #tpu.memory_space<semaphore_mem>>, %arg11: memref<!tpu.dma_semaphore, #tpu.memory_space<semaphore_mem>>, %arg12: memref<!tpu.dma_semaphore, #tpu.memory_space<semaphore_mem>>) attributes {dimension_semantics = [#tpu.dimension_semantics<core_parallel>, #tpu.dimension_semantics<subcore_parallel>], iteration_bounds = array<i64: 2, 16>, scalar_prefetch = 0 : i64, scratch_operands = 8 : i64, tpu.core_type = #tpu.core_type<sc_vector_subcore>, window_params = [{transform_indices = #map}, {transform_indices = #map}, {transform_indices = #map}]} {
    %mul3A = arith.constant 2 : i32
    %mul3A_0 = arith.muli %arg1, %mul3A : i32
    %add3A = arith.addi %mul3A_0, %arg0 : i32
    %mul3A_1 = arith.constant 800 : i32
    %mul3A_2 = arith.muli %add3A, %mul3A_1 : i32
    %mul3A_3 = arith.constant 102400 : i32
    %mul3A_4 = arith.muli %add3A, %mul3A_3 : i32
    %min3A = arith.constant 0 : i32
    %min3A_5 = arith.constant 79 : i32
    %min3A_6 = arith.minsi %min3A, %min3A_5 : i32
    %mul3A_7 = arith.constant 10 : i32
    %mul3A_8 = arith.muli %min3A_6, %mul3A_7 : i32
    %add3A_9 = arith.addi %mul3A_2, %mul3A_8 : i32
    %dma_start3A = arith.constant 0 : i32
    %dma_start3A_10 = arith.constant 0 : i32
    %dma_start3A_11 = arith.constant 0 : i32
    %dma_start3A_12 = tpu.memref_slice %arg5[%dma_start3A, %dma_start3A_10, %dma_start3A_11] : memref<2x10x128xi32, #tpu.memory_space<vmem>> -> memref<1x10x128xi32, #tpu.memory_space<vmem>>
    %dma_start3A_13 = tpu.memref_squeeze %dma_start3A_12 : memref<1x10x128xi32, #tpu.memory_space<vmem>> -> memref<10x128xi32, #tpu.memory_space<vmem>>
    %dma_start3A_14 = arith.constant 0 : i32
    %dma_start3A_15 = tpu.memref_slice %arg3[%add3A_9, %dma_start3A_14] : memref<25600x128xi32, #tpu.memory_space<hbm>> -> memref<10x128xi32, #tpu.memory_space<hbm>>
    %dma_start3A_16 = arith.constant 0 : i32
    %dma_start3A_17 = arith.constant 0 : i32
    %dma_start3A_18 = tpu.memref_slice %arg5[%dma_start3A, %dma_start3A_16, %dma_start3A_17] : memref<2x10x128xi32, #tpu.memory_space<vmem>> -> memref<1x10x128xi32, #tpu.memory_space<vmem>>
    %dma_start3A_19 = tpu.memref_squeeze %dma_start3A_18 : memref<1x10x128xi32, #tpu.memory_space<vmem>> -> memref<10x128xi32, #tpu.memory_space<vmem>>
    %dma_start3A_20 = arith.constant 0 : i32
    %dma_start3A_21 = tpu.memref_slice %arg3[%add3A_9, %dma_start3A_20] : memref<25600x128xi32, #tpu.memory_space<hbm>> -> memref<10x128xi32, #tpu.memory_space<hbm>>
    tpu.enqueue_dma source(%dma_start3A_21 : memref<10x128xi32, #tpu.memory_space<hbm>>) target(%dma_start3A_19 : memref<10x128xi32, #tpu.memory_space<vmem>>) target_semaphore(%arg7 : memref<!tpu.dma_semaphore, #tpu.memory_space<semaphore_mem>>)
    %min3A_22 = arith.constant 1 : i32
    %min3A_23 = arith.constant 79 : i32
    %min3A_24 = arith.minsi %min3A_22, %min3A_23 : i32
    %mul3A_25 = arith.constant 10 : i32
    %mul3A_26 = arith.muli %min3A_24, %mul3A_25 : i32
    %add3A_27 = arith.addi %mul3A_2, %mul3A_26 : i32
    %dma_start3A_28 = arith.constant 1 : i32
    %dma_start3A_29 = arith.constant 0 : i32
    %dma_start3A_30 = arith.constant 0 : i32
    %dma_start3A_31 = tpu.memref_slice %arg5[%dma_start3A_28, %dma_start3A_29, %dma_start3A_30] : memref<2x10x128xi32, #tpu.memory_space<vmem>> -> memref<1x10x128xi32, #tpu.memory_space<vmem>>
    %dma_start3A_32 = tpu.memref_squeeze %dma_start3A_31 : memref<1x10x128xi32, #tpu.memory_space<vmem>> -> memref<10x128xi32, #tpu.memory_space<vmem>>
    %dma_start3A_33 = arith.constant 0 : i32
    %dma_start3A_34 = tpu.memref_slice %arg3[%add3A_27, %dma_start3A_33] : memref<25600x128xi32, #tpu.memory_space<hbm>> -> memref<10x128xi32, #tpu.memory_space<hbm>>
    %dma_start3A_35 = arith.constant 0 : i32
    %dma_start3A_36 = arith.constant 0 : i32
    %dma_start3A_37 = tpu.memref_slice %arg5[%dma_start3A_28, %dma_start3A_35, %dma_start3A_36] : memref<2x10x128xi32, #tpu.memory_space<vmem>> -> memref<1x10x128xi32, #tpu.memory_space<vmem>>
    %dma_start3A_38 = tpu.memref_squeeze %dma_start3A_37 : memref<1x10x128xi32, #tpu.memory_space<vmem>> -> memref<10x128xi32, #tpu.memory_space<vmem>>
    %dma_start3A_39 = arith.constant 0 : i32
    %dma_start3A_40 = tpu.memref_slice %arg3[%add3A_27, %dma_start3A_39] : memref<25600x128xi32, #tpu.memory_space<hbm>> -> memref<10x128xi32, #tpu.memory_space<hbm>>
    tpu.enqueue_dma source(%dma_start3A_40 : memref<10x128xi32, #tpu.memory_space<hbm>>) target(%dma_start3A_38 : memref<10x128xi32, #tpu.memory_space<vmem>>) target_semaphore(%arg8 : memref<!tpu.dma_semaphore, #tpu.memory_space<semaphore_mem>>)
    %min3A_41 = arith.constant 0 : i32
    %min3A_42 = arith.constant 79 : i32
    %min3A_43 = arith.minsi %min3A_41, %min3A_42 : i32
    %mul3A_44 = arith.constant 10 : i32
    %mul3A_45 = arith.muli %min3A_43, %mul3A_44 : i32
    %add3A_46 = arith.addi %mul3A_2, %mul3A_45 : i32
    %dma_wait3A = arith.constant 0 : i32
    %dma_wait3A_47 = arith.constant 0 : i32
    %dma_wait3A_48 = arith.constant 0 : i32
    %dma_wait3A_49 = tpu.memref_slice %arg5[%dma_wait3A, %dma_wait3A_47, %dma_wait3A_48] : memref<2x10x128xi32, #tpu.memory_space<vmem>> -> memref<1x10x128xi32, #tpu.memory_space<vmem>>
    %dma_wait3A_50 = tpu.memref_squeeze %dma_wait3A_49 : memref<1x10x128xi32, #tpu.memory_space<vmem>> -> memref<10x128xi32, #tpu.memory_space<vmem>>
    %dma_wait3A_51 = arith.constant 0 : i32
    %dma_wait3A_52 = tpu.memref_slice %arg3[%add3A_46, %dma_wait3A_51] : memref<25600x128xi32, #tpu.memory_space<hbm>> -> memref<10x128xi32, #tpu.memory_space<hbm>>
    %dma_wait3A_53 = arith.constant 0 : i32
    %dma_wait3A_54 = arith.constant 0 : i32
    %dma_wait3A_55 = tpu.memref_slice %arg5[%dma_wait3A, %dma_wait3A_53, %dma_wait3A_54] : memref<2x10x128xi32, #tpu.memory_space<vmem>> -> memref<1x10x128xi32, #tpu.memory_space<vmem>>
    %dma_wait3A_56 = tpu.memref_squeeze %dma_wait3A_55 : memref<1x10x128xi32, #tpu.memory_space<vmem>> -> memref<10x128xi32, #tpu.memory_space<vmem>>
    %dma_wait3A_57 = arith.constant 0 : i32
    %dma_wait3A_58 = tpu.memref_slice %arg3[%add3A_46, %dma_wait3A_57] : memref<25600x128xi32, #tpu.memory_space<hbm>> -> memref<10x128xi32, #tpu.memory_space<hbm>>
    tpu.wait_dma2 semaphore(%arg7 : memref<!tpu.dma_semaphore, #tpu.memory_space<semaphore_mem>>) src(%dma_wait3A_58 : memref<10x128xi32, #tpu.memory_space<hbm>>) dst(%dma_wait3A_56 : memref<10x128xi32, #tpu.memory_space<vmem>>)
    %dma_start3A_59 = arith.constant 0 : i32
    %dma_start3A_60 = arith.constant 0 : i32
    %dma_start3A_61 = arith.constant 0 : i32
    %dma_start3A_62 = arith.constant 0 : i32
    %dma_start3A_63 = arith.constant 0 : i32
    %dma_start3A_64 = tpu.memref_slice %arg6[%dma_start3A_61, %dma_start3A_62, %dma_start3A_63] : memref<2x1280x32xf32, #tpu.memory_space<vmem>> -> memref<1x1280x32xf32, #tpu.memory_space<vmem>>
    %dma_start3A_65 = tpu.memref_squeeze %dma_start3A_64 : memref<1x1280x32xf32, #tpu.memory_space<vmem>> -> memref<1280x32xf32, #tpu.memory_space<vmem>>
    %dma_start3A_66 = arith.constant 0 : i32
    %dma_start3A_67 = arith.constant 0 : i32
    %dma_start3A_68 = tpu.memref_slice %dma_start3A_65[%dma_start3A_66, %dma_start3A_67] : memref<1280x32xf32, #tpu.memory_space<vmem>> -> memref<128x32xf32, #tpu.memory_space<vmem>>
    %dma_start3A_69 = arith.constant 0 : i32
    %dma_start3A_70 = arith.constant 0 : i32
    %dma_start3A_71 = tpu.memref_slice %arg5[%dma_start3A_59, %dma_start3A_69, %dma_start3A_70] : memref<2x10x128xi32, #tpu.memory_space<vmem>> -> memref<1x10x128xi32, #tpu.memory_space<vmem>>
    %dma_start3A_72 = tpu.memref_squeeze %dma_start3A_71 : memref<1x10x128xi32, #tpu.memory_space<vmem>> -> memref<10x128xi32, #tpu.memory_space<vmem>>
    %dma_start3A_73 = arith.constant 0 : i32
    %dma_start3A_74 = tpu.memref_slice %dma_start3A_72[%dma_start3A_60, %dma_start3A_73] : memref<10x128xi32, #tpu.memory_space<vmem>> -> memref<1x128xi32, #tpu.memory_space<vmem>>
    %dma_start3A_75 = tpu.memref_squeeze %dma_start3A_74 : memref<1x128xi32, #tpu.memory_space<vmem>> -> memref<128xi32, #tpu.memory_space<vmem>>
    %dma_start3A_76 = arith.constant 0 : i32
    %dma_start3A_77 = arith.constant 0 : i32
    %dma_start3A_78 = tpu.memref_slice %arg2[%dma_start3A_76, %dma_start3A_77] : memref<1000000x32xf32, #tpu.memory_space<hbm>> -> memref<1000000x32xf32, #tpu.memory_space<hbm>>
    tpu.enqueue_indirect_dma source(%dma_start3A_78 : memref<1000000x32xf32, #tpu.memory_space<hbm>>) target(%dma_start3A_68 : memref<128x32xf32, #tpu.memory_space<vmem>>) offsets(%dma_start3A_75 : memref<128xi32, #tpu.memory_space<vmem>>) semaphore(%arg9 : memref<!tpu.dma_semaphore, #tpu.memory_space<semaphore_mem>>)
    %dma_start3A_79 = arith.constant 0 : i32
    %dma_start3A_80 = arith.constant 1 : i32
    %dma_start3A_81 = arith.constant 0 : i32
    %dma_start3A_82 = arith.constant 0 : i32
    %dma_start3A_83 = arith.constant 0 : i32
    %dma_start3A_84 = tpu.memref_slice %arg6[%dma_start3A_81, %dma_start3A_82, %dma_start3A_83] : memref<2x1280x32xf32, #tpu.memory_space<vmem>> -> memref<1x1280x32xf32, #tpu.memory_space<vmem>>
    %dma_start3A_85 = tpu.memref_squeeze %dma_start3A_84 : memref<1x1280x32xf32, #tpu.memory_space<vmem>> -> memref<1280x32xf32, #tpu.memory_space<vmem>>
    %dma_start3A_86 = arith.constant 128 : i32
    %dma_start3A_87 = arith.constant 0 : i32
    %dma_start3A_88 = tpu.memref_slice %dma_start3A_85[%dma_start3A_86, %dma_start3A_87] : memref<1280x32xf32, #tpu.memory_space<vmem>> -> memref<128x32xf32, #tpu.memory_space<vmem>>
    %dma_start3A_89 = arith.constant 0 : i32
    %dma_start3A_90 = arith.constant 0 : i32
    %dma_start3A_91 = tpu.memref_slice %arg5[%dma_start3A_79, %dma_start3A_89, %dma_start3A_90] : memref<2x10x128xi32, #tpu.memory_space<vmem>> -> memref<1x10x128xi32, #tpu.memory_space<vmem>>
    %dma_start3A_92 = tpu.memref_squeeze %dma_start3A_91 : memref<1x10x128xi32, #tpu.memory_space<vmem>> -> memref<10x128xi32, #tpu.memory_space<vmem>>
    %dma_start3A_93 = arith.constant 0 : i32
    %dma_start3A_94 = tpu.memref_slice %dma_start3A_92[%dma_start3A_80, %dma_start3A_93] : memref<10x128xi32, #tpu.memory_space<vmem>> -> memref<1x128xi32, #tpu.memory_space<vmem>>
    %dma_start3A_95 = tpu.memref_squeeze %dma_start3A_94 : memref<1x128xi32, #tpu.memory_space<vmem>> -> memref<128xi32, #tpu.memory_space<vmem>>
    %dma_start3A_96 = arith.constant 0 : i32
    %dma_start3A_97 = arith.constant 0 : i32
    %dma_start3A_98 = tpu.memref_slice %arg2[%dma_start3A_96, %dma_start3A_97] : memref<1000000x32xf32, #tpu.memory_space<hbm>> -> memref<1000000x32xf32, #tpu.memory_space<hbm>>
    tpu.enqueue_indirect_dma source(%dma_start3A_98 : memref<1000000x32xf32, #tpu.memory_space<hbm>>) target(%dma_start3A_88 : memref<128x32xf32, #tpu.memory_space<vmem>>) offsets(%dma_start3A_95 : memref<128xi32, #tpu.memory_space<vmem>>) semaphore(%arg9 : memref<!tpu.dma_semaphore, #tpu.memory_space<semaphore_mem>>)
    %dma_start3A_99 = arith.constant 0 : i32
    %dma_start3A_100 = arith.constant 2 : i32
    %dma_start3A_101 = arith.constant 0 : i32
    %dma_start3A_102 = arith.constant 0 : i32
    %dma_start3A_103 = arith.constant 0 : i32
    %dma_start3A_104 = tpu.memref_slice %arg6[%dma_start3A_101, %dma_start3A_102, %dma_start3A_103] : memref<2x1280x32xf32, #tpu.memory_space<vmem>> -> memref<1x1280x32xf32, #tpu.memory_space<vmem>>
    %dma_start3A_105 = tpu.memref_squeeze %dma_start3A_104 : memref<1x1280x32xf32, #tpu.memory_space<vmem>> -> memref<1280x32xf32, #tpu.memory_space<vmem>>
    %dma_start3A_106 = arith.constant 256 : i32
    %dma_start3A_107 = arith.constant 0 : i32
    %dma_start3A_108 = tpu.memref_slice %dma_start3A_105[%dma_start3A_106, %dma_start3A_107] : memref<1280x32xf32, #tpu.memory_space<vmem>> -> memref<128x32xf32, #tpu.memory_space<vmem>>
    %dma_start3A_109 = arith.constant 0 : i32
    %dma_start3A_110 = arith.constant 0 : i32
    %dma_start3A_111 = tpu.memref_slice %arg5[%dma_start3A_99, %dma_start3A_109, %dma_start3A_110] : memref<2x10x128xi32, #tpu.memory_space<vmem>> -> memref<1x10x128xi32, #tpu.memory_space<vmem>>
    %dma_start3A_112 = tpu.memref_squeeze %dma_start3A_111 : memref<1x10x128xi32, #tpu.memory_space<vmem>> -> memref<10x128xi32, #tpu.memory_space<vmem>>
    %dma_start3A_113 = arith.constant 0 : i32
    %dma_start3A_114 = tpu.memref_slice %dma_start3A_112[%dma_start3A_100, %dma_start3A_113] : memref<10x128xi32, #tpu.memory_space<vmem>> -> memref<1x128xi32, #tpu.memory_space<vmem>>
    %dma_start3A_115 = tpu.memref_squeeze %dma_start3A_114 : memref<1x128xi32, #tpu.memory_space<vmem>> -> memref<128xi32, #tpu.memory_space<vmem>>
    %dma_start3A_116 = arith.constant 0 : i32
    %dma_start3A_117 = arith.constant 0 : i32
    %dma_start3A_118 = tpu.memref_slice %arg2[%dma_start3A_116, %dma_start3A_117] : memref<1000000x32xf32, #tpu.memory_space<hbm>> -> memref<1000000x32xf32, #tpu.memory_space<hbm>>
    tpu.enqueue_indirect_dma source(%dma_start3A_118 : memref<1000000x32xf32, #tpu.memory_space<hbm>>) target(%dma_start3A_108 : memref<128x32xf32, #tpu.memory_space<vmem>>) offsets(%dma_start3A_115 : memref<128xi32, #tpu.memory_space<vmem>>) semaphore(%arg9 : memref<!tpu.dma_semaphore, #tpu.memory_space<semaphore_mem>>)
    %dma_start3A_119 = arith.constant 0 : i32
    %dma_start3A_120 = arith.constant 3 : i32
    %dma_start3A_121 = arith.constant 0 : i32
    %dma_start3A_122 = arith.constant 0 : i32
    %dma_start3A_123 = arith.constant 0 : i32
    %dma_start3A_124 = tpu.memref_slice %arg6[%dma_start3A_121, %dma_start3A_122, %dma_start3A_123] : memref<2x1280x32xf32, #tpu.memory_space<vmem>> -> memref<1x1280x32xf32, #tpu.memory_space<vmem>>
    %dma_start3A_125 = tpu.memref_squeeze %dma_start3A_124 : memref<1x1280x32xf32, #tpu.memory_space<vmem>> -> memref<1280x32xf32, #tpu.memory_space<vmem>>
    %dma_start3A_126 = arith.constant 384 : i32
    %dma_start3A_127 = arith.constant 0 : i32
    %dma_start3A_128 = tpu.memref_slice %dma_start3A_125[%dma_start3A_126, %dma_start3A_127] : memref<1280x32xf32, #tpu.memory_space<vmem>> -> memref<128x32xf32, #tpu.memory_space<vmem>>
    %dma_start3A_129 = arith.constant 0 : i32
    %dma_start3A_130 = arith.constant 0 : i32
    %dma_start3A_131 = tpu.memref_slice %arg5[%dma_start3A_119, %dma_start3A_129, %dma_start3A_130] : memref<2x10x128xi32, #tpu.memory_space<vmem>> -> memref<1x10x128xi32, #tpu.memory_space<vmem>>
    %dma_start3A_132 = tpu.memref_squeeze %dma_start3A_131 : memref<1x10x128xi32, #tpu.memory_space<vmem>> -> memref<10x128xi32, #tpu.memory_space<vmem>>
    %dma_start3A_133 = arith.constant 0 : i32
    %dma_start3A_134 = tpu.memref_slice %dma_start3A_132[%dma_start3A_120, %dma_start3A_133] : memref<10x128xi32, #tpu.memory_space<vmem>> -> memref<1x128xi32, #tpu.memory_space<vmem>>
    %dma_start3A_135 = tpu.memref_squeeze %dma_start3A_134 : memref<1x128xi32, #tpu.memory_space<vmem>> -> memref<128xi32, #tpu.memory_space<vmem>>
    %dma_start3A_136 = arith.constant 0 : i32
    %dma_start3A_137 = arith.constant 0 : i32
    %dma_start3A_138 = tpu.memref_slice %arg2[%dma_start3A_136, %dma_start3A_137] : memref<1000000x32xf32, #tpu.memory_space<hbm>> -> memref<1000000x32xf32, #tpu.memory_space<hbm>>
    tpu.enqueue_indirect_dma source(%dma_start3A_138 : memref<1000000x32xf32, #tpu.memory_space<hbm>>) target(%dma_start3A_128 : memref<128x32xf32, #tpu.memory_space<vmem>>) offsets(%dma_start3A_135 : memref<128xi32, #tpu.memory_space<vmem>>) semaphore(%arg9 : memref<!tpu.dma_semaphore, #tpu.memory_space<semaphore_mem>>)
    %dma_start3A_139 = arith.constant 0 : i32
    %dma_start3A_140 = arith.constant 4 : i32
    %dma_start3A_141 = arith.constant 0 : i32
    %dma_start3A_142 = arith.constant 0 : i32
    %dma_start3A_143 = arith.constant 0 : i32
    %dma_start3A_144 = tpu.memref_slice %arg6[%dma_start3A_141, %dma_start3A_142, %dma_start3A_143] : memref<2x1280x32xf32, #tpu.memory_space<vmem>> -> memref<1x1280x32xf32, #tpu.memory_space<vmem>>
    %dma_start3A_145 = tpu.memref_squeeze %dma_start3A_144 : memref<1x1280x32xf32, #tpu.memory_space<vmem>> -> memref<1280x32xf32, #tpu.memory_space<vmem>>
    %dma_start3A_146 = arith.constant 512 : i32
    %dma_start3A_147 = arith.constant 0 : i32
    %dma_start3A_148 = tpu.memref_slice %dma_start3A_145[%dma_start3A_146, %dma_start3A_147] : memref<1280x32xf32, #tpu.memory_space<vmem>> -> memref<128x32xf32, #tpu.memory_space<vmem>>
    %dma_start3A_149 = arith.constant 0 : i32
    %dma_start3A_150 = arith.constant 0 : i32
    %dma_start3A_151 = tpu.memref_slice %arg5[%dma_start3A_139, %dma_start3A_149, %dma_start3A_150] : memref<2x10x128xi32, #tpu.memory_space<vmem>> -> memref<1x10x128xi32, #tpu.memory_space<vmem>>
    %dma_start3A_152 = tpu.memref_squeeze %dma_start3A_151 : memref<1x10x128xi32, #tpu.memory_space<vmem>> -> memref<10x128xi32, #tpu.memory_space<vmem>>
    %dma_start3A_153 = arith.constant 0 : i32
    %dma_start3A_154 = tpu.memref_slice %dma_start3A_152[%dma_start3A_140, %dma_start3A_153] : memref<10x128xi32, #tpu.memory_space<vmem>> -> memref<1x128xi32, #tpu.memory_space<vmem>>
    %dma_start3A_155 = tpu.memref_squeeze %dma_start3A_154 : memref<1x128xi32, #tpu.memory_space<vmem>> -> memref<128xi32, #tpu.memory_space<vmem>>
    %dma_start3A_156 = arith.constant 0 : i32
    %dma_start3A_157 = arith.constant 0 : i32
    %dma_start3A_158 = tpu.memref_slice %arg2[%dma_start3A_156, %dma_start3A_157] : memref<1000000x32xf32, #tpu.memory_space<hbm>> -> memref<1000000x32xf32, #tpu.memory_space<hbm>>
    tpu.enqueue_indirect_dma source(%dma_start3A_158 : memref<1000000x32xf32, #tpu.memory_space<hbm>>) target(%dma_start3A_148 : memref<128x32xf32, #tpu.memory_space<vmem>>) offsets(%dma_start3A_155 : memref<128xi32, #tpu.memory_space<vmem>>) semaphore(%arg9 : memref<!tpu.dma_semaphore, #tpu.memory_space<semaphore_mem>>)
    %dma_start3A_159 = arith.constant 0 : i32
    %dma_start3A_160 = arith.constant 5 : i32
    %dma_start3A_161 = arith.constant 0 : i32
    %dma_start3A_162 = arith.constant 0 : i32
    %dma_start3A_163 = arith.constant 0 : i32
    %dma_start3A_164 = tpu.memref_slice %arg6[%dma_start3A_161, %dma_start3A_162, %dma_start3A_163] : memref<2x1280x32xf32, #tpu.memory_space<vmem>> -> memref<1x1280x32xf32, #tpu.memory_space<vmem>>
    %dma_start3A_165 = tpu.memref_squeeze %dma_start3A_164 : memref<1x1280x32xf32, #tpu.memory_space<vmem>> -> memref<1280x32xf32, #tpu.memory_space<vmem>>
    %dma_start3A_166 = arith.constant 640 : i32
    %dma_start3A_167 = arith.constant 0 : i32
    %dma_start3A_168 = tpu.memref_slice %dma_start3A_165[%dma_start3A_166, %dma_start3A_167] : memref<1280x32xf32, #tpu.memory_space<vmem>> -> memref<128x32xf32, #tpu.memory_space<vmem>>
    %dma_start3A_169 = arith.constant 0 : i32
    %dma_start3A_170 = arith.constant 0 : i32
    %dma_start3A_171 = tpu.memref_slice %arg5[%dma_start3A_159, %dma_start3A_169, %dma_start3A_170] : memref<2x10x128xi32, #tpu.memory_space<vmem>> -> memref<1x10x128xi32, #tpu.memory_space<vmem>>
    %dma_start3A_172 = tpu.memref_squeeze %dma_start3A_171 : memref<1x10x128xi32, #tpu.memory_space<vmem>> -> memref<10x128xi32, #tpu.memory_space<vmem>>
    %dma_start3A_173 = arith.constant 0 : i32
    %dma_start3A_174 = tpu.memref_slice %dma_start3A_172[%dma_start3A_160, %dma_start3A_173] : memref<10x128xi32, #tpu.memory_space<vmem>> -> memref<1x128xi32, #tpu.memory_space<vmem>>
    %dma_start3A_175 = tpu.memref_squeeze %dma_start3A_174 : memref<1x128xi32, #tpu.memory_space<vmem>> -> memref<128xi32, #tpu.memory_space<vmem>>
    %dma_start3A_176 = arith.constant 0 : i32
    %dma_start3A_177 = arith.constant 0 : i32
    %dma_start3A_178 = tpu.memref_slice %arg2[%dma_start3A_176, %dma_start3A_177] : memref<1000000x32xf32, #tpu.memory_space<hbm>> -> memref<1000000x32xf32, #tpu.memory_space<hbm>>
    tpu.enqueue_indirect_dma source(%dma_start3A_178 : memref<1000000x32xf32, #tpu.memory_space<hbm>>) target(%dma_start3A_168 : memref<128x32xf32, #tpu.memory_space<vmem>>) offsets(%dma_start3A_175 : memref<128xi32, #tpu.memory_space<vmem>>) semaphore(%arg9 : memref<!tpu.dma_semaphore, #tpu.memory_space<semaphore_mem>>)
    %dma_start3A_179 = arith.constant 0 : i32
    %dma_start3A_180 = arith.constant 6 : i32
    %dma_start3A_181 = arith.constant 0 : i32
    %dma_start3A_182 = arith.constant 0 : i32
    %dma_start3A_183 = arith.constant 0 : i32
    %dma_start3A_184 = tpu.memref_slice %arg6[%dma_start3A_181, %dma_start3A_182, %dma_start3A_183] : memref<2x1280x32xf32, #tpu.memory_space<vmem>> -> memref<1x1280x32xf32, #tpu.memory_space<vmem>>
    %dma_start3A_185 = tpu.memref_squeeze %dma_start3A_184 : memref<1x1280x32xf32, #tpu.memory_space<vmem>> -> memref<1280x32xf32, #tpu.memory_space<vmem>>
    %dma_start3A_186 = arith.constant 768 : i32
    %dma_start3A_187 = arith.constant 0 : i32
    %dma_start3A_188 = tpu.memref_slice %dma_start3A_185[%dma_start3A_186, %dma_start3A_187] : memref<1280x32xf32, #tpu.memory_space<vmem>> -> memref<128x32xf32, #tpu.memory_space<vmem>>
    %dma_start3A_189 = arith.constant 0 : i32
    %dma_start3A_190 = arith.constant 0 : i32
    %dma_start3A_191 = tpu.memref_slice %arg5[%dma_start3A_179, %dma_start3A_189, %dma_start3A_190] : memref<2x10x128xi32, #tpu.memory_space<vmem>> -> memref<1x10x128xi32, #tpu.memory_space<vmem>>
    %dma_start3A_192 = tpu.memref_squeeze %dma_start3A_191 : memref<1x10x128xi32, #tpu.memory_space<vmem>> -> memref<10x128xi32, #tpu.memory_space<vmem>>
    %dma_start3A_193 = arith.constant 0 : i32
    %dma_start3A_194 = tpu.memref_slice %dma_start3A_192[%dma_start3A_180, %dma_start3A_193] : memref<10x128xi32, #tpu.memory_space<vmem>> -> memref<1x128xi32, #tpu.memory_space<vmem>>
    %dma_start3A_195 = tpu.memref_squeeze %dma_start3A_194 : memref<1x128xi32, #tpu.memory_space<vmem>> -> memref<128xi32, #tpu.memory_space<vmem>>
    %dma_start3A_196 = arith.constant 0 : i32
    %dma_start3A_197 = arith.constant 0 : i32
    %dma_start3A_198 = tpu.memref_slice %arg2[%dma_start3A_196, %dma_start3A_197] : memref<1000000x32xf32, #tpu.memory_space<hbm>> -> memref<1000000x32xf32, #tpu.memory_space<hbm>>
    tpu.enqueue_indirect_dma source(%dma_start3A_198 : memref<1000000x32xf32, #tpu.memory_space<hbm>>) target(%dma_start3A_188 : memref<128x32xf32, #tpu.memory_space<vmem>>) offsets(%dma_start3A_195 : memref<128xi32, #tpu.memory_space<vmem>>) semaphore(%arg9 : memref<!tpu.dma_semaphore, #tpu.memory_space<semaphore_mem>>)
    %dma_start3A_199 = arith.constant 0 : i32
    %dma_start3A_200 = arith.constant 7 : i32
    %dma_start3A_201 = arith.constant 0 : i32
    %dma_start3A_202 = arith.constant 0 : i32
    %dma_start3A_203 = arith.constant 0 : i32
    %dma_start3A_204 = tpu.memref_slice %arg6[%dma_start3A_201, %dma_start3A_202, %dma_start3A_203] : memref<2x1280x32xf32, #tpu.memory_space<vmem>> -> memref<1x1280x32xf32, #tpu.memory_space<vmem>>
    %dma_start3A_205 = tpu.memref_squeeze %dma_start3A_204 : memref<1x1280x32xf32, #tpu.memory_space<vmem>> -> memref<1280x32xf32, #tpu.memory_space<vmem>>
    %dma_start3A_206 = arith.constant 896 : i32
    %dma_start3A_207 = arith.constant 0 : i32
    %dma_start3A_208 = tpu.memref_slice %dma_start3A_205[%dma_start3A_206, %dma_start3A_207] : memref<1280x32xf32, #tpu.memory_space<vmem>> -> memref<128x32xf32, #tpu.memory_space<vmem>>
    %dma_start3A_209 = arith.constant 0 : i32
    %dma_start3A_210 = arith.constant 0 : i32
    %dma_start3A_211 = tpu.memref_slice %arg5[%dma_start3A_199, %dma_start3A_209, %dma_start3A_210] : memref<2x10x128xi32, #tpu.memory_space<vmem>> -> memref<1x10x128xi32, #tpu.memory_space<vmem>>
    %dma_start3A_212 = tpu.memref_squeeze %dma_start3A_211 : memref<1x10x128xi32, #tpu.memory_space<vmem>> -> memref<10x128xi32, #tpu.memory_space<vmem>>
    %dma_start3A_213 = arith.constant 0 : i32
    %dma_start3A_214 = tpu.memref_slice %dma_start3A_212[%dma_start3A_200, %dma_start3A_213] : memref<10x128xi32, #tpu.memory_space<vmem>> -> memref<1x128xi32, #tpu.memory_space<vmem>>
    %dma_start3A_215 = tpu.memref_squeeze %dma_start3A_214 : memref<1x128xi32, #tpu.memory_space<vmem>> -> memref<128xi32, #tpu.memory_space<vmem>>
    %dma_start3A_216 = arith.constant 0 : i32
    %dma_start3A_217 = arith.constant 0 : i32
    %dma_start3A_218 = tpu.memref_slice %arg2[%dma_start3A_216, %dma_start3A_217] : memref<1000000x32xf32, #tpu.memory_space<hbm>> -> memref<1000000x32xf32, #tpu.memory_space<hbm>>
    tpu.enqueue_indirect_dma source(%dma_start3A_218 : memref<1000000x32xf32, #tpu.memory_space<hbm>>) target(%dma_start3A_208 : memref<128x32xf32, #tpu.memory_space<vmem>>) offsets(%dma_start3A_215 : memref<128xi32, #tpu.memory_space<vmem>>) semaphore(%arg9 : memref<!tpu.dma_semaphore, #tpu.memory_space<semaphore_mem>>)
    %dma_start3A_219 = arith.constant 0 : i32
    %dma_start3A_220 = arith.constant 8 : i32
    %dma_start3A_221 = arith.constant 0 : i32
    %dma_start3A_222 = arith.constant 0 : i32
    %dma_start3A_223 = arith.constant 0 : i32
    %dma_start3A_224 = tpu.memref_slice %arg6[%dma_start3A_221, %dma_start3A_222, %dma_start3A_223] : memref<2x1280x32xf32, #tpu.memory_space<vmem>> -> memref<1x1280x32xf32, #tpu.memory_space<vmem>>
    %dma_start3A_225 = tpu.memref_squeeze %dma_start3A_224 : memref<1x1280x32xf32, #tpu.memory_space<vmem>> -> memref<1280x32xf32, #tpu.memory_space<vmem>>
    %dma_start3A_226 = arith.constant 1024 : i32
    %dma_start3A_227 = arith.constant 0 : i32
    %dma_start3A_228 = tpu.memref_slice %dma_start3A_225[%dma_start3A_226, %dma_start3A_227] : memref<1280x32xf32, #tpu.memory_space<vmem>> -> memref<128x32xf32, #tpu.memory_space<vmem>>
    %dma_start3A_229 = arith.constant 0 : i32
    %dma_start3A_230 = arith.constant 0 : i32
    %dma_start3A_231 = tpu.memref_slice %arg5[%dma_start3A_219, %dma_start3A_229, %dma_start3A_230] : memref<2x10x128xi32, #tpu.memory_space<vmem>> -> memref<1x10x128xi32, #tpu.memory_space<vmem>>
    %dma_start3A_232 = tpu.memref_squeeze %dma_start3A_231 : memref<1x10x128xi32, #tpu.memory_space<vmem>> -> memref<10x128xi32, #tpu.memory_space<vmem>>
    %dma_start3A_233 = arith.constant 0 : i32
    %dma_start3A_234 = tpu.memref_slice %dma_start3A_232[%dma_start3A_220, %dma_start3A_233] : memref<10x128xi32, #tpu.memory_space<vmem>> -> memref<1x128xi32, #tpu.memory_space<vmem>>
    %dma_start3A_235 = tpu.memref_squeeze %dma_start3A_234 : memref<1x128xi32, #tpu.memory_space<vmem>> -> memref<128xi32, #tpu.memory_space<vmem>>
    %dma_start3A_236 = arith.constant 0 : i32
    %dma_start3A_237 = arith.constant 0 : i32
    %dma_start3A_238 = tpu.memref_slice %arg2[%dma_start3A_236, %dma_start3A_237] : memref<1000000x32xf32, #tpu.memory_space<hbm>> -> memref<1000000x32xf32, #tpu.memory_space<hbm>>
    tpu.enqueue_indirect_dma source(%dma_start3A_238 : memref<1000000x32xf32, #tpu.memory_space<hbm>>) target(%dma_start3A_228 : memref<128x32xf32, #tpu.memory_space<vmem>>) offsets(%dma_start3A_235 : memref<128xi32, #tpu.memory_space<vmem>>) semaphore(%arg9 : memref<!tpu.dma_semaphore, #tpu.memory_space<semaphore_mem>>)
    %dma_start3A_239 = arith.constant 0 : i32
    %dma_start3A_240 = arith.constant 9 : i32
    %dma_start3A_241 = arith.constant 0 : i32
    %dma_start3A_242 = arith.constant 0 : i32
    %dma_start3A_243 = arith.constant 0 : i32
    %dma_start3A_244 = tpu.memref_slice %arg6[%dma_start3A_241, %dma_start3A_242, %dma_start3A_243] : memref<2x1280x32xf32, #tpu.memory_space<vmem>> -> memref<1x1280x32xf32, #tpu.memory_space<vmem>>
    %dma_start3A_245 = tpu.memref_squeeze %dma_start3A_244 : memref<1x1280x32xf32, #tpu.memory_space<vmem>> -> memref<1280x32xf32, #tpu.memory_space<vmem>>
    %dma_start3A_246 = arith.constant 1152 : i32
    %dma_start3A_247 = arith.constant 0 : i32
    %dma_start3A_248 = tpu.memref_slice %dma_start3A_245[%dma_start3A_246, %dma_start3A_247] : memref<1280x32xf32, #tpu.memory_space<vmem>> -> memref<128x32xf32, #tpu.memory_space<vmem>>
    %dma_start3A_249 = arith.constant 0 : i32
    %dma_start3A_250 = arith.constant 0 : i32
    %dma_start3A_251 = tpu.memref_slice %arg5[%dma_start3A_239, %dma_start3A_249, %dma_start3A_250] : memref<2x10x128xi32, #tpu.memory_space<vmem>> -> memref<1x10x128xi32, #tpu.memory_space<vmem>>
    %dma_start3A_252 = tpu.memref_squeeze %dma_start3A_251 : memref<1x10x128xi32, #tpu.memory_space<vmem>> -> memref<10x128xi32, #tpu.memory_space<vmem>>
    %dma_start3A_253 = arith.constant 0 : i32
    %dma_start3A_254 = tpu.memref_slice %dma_start3A_252[%dma_start3A_240, %dma_start3A_253] : memref<10x128xi32, #tpu.memory_space<vmem>> -> memref<1x128xi32, #tpu.memory_space<vmem>>
    %dma_start3A_255 = tpu.memref_squeeze %dma_start3A_254 : memref<1x128xi32, #tpu.memory_space<vmem>> -> memref<128xi32, #tpu.memory_space<vmem>>
    %dma_start3A_256 = arith.constant 0 : i32
    %dma_start3A_257 = arith.constant 0 : i32
    %dma_start3A_258 = tpu.memref_slice %arg2[%dma_start3A_256, %dma_start3A_257] : memref<1000000x32xf32, #tpu.memory_space<hbm>> -> memref<1000000x32xf32, #tpu.memory_space<hbm>>
    tpu.enqueue_indirect_dma source(%dma_start3A_258 : memref<1000000x32xf32, #tpu.memory_space<hbm>>) target(%dma_start3A_248 : memref<128x32xf32, #tpu.memory_space<vmem>>) offsets(%dma_start3A_255 : memref<128xi32, #tpu.memory_space<vmem>>) semaphore(%arg9 : memref<!tpu.dma_semaphore, #tpu.memory_space<semaphore_mem>>)
    %dma_wait3A_259 = arith.constant 0 : i32
    %dma_wait3A_260 = arith.constant 0 : i32
    %dma_wait3A_261 = arith.constant 0 : i32
    %dma_wait3A_262 = arith.constant 0 : i32
    %dma_wait3A_263 = arith.constant 0 : i32
    %dma_wait3A_264 = tpu.memref_slice %arg6[%dma_wait3A_261, %dma_wait3A_262, %dma_wait3A_263] : memref<2x1280x32xf32, #tpu.memory_space<vmem>> -> memref<1x1280x32xf32, #tpu.memory_space<vmem>>
    %dma_wait3A_265 = tpu.memref_squeeze %dma_wait3A_264 : memref<1x1280x32xf32, #tpu.memory_space<vmem>> -> memref<1280x32xf32, #tpu.memory_space<vmem>>
    %dma_wait3A_266 = arith.constant 0 : i32
    %dma_wait3A_267 = arith.constant 0 : i32
    %dma_wait3A_268 = tpu.memref_slice %dma_wait3A_265[%dma_wait3A_266, %dma_wait3A_267] : memref<1280x32xf32, #tpu.memory_space<vmem>> -> memref<128x32xf32, #tpu.memory_space<vmem>>
    %dma_wait3A_269 = arith.constant 0 : i32
    %dma_wait3A_270 = arith.constant 0 : i32
    %dma_wait3A_271 = tpu.memref_slice %arg5[%dma_wait3A_259, %dma_wait3A_269, %dma_wait3A_270] : memref<2x10x128xi32, #tpu.memory_space<vmem>> -> memref<1x10x128xi32, #tpu.memory_space<vmem>>
    %dma_wait3A_272 = tpu.memref_squeeze %dma_wait3A_271 : memref<1x10x128xi32, #tpu.memory_space<vmem>> -> memref<10x128xi32, #tpu.memory_space<vmem>>
    %dma_wait3A_273 = arith.constant 0 : i32
    %dma_wait3A_274 = tpu.memref_slice %dma_wait3A_272[%dma_wait3A_260, %dma_wait3A_273] : memref<10x128xi32, #tpu.memory_space<vmem>> -> memref<1x128xi32, #tpu.memory_space<vmem>>
    %dma_wait3A_275 = tpu.memref_squeeze %dma_wait3A_274 : memref<1x128xi32, #tpu.memory_space<vmem>> -> memref<128xi32, #tpu.memory_space<vmem>>
    %dma_wait3A_276 = arith.constant 0 : i32
    %dma_wait3A_277 = arith.constant 0 : i32
    %dma_wait3A_278 = tpu.memref_slice %arg2[%dma_wait3A_276, %dma_wait3A_277] : memref<1000000x32xf32, #tpu.memory_space<hbm>> -> memref<1000000x32xf32, #tpu.memory_space<hbm>>
    tpu.wait_indirect_dma semaphore(%arg9 : memref<!tpu.dma_semaphore, #tpu.memory_space<semaphore_mem>>) src(%dma_wait3A_278 : memref<1000000x32xf32, #tpu.memory_space<hbm>>) dst(%dma_wait3A_268 : memref<128x32xf32, #tpu.memory_space<vmem>>)
    %dma_wait3A_279 = arith.constant 0 : i32
    %dma_wait3A_280 = arith.constant 1 : i32
    %dma_wait3A_281 = arith.constant 0 : i32
    %dma_wait3A_282 = arith.constant 0 : i32
    %dma_wait3A_283 = arith.constant 0 : i32
    %dma_wait3A_284 = tpu.memref_slice %arg6[%dma_wait3A_281, %dma_wait3A_282, %dma_wait3A_283] : memref<2x1280x32xf32, #tpu.memory_space<vmem>> -> memref<1x1280x32xf32, #tpu.memory_space<vmem>>
    %dma_wait3A_285 = tpu.memref_squeeze %dma_wait3A_284 : memref<1x1280x32xf32, #tpu.memory_space<vmem>> -> memref<1280x32xf32, #tpu.memory_space<vmem>>
    %dma_wait3A_286 = arith.constant 128 : i32
    %dma_wait3A_287 = arith.constant 0 : i32
    %dma_wait3A_288 = tpu.memref_slice %dma_wait3A_285[%dma_wait3A_286, %dma_wait3A_287] : memref<1280x32xf32, #tpu.memory_space<vmem>> -> memref<128x32xf32, #tpu.memory_space<vmem>>
    %dma_wait3A_289 = arith.constant 0 : i32
    %dma_wait3A_290 = arith.constant 0 : i32
    %dma_wait3A_291 = tpu.memref_slice %arg5[%dma_wait3A_279, %dma_wait3A_289, %dma_wait3A_290] : memref<2x10x128xi32, #tpu.memory_space<vmem>> -> memref<1x10x128xi32, #tpu.memory_space<vmem>>
    %dma_wait3A_292 = tpu.memref_squeeze %dma_wait3A_291 : memref<1x10x128xi32, #tpu.memory_space<vmem>> -> memref<10x128xi32, #tpu.memory_space<vmem>>
    %dma_wait3A_293 = arith.constant 0 : i32
    %dma_wait3A_294 = tpu.memref_slice %dma_wait3A_292[%dma_wait3A_280, %dma_wait3A_293] : memref<10x128xi32, #tpu.memory_space<vmem>> -> memref<1x128xi32, #tpu.memory_space<vmem>>
    %dma_wait3A_295 = tpu.memref_squeeze %dma_wait3A_294 : memref<1x128xi32, #tpu.memory_space<vmem>> -> memref<128xi32, #tpu.memory_space<vmem>>
    %dma_wait3A_296 = arith.constant 0 : i32
    %dma_wait3A_297 = arith.constant 0 : i32
    %dma_wait3A_298 = tpu.memref_slice %arg2[%dma_wait3A_296, %dma_wait3A_297] : memref<1000000x32xf32, #tpu.memory_space<hbm>> -> memref<1000000x32xf32, #tpu.memory_space<hbm>>
    tpu.wait_indirect_dma semaphore(%arg9 : memref<!tpu.dma_semaphore, #tpu.memory_space<semaphore_mem>>) src(%dma_wait3A_298 : memref<1000000x32xf32, #tpu.memory_space<hbm>>) dst(%dma_wait3A_288 : memref<128x32xf32, #tpu.memory_space<vmem>>)
    %dma_wait3A_299 = arith.constant 0 : i32
    %dma_wait3A_300 = arith.constant 2 : i32
    %dma_wait3A_301 = arith.constant 0 : i32
    %dma_wait3A_302 = arith.constant 0 : i32
    %dma_wait3A_303 = arith.constant 0 : i32
    %dma_wait3A_304 = tpu.memref_slice %arg6[%dma_wait3A_301, %dma_wait3A_302, %dma_wait3A_303] : memref<2x1280x32xf32, #tpu.memory_space<vmem>> -> memref<1x1280x32xf32, #tpu.memory_space<vmem>>
    %dma_wait3A_305 = tpu.memref_squeeze %dma_wait3A_304 : memref<1x1280x32xf32, #tpu.memory_space<vmem>> -> memref<1280x32xf32, #tpu.memory_space<vmem>>
    %dma_wait3A_306 = arith.constant 256 : i32
    %dma_wait3A_307 = arith.constant 0 : i32
    %dma_wait3A_308 = tpu.memref_slice %dma_wait3A_305[%dma_wait3A_306, %dma_wait3A_307] : memref<1280x32xf32, #tpu.memory_space<vmem>> -> memref<128x32xf32, #tpu.memory_space<vmem>>
    %dma_wait3A_309 = arith.constant 0 : i32
    %dma_wait3A_310 = arith.constant 0 : i32
    %dma_wait3A_311 = tpu.memref_slice %arg5[%dma_wait3A_299, %dma_wait3A_309, %dma_wait3A_310] : memref<2x10x128xi32, #tpu.memory_space<vmem>> -> memref<1x10x128xi32, #tpu.memory_space<vmem>>
    %dma_wait3A_312 = tpu.memref_squeeze %dma_wait3A_311 : memref<1x10x128xi32, #tpu.memory_space<vmem>> -> memref<10x128xi32, #tpu.memory_space<vmem>>
    %dma_wait3A_313 = arith.constant 0 : i32
    %dma_wait3A_314 = tpu.memref_slice %dma_wait3A_312[%dma_wait3A_300, %dma_wait3A_313] : memref<10x128xi32, #tpu.memory_space<vmem>> -> memref<1x128xi32, #tpu.memory_space<vmem>>
    %dma_wait3A_315 = tpu.memref_squeeze %dma_wait3A_314 : memref<1x128xi32, #tpu.memory_space<vmem>> -> memref<128xi32, #tpu.memory_space<vmem>>
    %dma_wait3A_316 = arith.constant 0 : i32
    %dma_wait3A_317 = arith.constant 0 : i32
    %dma_wait3A_318 = tpu.memref_slice %arg2[%dma_wait3A_316, %dma_wait3A_317] : memref<1000000x32xf32, #tpu.memory_space<hbm>> -> memref<1000000x32xf32, #tpu.memory_space<hbm>>
    tpu.wait_indirect_dma semaphore(%arg9 : memref<!tpu.dma_semaphore, #tpu.memory_space<semaphore_mem>>) src(%dma_wait3A_318 : memref<1000000x32xf32, #tpu.memory_space<hbm>>) dst(%dma_wait3A_308 : memref<128x32xf32, #tpu.memory_space<vmem>>)
    %dma_wait3A_319 = arith.constant 0 : i32
    %dma_wait3A_320 = arith.constant 3 : i32
    %dma_wait3A_321 = arith.constant 0 : i32
    %dma_wait3A_322 = arith.constant 0 : i32
    %dma_wait3A_323 = arith.constant 0 : i32
    %dma_wait3A_324 = tpu.memref_slice %arg6[%dma_wait3A_321, %dma_wait3A_322, %dma_wait3A_323] : memref<2x1280x32xf32, #tpu.memory_space<vmem>> -> memref<1x1280x32xf32, #tpu.memory_space<vmem>>
    %dma_wait3A_325 = tpu.memref_squeeze %dma_wait3A_324 : memref<1x1280x32xf32, #tpu.memory_space<vmem>> -> memref<1280x32xf32, #tpu.memory_space<vmem>>
    %dma_wait3A_326 = arith.constant 384 : i32
    %dma_wait3A_327 = arith.constant 0 : i32
    %dma_wait3A_328 = tpu.memref_slice %dma_wait3A_325[%dma_wait3A_326, %dma_wait3A_327] : memref<1280x32xf32, #tpu.memory_space<vmem>> -> memref<128x32xf32, #tpu.memory_space<vmem>>
    %dma_wait3A_329 = arith.constant 0 : i32
    %dma_wait3A_330 = arith.constant 0 : i32
    %dma_wait3A_331 = tpu.memref_slice %arg5[%dma_wait3A_319, %dma_wait3A_329, %dma_wait3A_330] : memref<2x10x128xi32, #tpu.memory_space<vmem>> -> memref<1x10x128xi32, #tpu.memory_space<vmem>>
    %dma_wait3A_332 = tpu.memref_squeeze %dma_wait3A_331 : memref<1x10x128xi32, #tpu.memory_space<vmem>> -> memref<10x128xi32, #tpu.memory_space<vmem>>
    %dma_wait3A_333 = arith.constant 0 : i32
    %dma_wait3A_334 = tpu.memref_slice %dma_wait3A_332[%dma_wait3A_320, %dma_wait3A_333] : memref<10x128xi32, #tpu.memory_space<vmem>> -> memref<1x128xi32, #tpu.memory_space<vmem>>
    %dma_wait3A_335 = tpu.memref_squeeze %dma_wait3A_334 : memref<1x128xi32, #tpu.memory_space<vmem>> -> memref<128xi32, #tpu.memory_space<vmem>>
    %dma_wait3A_336 = arith.constant 0 : i32
    %dma_wait3A_337 = arith.constant 0 : i32
    %dma_wait3A_338 = tpu.memref_slice %arg2[%dma_wait3A_336, %dma_wait3A_337] : memref<1000000x32xf32, #tpu.memory_space<hbm>> -> memref<1000000x32xf32, #tpu.memory_space<hbm>>
    tpu.wait_indirect_dma semaphore(%arg9 : memref<!tpu.dma_semaphore, #tpu.memory_space<semaphore_mem>>) src(%dma_wait3A_338 : memref<1000000x32xf32, #tpu.memory_space<hbm>>) dst(%dma_wait3A_328 : memref<128x32xf32, #tpu.memory_space<vmem>>)
    %dma_wait3A_339 = arith.constant 0 : i32
    %dma_wait3A_340 = arith.constant 4 : i32
    %dma_wait3A_341 = arith.constant 0 : i32
    %dma_wait3A_342 = arith.constant 0 : i32
    %dma_wait3A_343 = arith.constant 0 : i32
    %dma_wait3A_344 = tpu.memref_slice %arg6[%dma_wait3A_341, %dma_wait3A_342, %dma_wait3A_343] : memref<2x1280x32xf32, #tpu.memory_space<vmem>> -> memref<1x1280x32xf32, #tpu.memory_space<vmem>>
    %dma_wait3A_345 = tpu.memref_squeeze %dma_wait3A_344 : memref<1x1280x32xf32, #tpu.memory_space<vmem>> -> memref<1280x32xf32, #tpu.memory_space<vmem>>
    %dma_wait3A_346 = arith.constant 512 : i32
    %dma_wait3A_347 = arith.constant 0 : i32
    %dma_wait3A_348 = tpu.memref_slice %dma_wait3A_345[%dma_wait3A_346, %dma_wait3A_347] : memref<1280x32xf32, #tpu.memory_space<vmem>> -> memref<128x32xf32, #tpu.memory_space<vmem>>
    %dma_wait3A_349 = arith.constant 0 : i32
    %dma_wait3A_350 = arith.constant 0 : i32
    %dma_wait3A_351 = tpu.memref_slice %arg5[%dma_wait3A_339, %dma_wait3A_349, %dma_wait3A_350] : memref<2x10x128xi32, #tpu.memory_space<vmem>> -> memref<1x10x128xi32, #tpu.memory_space<vmem>>
    %dma_wait3A_352 = tpu.memref_squeeze %dma_wait3A_351 : memref<1x10x128xi32, #tpu.memory_space<vmem>> -> memref<10x128xi32, #tpu.memory_space<vmem>>
    %dma_wait3A_353 = arith.constant 0 : i32
    %dma_wait3A_354 = tpu.memref_slice %dma_wait3A_352[%dma_wait3A_340, %dma_wait3A_353] : memref<10x128xi32, #tpu.memory_space<vmem>> -> memref<1x128xi32, #tpu.memory_space<vmem>>
    %dma_wait3A_355 = tpu.memref_squeeze %dma_wait3A_354 : memref<1x128xi32, #tpu.memory_space<vmem>> -> memref<128xi32, #tpu.memory_space<vmem>>
    %dma_wait3A_356 = arith.constant 0 : i32
    %dma_wait3A_357 = arith.constant 0 : i32
    %dma_wait3A_358 = tpu.memref_slice %arg2[%dma_wait3A_356, %dma_wait3A_357] : memref<1000000x32xf32, #tpu.memory_space<hbm>> -> memref<1000000x32xf32, #tpu.memory_space<hbm>>
    tpu.wait_indirect_dma semaphore(%arg9 : memref<!tpu.dma_semaphore, #tpu.memory_space<semaphore_mem>>) src(%dma_wait3A_358 : memref<1000000x32xf32, #tpu.memory_space<hbm>>) dst(%dma_wait3A_348 : memref<128x32xf32, #tpu.memory_space<vmem>>)
    %dma_wait3A_359 = arith.constant 0 : i32
    %dma_wait3A_360 = arith.constant 5 : i32
    %dma_wait3A_361 = arith.constant 0 : i32
    %dma_wait3A_362 = arith.constant 0 : i32
    %dma_wait3A_363 = arith.constant 0 : i32
    %dma_wait3A_364 = tpu.memref_slice %arg6[%dma_wait3A_361, %dma_wait3A_362, %dma_wait3A_363] : memref<2x1280x32xf32, #tpu.memory_space<vmem>> -> memref<1x1280x32xf32, #tpu.memory_space<vmem>>
    %dma_wait3A_365 = tpu.memref_squeeze %dma_wait3A_364 : memref<1x1280x32xf32, #tpu.memory_space<vmem>> -> memref<1280x32xf32, #tpu.memory_space<vmem>>
    %dma_wait3A_366 = arith.constant 640 : i32
    %dma_wait3A_367 = arith.constant 0 : i32
    %dma_wait3A_368 = tpu.memref_slice %dma_wait3A_365[%dma_wait3A_366, %dma_wait3A_367] : memref<1280x32xf32, #tpu.memory_space<vmem>> -> memref<128x32xf32, #tpu.memory_space<vmem>>
    %dma_wait3A_369 = arith.constant 0 : i32
    %dma_wait3A_370 = arith.constant 0 : i32
    %dma_wait3A_371 = tpu.memref_slice %arg5[%dma_wait3A_359, %dma_wait3A_369, %dma_wait3A_370] : memref<2x10x128xi32, #tpu.memory_space<vmem>> -> memref<1x10x128xi32, #tpu.memory_space<vmem>>
    %dma_wait3A_372 = tpu.memref_squeeze %dma_wait3A_371 : memref<1x10x128xi32, #tpu.memory_space<vmem>> -> memref<10x128xi32, #tpu.memory_space<vmem>>
    %dma_wait3A_373 = arith.constant 0 : i32
    %dma_wait3A_374 = tpu.memref_slice %dma_wait3A_372[%dma_wait3A_360, %dma_wait3A_373] : memref<10x128xi32, #tpu.memory_space<vmem>> -> memref<1x128xi32, #tpu.memory_space<vmem>>
    %dma_wait3A_375 = tpu.memref_squeeze %dma_wait3A_374 : memref<1x128xi32, #tpu.memory_space<vmem>> -> memref<128xi32, #tpu.memory_space<vmem>>
    %dma_wait3A_376 = arith.constant 0 : i32
    %dma_wait3A_377 = arith.constant 0 : i32
    %dma_wait3A_378 = tpu.memref_slice %arg2[%dma_wait3A_376, %dma_wait3A_377] : memref<1000000x32xf32, #tpu.memory_space<hbm>> -> memref<1000000x32xf32, #tpu.memory_space<hbm>>
    tpu.wait_indirect_dma semaphore(%arg9 : memref<!tpu.dma_semaphore, #tpu.memory_space<semaphore_mem>>) src(%dma_wait3A_378 : memref<1000000x32xf32, #tpu.memory_space<hbm>>) dst(%dma_wait3A_368 : memref<128x32xf32, #tpu.memory_space<vmem>>)
    %dma_wait3A_379 = arith.constant 0 : i32
    %dma_wait3A_380 = arith.constant 6 : i32
    %dma_wait3A_381 = arith.constant 0 : i32
    %dma_wait3A_382 = arith.constant 0 : i32
    %dma_wait3A_383 = arith.constant 0 : i32
    %dma_wait3A_384 = tpu.memref_slice %arg6[%dma_wait3A_381, %dma_wait3A_382, %dma_wait3A_383] : memref<2x1280x32xf32, #tpu.memory_space<vmem>> -> memref<1x1280x32xf32, #tpu.memory_space<vmem>>
    %dma_wait3A_385 = tpu.memref_squeeze %dma_wait3A_384 : memref<1x1280x32xf32, #tpu.memory_space<vmem>> -> memref<1280x32xf32, #tpu.memory_space<vmem>>
    %dma_wait3A_386 = arith.constant 768 : i32
    %dma_wait3A_387 = arith.constant 0 : i32
    %dma_wait3A_388 = tpu.memref_slice %dma_wait3A_385[%dma_wait3A_386, %dma_wait3A_387] : memref<1280x32xf32, #tpu.memory_space<vmem>> -> memref<128x32xf32, #tpu.memory_space<vmem>>
    %dma_wait3A_389 = arith.constant 0 : i32
    %dma_wait3A_390 = arith.constant 0 : i32
    %dma_wait3A_391 = tpu.memref_slice %arg5[%dma_wait3A_379, %dma_wait3A_389, %dma_wait3A_390] : memref<2x10x128xi32, #tpu.memory_space<vmem>> -> memref<1x10x128xi32, #tpu.memory_space<vmem>>
    %dma_wait3A_392 = tpu.memref_squeeze %dma_wait3A_391 : memref<1x10x128xi32, #tpu.memory_space<vmem>> -> memref<10x128xi32, #tpu.memory_space<vmem>>
    %dma_wait3A_393 = arith.constant 0 : i32
    %dma_wait3A_394 = tpu.memref_slice %dma_wait3A_392[%dma_wait3A_380, %dma_wait3A_393] : memref<10x128xi32, #tpu.memory_space<vmem>> -> memref<1x128xi32, #tpu.memory_space<vmem>>
    %dma_wait3A_395 = tpu.memref_squeeze %dma_wait3A_394 : memref<1x128xi32, #tpu.memory_space<vmem>> -> memref<128xi32, #tpu.memory_space<vmem>>
    %dma_wait3A_396 = arith.constant 0 : i32
    %dma_wait3A_397 = arith.constant 0 : i32
    %dma_wait3A_398 = tpu.memref_slice %arg2[%dma_wait3A_396, %dma_wait3A_397] : memref<1000000x32xf32, #tpu.memory_space<hbm>> -> memref<1000000x32xf32, #tpu.memory_space<hbm>>
    tpu.wait_indirect_dma semaphore(%arg9 : memref<!tpu.dma_semaphore, #tpu.memory_space<semaphore_mem>>) src(%dma_wait3A_398 : memref<1000000x32xf32, #tpu.memory_space<hbm>>) dst(%dma_wait3A_388 : memref<128x32xf32, #tpu.memory_space<vmem>>)
    %dma_wait3A_399 = arith.constant 0 : i32
    %dma_wait3A_400 = arith.constant 7 : i32
    %dma_wait3A_401 = arith.constant 0 : i32
    %dma_wait3A_402 = arith.constant 0 : i32
    %dma_wait3A_403 = arith.constant 0 : i32
    %dma_wait3A_404 = tpu.memref_slice %arg6[%dma_wait3A_401, %dma_wait3A_402, %dma_wait3A_403] : memref<2x1280x32xf32, #tpu.memory_space<vmem>> -> memref<1x1280x32xf32, #tpu.memory_space<vmem>>
    %dma_wait3A_405 = tpu.memref_squeeze %dma_wait3A_404 : memref<1x1280x32xf32, #tpu.memory_space<vmem>> -> memref<1280x32xf32, #tpu.memory_space<vmem>>
    %dma_wait3A_406 = arith.constant 896 : i32
    %dma_wait3A_407 = arith.constant 0 : i32
    %dma_wait3A_408 = tpu.memref_slice %dma_wait3A_405[%dma_wait3A_406, %dma_wait3A_407] : memref<1280x32xf32, #tpu.memory_space<vmem>> -> memref<128x32xf32, #tpu.memory_space<vmem>>
    %dma_wait3A_409 = arith.constant 0 : i32
    %dma_wait3A_410 = arith.constant 0 : i32
    %dma_wait3A_411 = tpu.memref_slice %arg5[%dma_wait3A_399, %dma_wait3A_409, %dma_wait3A_410] : memref<2x10x128xi32, #tpu.memory_space<vmem>> -> memref<1x10x128xi32, #tpu.memory_space<vmem>>
    %dma_wait3A_412 = tpu.memref_squeeze %dma_wait3A_411 : memref<1x10x128xi32, #tpu.memory_space<vmem>> -> memref<10x128xi32, #tpu.memory_space<vmem>>
    %dma_wait3A_413 = arith.constant 0 : i32
    %dma_wait3A_414 = tpu.memref_slice %dma_wait3A_412[%dma_wait3A_400, %dma_wait3A_413] : memref<10x128xi32, #tpu.memory_space<vmem>> -> memref<1x128xi32, #tpu.memory_space<vmem>>
    %dma_wait3A_415 = tpu.memref_squeeze %dma_wait3A_414 : memref<1x128xi32, #tpu.memory_space<vmem>> -> memref<128xi32, #tpu.memory_space<vmem>>
    %dma_wait3A_416 = arith.constant 0 : i32
    %dma_wait3A_417 = arith.constant 0 : i32
    %dma_wait3A_418 = tpu.memref_slice %arg2[%dma_wait3A_416, %dma_wait3A_417] : memref<1000000x32xf32, #tpu.memory_space<hbm>> -> memref<1000000x32xf32, #tpu.memory_space<hbm>>
    tpu.wait_indirect_dma semaphore(%arg9 : memref<!tpu.dma_semaphore, #tpu.memory_space<semaphore_mem>>) src(%dma_wait3A_418 : memref<1000000x32xf32, #tpu.memory_space<hbm>>) dst(%dma_wait3A_408 : memref<128x32xf32, #tpu.memory_space<vmem>>)
    %dma_wait3A_419 = arith.constant 0 : i32
    %dma_wait3A_420 = arith.constant 8 : i32
    %dma_wait3A_421 = arith.constant 0 : i32
    %dma_wait3A_422 = arith.constant 0 : i32
    %dma_wait3A_423 = arith.constant 0 : i32
    %dma_wait3A_424 = tpu.memref_slice %arg6[%dma_wait3A_421, %dma_wait3A_422, %dma_wait3A_423] : memref<2x1280x32xf32, #tpu.memory_space<vmem>> -> memref<1x1280x32xf32, #tpu.memory_space<vmem>>
    %dma_wait3A_425 = tpu.memref_squeeze %dma_wait3A_424 : memref<1x1280x32xf32, #tpu.memory_space<vmem>> -> memref<1280x32xf32, #tpu.memory_space<vmem>>
    %dma_wait3A_426 = arith.constant 1024 : i32
    %dma_wait3A_427 = arith.constant 0 : i32
    %dma_wait3A_428 = tpu.memref_slice %dma_wait3A_425[%dma_wait3A_426, %dma_wait3A_427] : memref<1280x32xf32, #tpu.memory_space<vmem>> -> memref<128x32xf32, #tpu.memory_space<vmem>>
    %dma_wait3A_429 = arith.constant 0 : i32
    %dma_wait3A_430 = arith.constant 0 : i32
    %dma_wait3A_431 = tpu.memref_slice %arg5[%dma_wait3A_419, %dma_wait3A_429, %dma_wait3A_430] : memref<2x10x128xi32, #tpu.memory_space<vmem>> -> memref<1x10x128xi32, #tpu.memory_space<vmem>>
    %dma_wait3A_432 = tpu.memref_squeeze %dma_wait3A_431 : memref<1x10x128xi32, #tpu.memory_space<vmem>> -> memref<10x128xi32, #tpu.memory_space<vmem>>
    %dma_wait3A_433 = arith.constant 0 : i32
    %dma_wait3A_434 = tpu.memref_slice %dma_wait3A_432[%dma_wait3A_420, %dma_wait3A_433] : memref<10x128xi32, #tpu.memory_space<vmem>> -> memref<1x128xi32, #tpu.memory_space<vmem>>
    %dma_wait3A_435 = tpu.memref_squeeze %dma_wait3A_434 : memref<1x128xi32, #tpu.memory_space<vmem>> -> memref<128xi32, #tpu.memory_space<vmem>>
    %dma_wait3A_436 = arith.constant 0 : i32
    %dma_wait3A_437 = arith.constant 0 : i32
    %dma_wait3A_438 = tpu.memref_slice %arg2[%dma_wait3A_436, %dma_wait3A_437] : memref<1000000x32xf32, #tpu.memory_space<hbm>> -> memref<1000000x32xf32, #tpu.memory_space<hbm>>
    tpu.wait_indirect_dma semaphore(%arg9 : memref<!tpu.dma_semaphore, #tpu.memory_space<semaphore_mem>>) src(%dma_wait3A_438 : memref<1000000x32xf32, #tpu.memory_space<hbm>>) dst(%dma_wait3A_428 : memref<128x32xf32, #tpu.memory_space<vmem>>)
    %dma_wait3A_439 = arith.constant 0 : i32
    %dma_wait3A_440 = arith.constant 9 : i32
    %dma_wait3A_441 = arith.constant 0 : i32
    %dma_wait3A_442 = arith.constant 0 : i32
    %dma_wait3A_443 = arith.constant 0 : i32
    %dma_wait3A_444 = tpu.memref_slice %arg6[%dma_wait3A_441, %dma_wait3A_442, %dma_wait3A_443] : memref<2x1280x32xf32, #tpu.memory_space<vmem>> -> memref<1x1280x32xf32, #tpu.memory_space<vmem>>
    %dma_wait3A_445 = tpu.memref_squeeze %dma_wait3A_444 : memref<1x1280x32xf32, #tpu.memory_space<vmem>> -> memref<1280x32xf32, #tpu.memory_space<vmem>>
    %dma_wait3A_446 = arith.constant 1152 : i32
    %dma_wait3A_447 = arith.constant 0 : i32
    %dma_wait3A_448 = tpu.memref_slice %dma_wait3A_445[%dma_wait3A_446, %dma_wait3A_447] : memref<1280x32xf32, #tpu.memory_space<vmem>> -> memref<128x32xf32, #tpu.memory_space<vmem>>
    %dma_wait3A_449 = arith.constant 0 : i32
    %dma_wait3A_450 = arith.constant 0 : i32
    %dma_wait3A_451 = tpu.memref_slice %arg5[%dma_wait3A_439, %dma_wait3A_449, %dma_wait3A_450] : memref<2x10x128xi32, #tpu.memory_space<vmem>> -> memref<1x10x128xi32, #tpu.memory_space<vmem>>
    %dma_wait3A_452 = tpu.memref_squeeze %dma_wait3A_451 : memref<1x10x128xi32, #tpu.memory_space<vmem>> -> memref<10x128xi32, #tpu.memory_space<vmem>>
    %dma_wait3A_453 = arith.constant 0 : i32
    %dma_wait3A_454 = tpu.memref_slice %dma_wait3A_452[%dma_wait3A_440, %dma_wait3A_453] : memref<10x128xi32, #tpu.memory_space<vmem>> -> memref<1x128xi32, #tpu.memory_space<vmem>>
    %dma_wait3A_455 = tpu.memref_squeeze %dma_wait3A_454 : memref<1x128xi32, #tpu.memory_space<vmem>> -> memref<128xi32, #tpu.memory_space<vmem>>
    %dma_wait3A_456 = arith.constant 0 : i32
    %dma_wait3A_457 = arith.constant 0 : i32
    %dma_wait3A_458 = tpu.memref_slice %arg2[%dma_wait3A_456, %dma_wait3A_457] : memref<1000000x32xf32, #tpu.memory_space<hbm>> -> memref<1000000x32xf32, #tpu.memory_space<hbm>>
    tpu.wait_indirect_dma semaphore(%arg9 : memref<!tpu.dma_semaphore, #tpu.memory_space<semaphore_mem>>) src(%dma_wait3A_458 : memref<1000000x32xf32, #tpu.memory_space<hbm>>) dst(%dma_wait3A_448 : memref<128x32xf32, #tpu.memory_space<vmem>>)
    %min3A_459 = arith.constant 2 : i32
    %min3A_460 = arith.constant 79 : i32
    %min3A_461 = arith.minsi %min3A_459, %min3A_460 : i32
    %mul3A_462 = arith.constant 10 : i32
    %mul3A_463 = arith.muli %min3A_461, %mul3A_462 : i32
    %add3A_464 = arith.addi %mul3A_2, %mul3A_463 : i32
    %dma_start3A_465 = arith.constant 0 : i32
    %dma_start3A_466 = arith.constant 0 : i32
    %dma_start3A_467 = arith.constant 0 : i32
    %dma_start3A_468 = tpu.memref_slice %arg5[%dma_start3A_465, %dma_start3A_466, %dma_start3A_467] : memref<2x10x128xi32, #tpu.memory_space<vmem>> -> memref<1x10x128xi32, #tpu.memory_space<vmem>>
    %dma_start3A_469 = tpu.memref_squeeze %dma_start3A_468 : memref<1x10x128xi32, #tpu.memory_space<vmem>> -> memref<10x128xi32, #tpu.memory_space<vmem>>
    %dma_start3A_470 = arith.constant 0 : i32
    %dma_start3A_471 = tpu.memref_slice %arg3[%add3A_464, %dma_start3A_470] : memref<25600x128xi32, #tpu.memory_space<hbm>> -> memref<10x128xi32, #tpu.memory_space<hbm>>
    %dma_start3A_472 = arith.constant 0 : i32
    %dma_start3A_473 = arith.constant 0 : i32
    %dma_start3A_474 = tpu.memref_slice %arg5[%dma_start3A_465, %dma_start3A_472, %dma_start3A_473] : memref<2x10x128xi32, #tpu.memory_space<vmem>> -> memref<1x10x128xi32, #tpu.memory_space<vmem>>
    %dma_start3A_475 = tpu.memref_squeeze %dma_start3A_474 : memref<1x10x128xi32, #tpu.memory_space<vmem>> -> memref<10x128xi32, #tpu.memory_space<vmem>>
    %dma_start3A_476 = arith.constant 0 : i32
    %dma_start3A_477 = tpu.memref_slice %arg3[%add3A_464, %dma_start3A_476] : memref<25600x128xi32, #tpu.memory_space<hbm>> -> memref<10x128xi32, #tpu.memory_space<hbm>>
    tpu.enqueue_dma source(%dma_start3A_477 : memref<10x128xi32, #tpu.memory_space<hbm>>) target(%dma_start3A_475 : memref<10x128xi32, #tpu.memory_space<vmem>>) target_semaphore(%arg7 : memref<!tpu.dma_semaphore, #tpu.memory_space<semaphore_mem>>)
    %add3A_478 = arith.constant 0 : i32
    %add3A_479 = arith.addi %mul3A_4, %add3A_478 : i32
    %dma_start3A_480 = arith.constant 0 : i32
    %dma_start3A_481 = arith.constant 0 : i32
    %dma_start3A_482 = arith.constant 0 : i32
    %dma_start3A_483 = tpu.memref_slice %arg6[%dma_start3A_480, %dma_start3A_481, %dma_start3A_482] : memref<2x1280x32xf32, #tpu.memory_space<vmem>> -> memref<1x1280x32xf32, #tpu.memory_space<vmem>>
    %dma_start3A_484 = tpu.memref_squeeze %dma_start3A_483 : memref<1x1280x32xf32, #tpu.memory_space<vmem>> -> memref<1280x32xf32, #tpu.memory_space<vmem>>
    %dma_start3A_485 = arith.constant 0 : i32
    %dma_start3A_486 = tpu.memref_slice %arg4[%add3A_479, %dma_start3A_485] : memref<3276800x128xf32, #tpu.memory_space<hbm>> -> memref<1280x32xf32, #tpu.memory_space<hbm>>
    %dma_start3A_487 = arith.constant 0 : i32
    %dma_start3A_488 = tpu.memref_slice %arg4[%add3A_479, %dma_start3A_487] : memref<3276800x128xf32, #tpu.memory_space<hbm>> -> memref<1280x32xf32, #tpu.memory_space<hbm>>
    %dma_start3A_489 = arith.constant 0 : i32
    %dma_start3A_490 = arith.constant 0 : i32
    %dma_start3A_491 = tpu.memref_slice %arg6[%dma_start3A_480, %dma_start3A_489, %dma_start3A_490] : memref<2x1280x32xf32, #tpu.memory_space<vmem>> -> memref<1x1280x32xf32, #tpu.memory_space<vmem>>
    %dma_start3A_492 = tpu.memref_squeeze %dma_start3A_491 : memref<1x1280x32xf32, #tpu.memory_space<vmem>> -> memref<1280x32xf32, #tpu.memory_space<vmem>>
    tpu.enqueue_dma source(%dma_start3A_492 : memref<1280x32xf32, #tpu.memory_space<vmem>>) target(%dma_start3A_488 : memref<1280x32xf32, #tpu.memory_space<hbm>>) target_semaphore(%arg11 : memref<!tpu.dma_semaphore, #tpu.memory_space<semaphore_mem>>)
    %min3A_493 = arith.constant 1 : i32
    %min3A_494 = arith.constant 79 : i32
    %min3A_495 = arith.minsi %min3A_493, %min3A_494 : i32
    %mul3A_496 = arith.constant 10 : i32
    %mul3A_497 = arith.muli %min3A_495, %mul3A_496 : i32
    %add3A_498 = arith.addi %mul3A_2, %mul3A_497 : i32
    %dma_wait3A_499 = arith.constant 1 : i32
    %dma_wait3A_500 = arith.constant 0 : i32
    %dma_wait3A_501 = arith.constant 0 : i32
    %dma_wait3A_502 = tpu.memref_slice %arg5[%dma_wait3A_499, %dma_wait3A_500, %dma_wait3A_501] : memref<2x10x128xi32, #tpu.memory_space<vmem>> -> memref<1x10x128xi32, #tpu.memory_space<vmem>>
    %dma_wait3A_503 = tpu.memref_squeeze %dma_wait3A_502 : memref<1x10x128xi32, #tpu.memory_space<vmem>> -> memref<10x128xi32, #tpu.memory_space<vmem>>
    %dma_wait3A_504 = arith.constant 0 : i32
    %dma_wait3A_505 = tpu.memref_slice %arg3[%add3A_498, %dma_wait3A_504] : memref<25600x128xi32, #tpu.memory_space<hbm>> -> memref<10x128xi32, #tpu.memory_space<hbm>>
    %dma_wait3A_506 = arith.constant 0 : i32
    %dma_wait3A_507 = arith.constant 0 : i32
    %dma_wait3A_508 = tpu.memref_slice %arg5[%dma_wait3A_499, %dma_wait3A_506, %dma_wait3A_507] : memref<2x10x128xi32, #tpu.memory_space<vmem>> -> memref<1x10x128xi32, #tpu.memory_space<vmem>>
    %dma_wait3A_509 = tpu.memref_squeeze %dma_wait3A_508 : memref<1x10x128xi32, #tpu.memory_space<vmem>> -> memref<10x128xi32, #tpu.memory_space<vmem>>
    %dma_wait3A_510 = arith.constant 0 : i32
    %dma_wait3A_511 = tpu.memref_slice %arg3[%add3A_498, %dma_wait3A_510] : memref<25600x128xi32, #tpu.memory_space<hbm>> -> memref<10x128xi32, #tpu.memory_space<hbm>>
    tpu.wait_dma2 semaphore(%arg8 : memref<!tpu.dma_semaphore, #tpu.memory_space<semaphore_mem>>) src(%dma_wait3A_511 : memref<10x128xi32, #tpu.memory_space<hbm>>) dst(%dma_wait3A_509 : memref<10x128xi32, #tpu.memory_space<vmem>>)
    %dma_start3A_512 = arith.constant 1 : i32
    %dma_start3A_513 = arith.constant 0 : i32
    %dma_start3A_514 = arith.constant 1 : i32
    %dma_start3A_515 = arith.constant 0 : i32
    %dma_start3A_516 = arith.constant 0 : i32
    %dma_start3A_517 = tpu.memref_slice %arg6[%dma_start3A_514, %dma_start3A_515, %dma_start3A_516] : memref<2x1280x32xf32, #tpu.memory_space<vmem>> -> memref<1x1280x32xf32, #tpu.memory_space<vmem>>
    %dma_start3A_518 = tpu.memref_squeeze %dma_start3A_517 : memref<1x1280x32xf32, #tpu.memory_space<vmem>> -> memref<1280x32xf32, #tpu.memory_space<vmem>>
    %dma_start3A_519 = arith.constant 0 : i32
    %dma_start3A_520 = arith.constant 0 : i32
    %dma_start3A_521 = tpu.memref_slice %dma_start3A_518[%dma_start3A_519, %dma_start3A_520] : memref<1280x32xf32, #tpu.memory_space<vmem>> -> memref<128x32xf32, #tpu.memory_space<vmem>>
    %dma_start3A_522 = arith.constant 0 : i32
    %dma_start3A_523 = arith.constant 0 : i32
    %dma_start3A_524 = tpu.memref_slice %arg5[%dma_start3A_512, %dma_start3A_522, %dma_start3A_523] : memref<2x10x128xi32, #tpu.memory_space<vmem>> -> memref<1x10x128xi32, #tpu.memory_space<vmem>>
    %dma_start3A_525 = tpu.memref_squeeze %dma_start3A_524 : memref<1x10x128xi32, #tpu.memory_space<vmem>> -> memref<10x128xi32, #tpu.memory_space<vmem>>
    %dma_start3A_526 = arith.constant 0 : i32
    %dma_start3A_527 = tpu.memref_slice %dma_start3A_525[%dma_start3A_513, %dma_start3A_526] : memref<10x128xi32, #tpu.memory_space<vmem>> -> memref<1x128xi32, #tpu.memory_space<vmem>>
    %dma_start3A_528 = tpu.memref_squeeze %dma_start3A_527 : memref<1x128xi32, #tpu.memory_space<vmem>> -> memref<128xi32, #tpu.memory_space<vmem>>
    %dma_start3A_529 = arith.constant 0 : i32
    %dma_start3A_530 = arith.constant 0 : i32
    %dma_start3A_531 = tpu.memref_slice %arg2[%dma_start3A_529, %dma_start3A_530] : memref<1000000x32xf32, #tpu.memory_space<hbm>> -> memref<1000000x32xf32, #tpu.memory_space<hbm>>
    tpu.enqueue_indirect_dma source(%dma_start3A_531 : memref<1000000x32xf32, #tpu.memory_space<hbm>>) target(%dma_start3A_521 : memref<128x32xf32, #tpu.memory_space<vmem>>) offsets(%dma_start3A_528 : memref<128xi32, #tpu.memory_space<vmem>>) semaphore(%arg10 : memref<!tpu.dma_semaphore, #tpu.memory_space<semaphore_mem>>)
    %dma_start3A_532 = arith.constant 1 : i32
    %dma_start3A_533 = arith.constant 1 : i32
    %dma_start3A_534 = arith.constant 1 : i32
    %dma_start3A_535 = arith.constant 0 : i32
    %dma_start3A_536 = arith.constant 0 : i32
    %dma_start3A_537 = tpu.memref_slice %arg6[%dma_start3A_534, %dma_start3A_535, %dma_start3A_536] : memref<2x1280x32xf32, #tpu.memory_space<vmem>> -> memref<1x1280x32xf32, #tpu.memory_space<vmem>>
    %dma_start3A_538 = tpu.memref_squeeze %dma_start3A_537 : memref<1x1280x32xf32, #tpu.memory_space<vmem>> -> memref<1280x32xf32, #tpu.memory_space<vmem>>
    %dma_start3A_539 = arith.constant 128 : i32
    %dma_start3A_540 = arith.constant 0 : i32
    %dma_start3A_541 = tpu.memref_slice %dma_start3A_538[%dma_start3A_539, %dma_start3A_540] : memref<1280x32xf32, #tpu.memory_space<vmem>> -> memref<128x32xf32, #tpu.memory_space<vmem>>
    %dma_start3A_542 = arith.constant 0 : i32
    %dma_start3A_543 = arith.constant 0 : i32
    %dma_start3A_544 = tpu.memref_slice %arg5[%dma_start3A_532, %dma_start3A_542, %dma_start3A_543] : memref<2x10x128xi32, #tpu.memory_space<vmem>> -> memref<1x10x128xi32, #tpu.memory_space<vmem>>
    %dma_start3A_545 = tpu.memref_squeeze %dma_start3A_544 : memref<1x10x128xi32, #tpu.memory_space<vmem>> -> memref<10x128xi32, #tpu.memory_space<vmem>>
    %dma_start3A_546 = arith.constant 0 : i32
    %dma_start3A_547 = tpu.memref_slice %dma_start3A_545[%dma_start3A_533, %dma_start3A_546] : memref<10x128xi32, #tpu.memory_space<vmem>> -> memref<1x128xi32, #tpu.memory_space<vmem>>
    %dma_start3A_548 = tpu.memref_squeeze %dma_start3A_547 : memref<1x128xi32, #tpu.memory_space<vmem>> -> memref<128xi32, #tpu.memory_space<vmem>>
    %dma_start3A_549 = arith.constant 0 : i32
    %dma_start3A_550 = arith.constant 0 : i32
    %dma_start3A_551 = tpu.memref_slice %arg2[%dma_start3A_549, %dma_start3A_550] : memref<1000000x32xf32, #tpu.memory_space<hbm>> -> memref<1000000x32xf32, #tpu.memory_space<hbm>>
    tpu.enqueue_indirect_dma source(%dma_start3A_551 : memref<1000000x32xf32, #tpu.memory_space<hbm>>) target(%dma_start3A_541 : memref<128x32xf32, #tpu.memory_space<vmem>>) offsets(%dma_start3A_548 : memref<128xi32, #tpu.memory_space<vmem>>) semaphore(%arg10 : memref<!tpu.dma_semaphore, #tpu.memory_space<semaphore_mem>>)
    %dma_start3A_552 = arith.constant 1 : i32
    %dma_start3A_553 = arith.constant 2 : i32
    %dma_start3A_554 = arith.constant 1 : i32
    %dma_start3A_555 = arith.constant 0 : i32
    %dma_start3A_556 = arith.constant 0 : i32
    %dma_start3A_557 = tpu.memref_slice %arg6[%dma_start3A_554, %dma_start3A_555, %dma_start3A_556] : memref<2x1280x32xf32, #tpu.memory_space<vmem>> -> memref<1x1280x32xf32, #tpu.memory_space<vmem>>
    %dma_start3A_558 = tpu.memref_squeeze %dma_start3A_557 : memref<1x1280x32xf32, #tpu.memory_space<vmem>> -> memref<1280x32xf32, #tpu.memory_space<vmem>>
    %dma_start3A_559 = arith.constant 256 : i32
    %dma_start3A_560 = arith.constant 0 : i32
    %dma_start3A_561 = tpu.memref_slice %dma_start3A_558[%dma_start3A_559, %dma_start3A_560] : memref<1280x32xf32, #tpu.memory_space<vmem>> -> memref<128x32xf32, #tpu.memory_space<vmem>>
    %dma_start3A_562 = arith.constant 0 : i32
    %dma_start3A_563 = arith.constant 0 : i32
    %dma_start3A_564 = tpu.memref_slice %arg5[%dma_start3A_552, %dma_start3A_562, %dma_start3A_563] : memref<2x10x128xi32, #tpu.memory_space<vmem>> -> memref<1x10x128xi32, #tpu.memory_space<vmem>>
    %dma_start3A_565 = tpu.memref_squeeze %dma_start3A_564 : memref<1x10x128xi32, #tpu.memory_space<vmem>> -> memref<10x128xi32, #tpu.memory_space<vmem>>
    %dma_start3A_566 = arith.constant 0 : i32
    %dma_start3A_567 = tpu.memref_slice %dma_start3A_565[%dma_start3A_553, %dma_start3A_566] : memref<10x128xi32, #tpu.memory_space<vmem>> -> memref<1x128xi32, #tpu.memory_space<vmem>>
    %dma_start3A_568 = tpu.memref_squeeze %dma_start3A_567 : memref<1x128xi32, #tpu.memory_space<vmem>> -> memref<128xi32, #tpu.memory_space<vmem>>
    %dma_start3A_569 = arith.constant 0 : i32
    %dma_start3A_570 = arith.constant 0 : i32
    %dma_start3A_571 = tpu.memref_slice %arg2[%dma_start3A_569, %dma_start3A_570] : memref<1000000x32xf32, #tpu.memory_space<hbm>> -> memref<1000000x32xf32, #tpu.memory_space<hbm>>
    tpu.enqueue_indirect_dma source(%dma_start3A_571 : memref<1000000x32xf32, #tpu.memory_space<hbm>>) target(%dma_start3A_561 : memref<128x32xf32, #tpu.memory_space<vmem>>) offsets(%dma_start3A_568 : memref<128xi32, #tpu.memory_space<vmem>>) semaphore(%arg10 : memref<!tpu.dma_semaphore, #tpu.memory_space<semaphore_mem>>)
    %dma_start3A_572 = arith.constant 1 : i32
    %dma_start3A_573 = arith.constant 3 : i32
    %dma_start3A_574 = arith.constant 1 : i32
    %dma_start3A_575 = arith.constant 0 : i32
    %dma_start3A_576 = arith.constant 0 : i32
    %dma_start3A_577 = tpu.memref_slice %arg6[%dma_start3A_574, %dma_start3A_575, %dma_start3A_576] : memref<2x1280x32xf32, #tpu.memory_space<vmem>> -> memref<1x1280x32xf32, #tpu.memory_space<vmem>>
    %dma_start3A_578 = tpu.memref_squeeze %dma_start3A_577 : memref<1x1280x32xf32, #tpu.memory_space<vmem>> -> memref<1280x32xf32, #tpu.memory_space<vmem>>
    %dma_start3A_579 = arith.constant 384 : i32
    %dma_start3A_580 = arith.constant 0 : i32
    %dma_start3A_581 = tpu.memref_slice %dma_start3A_578[%dma_start3A_579, %dma_start3A_580] : memref<1280x32xf32, #tpu.memory_space<vmem>> -> memref<128x32xf32, #tpu.memory_space<vmem>>
    %dma_start3A_582 = arith.constant 0 : i32
    %dma_start3A_583 = arith.constant 0 : i32
    %dma_start3A_584 = tpu.memref_slice %arg5[%dma_start3A_572, %dma_start3A_582, %dma_start3A_583] : memref<2x10x128xi32, #tpu.memory_space<vmem>> -> memref<1x10x128xi32, #tpu.memory_space<vmem>>
    %dma_start3A_585 = tpu.memref_squeeze %dma_start3A_584 : memref<1x10x128xi32, #tpu.memory_space<vmem>> -> memref<10x128xi32, #tpu.memory_space<vmem>>
    %dma_start3A_586 = arith.constant 0 : i32
    %dma_start3A_587 = tpu.memref_slice %dma_start3A_585[%dma_start3A_573, %dma_start3A_586] : memref<10x128xi32, #tpu.memory_space<vmem>> -> memref<1x128xi32, #tpu.memory_space<vmem>>
    %dma_start3A_588 = tpu.memref_squeeze %dma_start3A_587 : memref<1x128xi32, #tpu.memory_space<vmem>> -> memref<128xi32, #tpu.memory_space<vmem>>
    %dma_start3A_589 = arith.constant 0 : i32
    %dma_start3A_590 = arith.constant 0 : i32
    %dma_start3A_591 = tpu.memref_slice %arg2[%dma_start3A_589, %dma_start3A_590] : memref<1000000x32xf32, #tpu.memory_space<hbm>> -> memref<1000000x32xf32, #tpu.memory_space<hbm>>
    tpu.enqueue_indirect_dma source(%dma_start3A_591 : memref<1000000x32xf32, #tpu.memory_space<hbm>>) target(%dma_start3A_581 : memref<128x32xf32, #tpu.memory_space<vmem>>) offsets(%dma_start3A_588 : memref<128xi32, #tpu.memory_space<vmem>>) semaphore(%arg10 : memref<!tpu.dma_semaphore, #tpu.memory_space<semaphore_mem>>)
    %dma_start3A_592 = arith.constant 1 : i32
    %dma_start3A_593 = arith.constant 4 : i32
    %dma_start3A_594 = arith.constant 1 : i32
    %dma_start3A_595 = arith.constant 0 : i32
    %dma_start3A_596 = arith.constant 0 : i32
    %dma_start3A_597 = tpu.memref_slice %arg6[%dma_start3A_594, %dma_start3A_595, %dma_start3A_596] : memref<2x1280x32xf32, #tpu.memory_space<vmem>> -> memref<1x1280x32xf32, #tpu.memory_space<vmem>>
    %dma_start3A_598 = tpu.memref_squeeze %dma_start3A_597 : memref<1x1280x32xf32, #tpu.memory_space<vmem>> -> memref<1280x32xf32, #tpu.memory_space<vmem>>
    %dma_start3A_599 = arith.constant 512 : i32
    %dma_start3A_600 = arith.constant 0 : i32
    %dma_start3A_601 = tpu.memref_slice %dma_start3A_598[%dma_start3A_599, %dma_start3A_600] : memref<1280x32xf32, #tpu.memory_space<vmem>> -> memref<128x32xf32, #tpu.memory_space<vmem>>
    %dma_start3A_602 = arith.constant 0 : i32
    %dma_start3A_603 = arith.constant 0 : i32
    %dma_start3A_604 = tpu.memref_slice %arg5[%dma_start3A_592, %dma_start3A_602, %dma_start3A_603] : memref<2x10x128xi32, #tpu.memory_space<vmem>> -> memref<1x10x128xi32, #tpu.memory_space<vmem>>
    %dma_start3A_605 = tpu.memref_squeeze %dma_start3A_604 : memref<1x10x128xi32, #tpu.memory_space<vmem>> -> memref<10x128xi32, #tpu.memory_space<vmem>>
    %dma_start3A_606 = arith.constant 0 : i32
    %dma_start3A_607 = tpu.memref_slice %dma_start3A_605[%dma_start3A_593, %dma_start3A_606] : memref<10x128xi32, #tpu.memory_space<vmem>> -> memref<1x128xi32, #tpu.memory_space<vmem>>
    %dma_start3A_608 = tpu.memref_squeeze %dma_start3A_607 : memref<1x128xi32, #tpu.memory_space<vmem>> -> memref<128xi32, #tpu.memory_space<vmem>>
    %dma_start3A_609 = arith.constant 0 : i32
    %dma_start3A_610 = arith.constant 0 : i32
    %dma_start3A_611 = tpu.memref_slice %arg2[%dma_start3A_609, %dma_start3A_610] : memref<1000000x32xf32, #tpu.memory_space<hbm>> -> memref<1000000x32xf32, #tpu.memory_space<hbm>>
    tpu.enqueue_indirect_dma source(%dma_start3A_611 : memref<1000000x32xf32, #tpu.memory_space<hbm>>) target(%dma_start3A_601 : memref<128x32xf32, #tpu.memory_space<vmem>>) offsets(%dma_start3A_608 : memref<128xi32, #tpu.memory_space<vmem>>) semaphore(%arg10 : memref<!tpu.dma_semaphore, #tpu.memory_space<semaphore_mem>>)
    %dma_start3A_612 = arith.constant 1 : i32
    %dma_start3A_613 = arith.constant 5 : i32
    %dma_start3A_614 = arith.constant 1 : i32
    %dma_start3A_615 = arith.constant 0 : i32
    %dma_start3A_616 = arith.constant 0 : i32
    %dma_start3A_617 = tpu.memref_slice %arg6[%dma_start3A_614, %dma_start3A_615, %dma_start3A_616] : memref<2x1280x32xf32, #tpu.memory_space<vmem>> -> memref<1x1280x32xf32, #tpu.memory_space<vmem>>
    %dma_start3A_618 = tpu.memref_squeeze %dma_start3A_617 : memref<1x1280x32xf32, #tpu.memory_space<vmem>> -> memref<1280x32xf32, #tpu.memory_space<vmem>>
    %dma_start3A_619 = arith.constant 640 : i32
    %dma_start3A_620 = arith.constant 0 : i32
    %dma_start3A_621 = tpu.memref_slice %dma_start3A_618[%dma_start3A_619, %dma_start3A_620] : memref<1280x32xf32, #tpu.memory_space<vmem>> -> memref<128x32xf32, #tpu.memory_space<vmem>>
    %dma_start3A_622 = arith.constant 0 : i32
    %dma_start3A_623 = arith.constant 0 : i32
    %dma_start3A_624 = tpu.memref_slice %arg5[%dma_start3A_612, %dma_start3A_622, %dma_start3A_623] : memref<2x10x128xi32, #tpu.memory_space<vmem>> -> memref<1x10x128xi32, #tpu.memory_space<vmem>>
    %dma_start3A_625 = tpu.memref_squeeze %dma_start3A_624 : memref<1x10x128xi32, #tpu.memory_space<vmem>> -> memref<10x128xi32, #tpu.memory_space<vmem>>
    %dma_start3A_626 = arith.constant 0 : i32
    %dma_start3A_627 = tpu.memref_slice %dma_start3A_625[%dma_start3A_613, %dma_start3A_626] : memref<10x128xi32, #tpu.memory_space<vmem>> -> memref<1x128xi32, #tpu.memory_space<vmem>>
    %dma_start3A_628 = tpu.memref_squeeze %dma_start3A_627 : memref<1x128xi32, #tpu.memory_space<vmem>> -> memref<128xi32, #tpu.memory_space<vmem>>
    %dma_start3A_629 = arith.constant 0 : i32
    %dma_start3A_630 = arith.constant 0 : i32
    %dma_start3A_631 = tpu.memref_slice %arg2[%dma_start3A_629, %dma_start3A_630] : memref<1000000x32xf32, #tpu.memory_space<hbm>> -> memref<1000000x32xf32, #tpu.memory_space<hbm>>
    tpu.enqueue_indirect_dma source(%dma_start3A_631 : memref<1000000x32xf32, #tpu.memory_space<hbm>>) target(%dma_start3A_621 : memref<128x32xf32, #tpu.memory_space<vmem>>) offsets(%dma_start3A_628 : memref<128xi32, #tpu.memory_space<vmem>>) semaphore(%arg10 : memref<!tpu.dma_semaphore, #tpu.memory_space<semaphore_mem>>)
    %dma_start3A_632 = arith.constant 1 : i32
    %dma_start3A_633 = arith.constant 6 : i32
    %dma_start3A_634 = arith.constant 1 : i32
    %dma_start3A_635 = arith.constant 0 : i32
    %dma_start3A_636 = arith.constant 0 : i32
    %dma_start3A_637 = tpu.memref_slice %arg6[%dma_start3A_634, %dma_start3A_635, %dma_start3A_636] : memref<2x1280x32xf32, #tpu.memory_space<vmem>> -> memref<1x1280x32xf32, #tpu.memory_space<vmem>>
    %dma_start3A_638 = tpu.memref_squeeze %dma_start3A_637 : memref<1x1280x32xf32, #tpu.memory_space<vmem>> -> memref<1280x32xf32, #tpu.memory_space<vmem>>
    %dma_start3A_639 = arith.constant 768 : i32
    %dma_start3A_640 = arith.constant 0 : i32
    %dma_start3A_641 = tpu.memref_slice %dma_start3A_638[%dma_start3A_639, %dma_start3A_640] : memref<1280x32xf32, #tpu.memory_space<vmem>> -> memref<128x32xf32, #tpu.memory_space<vmem>>
    %dma_start3A_642 = arith.constant 0 : i32
    %dma_start3A_643 = arith.constant 0 : i32
    %dma_start3A_644 = tpu.memref_slice %arg5[%dma_start3A_632, %dma_start3A_642, %dma_start3A_643] : memref<2x10x128xi32, #tpu.memory_space<vmem>> -> memref<1x10x128xi32, #tpu.memory_space<vmem>>
    %dma_start3A_645 = tpu.memref_squeeze %dma_start3A_644 : memref<1x10x128xi32, #tpu.memory_space<vmem>> -> memref<10x128xi32, #tpu.memory_space<vmem>>
    %dma_start3A_646 = arith.constant 0 : i32
    %dma_start3A_647 = tpu.memref_slice %dma_start3A_645[%dma_start3A_633, %dma_start3A_646] : memref<10x128xi32, #tpu.memory_space<vmem>> -> memref<1x128xi32, #tpu.memory_space<vmem>>
    %dma_start3A_648 = tpu.memref_squeeze %dma_start3A_647 : memref<1x128xi32, #tpu.memory_space<vmem>> -> memref<128xi32, #tpu.memory_space<vmem>>
    %dma_start3A_649 = arith.constant 0 : i32
    %dma_start3A_650 = arith.constant 0 : i32
    %dma_start3A_651 = tpu.memref_slice %arg2[%dma_start3A_649, %dma_start3A_650] : memref<1000000x32xf32, #tpu.memory_space<hbm>> -> memref<1000000x32xf32, #tpu.memory_space<hbm>>
    tpu.enqueue_indirect_dma source(%dma_start3A_651 : memref<1000000x32xf32, #tpu.memory_space<hbm>>) target(%dma_start3A_641 : memref<128x32xf32, #tpu.memory_space<vmem>>) offsets(%dma_start3A_648 : memref<128xi32, #tpu.memory_space<vmem>>) semaphore(%arg10 : memref<!tpu.dma_semaphore, #tpu.memory_space<semaphore_mem>>)
    %dma_start3A_652 = arith.constant 1 : i32
    %dma_start3A_653 = arith.constant 7 : i32
    %dma_start3A_654 = arith.constant 1 : i32
    %dma_start3A_655 = arith.constant 0 : i32
    %dma_start3A_656 = arith.constant 0 : i32
    %dma_start3A_657 = tpu.memref_slice %arg6[%dma_start3A_654, %dma_start3A_655, %dma_start3A_656] : memref<2x1280x32xf32, #tpu.memory_space<vmem>> -> memref<1x1280x32xf32, #tpu.memory_space<vmem>>
    %dma_start3A_658 = tpu.memref_squeeze %dma_start3A_657 : memref<1x1280x32xf32, #tpu.memory_space<vmem>> -> memref<1280x32xf32, #tpu.memory_space<vmem>>
    %dma_start3A_659 = arith.constant 896 : i32
    %dma_start3A_660 = arith.constant 0 : i32
    %dma_start3A_661 = tpu.memref_slice %dma_start3A_658[%dma_start3A_659, %dma_start3A_660] : memref<1280x32xf32, #tpu.memory_space<vmem>> -> memref<128x32xf32, #tpu.memory_space<vmem>>
    %dma_start3A_662 = arith.constant 0 : i32
    %dma_start3A_663 = arith.constant 0 : i32
    %dma_start3A_664 = tpu.memref_slice %arg5[%dma_start3A_652, %dma_start3A_662, %dma_start3A_663] : memref<2x10x128xi32, #tpu.memory_space<vmem>> -> memref<1x10x128xi32, #tpu.memory_space<vmem>>
    %dma_start3A_665 = tpu.memref_squeeze %dma_start3A_664 : memref<1x10x128xi32, #tpu.memory_space<vmem>> -> memref<10x128xi32, #tpu.memory_space<vmem>>
    %dma_start3A_666 = arith.constant 0 : i32
    %dma_start3A_667 = tpu.memref_slice %dma_start3A_665[%dma_start3A_653, %dma_start3A_666] : memref<10x128xi32, #tpu.memory_space<vmem>> -> memref<1x128xi32, #tpu.memory_space<vmem>>
    %dma_start3A_668 = tpu.memref_squeeze %dma_start3A_667 : memref<1x128xi32, #tpu.memory_space<vmem>> -> memref<128xi32, #tpu.memory_space<vmem>>
    %dma_start3A_669 = arith.constant 0 : i32
    %dma_start3A_670 = arith.constant 0 : i32
    %dma_start3A_671 = tpu.memref_slice %arg2[%dma_start3A_669, %dma_start3A_670] : memref<1000000x32xf32, #tpu.memory_space<hbm>> -> memref<1000000x32xf32, #tpu.memory_space<hbm>>
    tpu.enqueue_indirect_dma source(%dma_start3A_671 : memref<1000000x32xf32, #tpu.memory_space<hbm>>) target(%dma_start3A_661 : memref<128x32xf32, #tpu.memory_space<vmem>>) offsets(%dma_start3A_668 : memref<128xi32, #tpu.memory_space<vmem>>) semaphore(%arg10 : memref<!tpu.dma_semaphore, #tpu.memory_space<semaphore_mem>>)
    %dma_start3A_672 = arith.constant 1 : i32
    %dma_start3A_673 = arith.constant 8 : i32
    %dma_start3A_674 = arith.constant 1 : i32
    %dma_start3A_675 = arith.constant 0 : i32
    %dma_start3A_676 = arith.constant 0 : i32
    %dma_start3A_677 = tpu.memref_slice %arg6[%dma_start3A_674, %dma_start3A_675, %dma_start3A_676] : memref<2x1280x32xf32, #tpu.memory_space<vmem>> -> memref<1x1280x32xf32, #tpu.memory_space<vmem>>
    %dma_start3A_678 = tpu.memref_squeeze %dma_start3A_677 : memref<1x1280x32xf32, #tpu.memory_space<vmem>> -> memref<1280x32xf32, #tpu.memory_space<vmem>>
    %dma_start3A_679 = arith.constant 1024 : i32
    %dma_start3A_680 = arith.constant 0 : i32
    %dma_start3A_681 = tpu.memref_slice %dma_start3A_678[%dma_start3A_679, %dma_start3A_680] : memref<1280x32xf32, #tpu.memory_space<vmem>> -> memref<128x32xf32, #tpu.memory_space<vmem>>
    %dma_start3A_682 = arith.constant 0 : i32
    %dma_start3A_683 = arith.constant 0 : i32
    %dma_start3A_684 = tpu.memref_slice %arg5[%dma_start3A_672, %dma_start3A_682, %dma_start3A_683] : memref<2x10x128xi32, #tpu.memory_space<vmem>> -> memref<1x10x128xi32, #tpu.memory_space<vmem>>
    %dma_start3A_685 = tpu.memref_squeeze %dma_start3A_684 : memref<1x10x128xi32, #tpu.memory_space<vmem>> -> memref<10x128xi32, #tpu.memory_space<vmem>>
    %dma_start3A_686 = arith.constant 0 : i32
    %dma_start3A_687 = tpu.memref_slice %dma_start3A_685[%dma_start3A_673, %dma_start3A_686] : memref<10x128xi32, #tpu.memory_space<vmem>> -> memref<1x128xi32, #tpu.memory_space<vmem>>
    %dma_start3A_688 = tpu.memref_squeeze %dma_start3A_687 : memref<1x128xi32, #tpu.memory_space<vmem>> -> memref<128xi32, #tpu.memory_space<vmem>>
    %dma_start3A_689 = arith.constant 0 : i32
    %dma_start3A_690 = arith.constant 0 : i32
    %dma_start3A_691 = tpu.memref_slice %arg2[%dma_start3A_689, %dma_start3A_690] : memref<1000000x32xf32, #tpu.memory_space<hbm>> -> memref<1000000x32xf32, #tpu.memory_space<hbm>>
    tpu.enqueue_indirect_dma source(%dma_start3A_691 : memref<1000000x32xf32, #tpu.memory_space<hbm>>) target(%dma_start3A_681 : memref<128x32xf32, #tpu.memory_space<vmem>>) offsets(%dma_start3A_688 : memref<128xi32, #tpu.memory_space<vmem>>) semaphore(%arg10 : memref<!tpu.dma_semaphore, #tpu.memory_space<semaphore_mem>>)
    %dma_start3A_692 = arith.constant 1 : i32
    %dma_start3A_693 = arith.constant 9 : i32
    %dma_start3A_694 = arith.constant 1 : i32
    %dma_start3A_695 = arith.constant 0 : i32
    %dma_start3A_696 = arith.constant 0 : i32
    %dma_start3A_697 = tpu.memref_slice %arg6[%dma_start3A_694, %dma_start3A_695, %dma_start3A_696] : memref<2x1280x32xf32, #tpu.memory_space<vmem>> -> memref<1x1280x32xf32, #tpu.memory_space<vmem>>
    %dma_start3A_698 = tpu.memref_squeeze %dma_start3A_697 : memref<1x1280x32xf32, #tpu.memory_space<vmem>> -> memref<1280x32xf32, #tpu.memory_space<vmem>>
    %dma_start3A_699 = arith.constant 1152 : i32
    %dma_start3A_700 = arith.constant 0 : i32
    %dma_start3A_701 = tpu.memref_slice %dma_start3A_698[%dma_start3A_699, %dma_start3A_700] : memref<1280x32xf32, #tpu.memory_space<vmem>> -> memref<128x32xf32, #tpu.memory_space<vmem>>
    %dma_start3A_702 = arith.constant 0 : i32
    %dma_start3A_703 = arith.constant 0 : i32
    %dma_start3A_704 = tpu.memref_slice %arg5[%dma_start3A_692, %dma_start3A_702, %dma_start3A_703] : memref<2x10x128xi32, #tpu.memory_space<vmem>> -> memref<1x10x128xi32, #tpu.memory_space<vmem>>
    %dma_start3A_705 = tpu.memref_squeeze %dma_start3A_704 : memref<1x10x128xi32, #tpu.memory_space<vmem>> -> memref<10x128xi32, #tpu.memory_space<vmem>>
    %dma_start3A_706 = arith.constant 0 : i32
    %dma_start3A_707 = tpu.memref_slice %dma_start3A_705[%dma_start3A_693, %dma_start3A_706] : memref<10x128xi32, #tpu.memory_space<vmem>> -> memref<1x128xi32, #tpu.memory_space<vmem>>
    %dma_start3A_708 = tpu.memref_squeeze %dma_start3A_707 : memref<1x128xi32, #tpu.memory_space<vmem>> -> memref<128xi32, #tpu.memory_space<vmem>>
    %dma_start3A_709 = arith.constant 0 : i32
    %dma_start3A_710 = arith.constant 0 : i32
    %dma_start3A_711 = tpu.memref_slice %arg2[%dma_start3A_709, %dma_start3A_710] : memref<1000000x32xf32, #tpu.memory_space<hbm>> -> memref<1000000x32xf32, #tpu.memory_space<hbm>>
    tpu.enqueue_indirect_dma source(%dma_start3A_711 : memref<1000000x32xf32, #tpu.memory_space<hbm>>) target(%dma_start3A_701 : memref<128x32xf32, #tpu.memory_space<vmem>>) offsets(%dma_start3A_708 : memref<128xi32, #tpu.memory_space<vmem>>) semaphore(%arg10 : memref<!tpu.dma_semaphore, #tpu.memory_space<semaphore_mem>>)
    %dma_wait3A_712 = arith.constant 1 : i32
    %dma_wait3A_713 = arith.constant 0 : i32
    %dma_wait3A_714 = arith.constant 1 : i32
    %dma_wait3A_715 = arith.constant 0 : i32
    %dma_wait3A_716 = arith.constant 0 : i32
    %dma_wait3A_717 = tpu.memref_slice %arg6[%dma_wait3A_714, %dma_wait3A_715, %dma_wait3A_716] : memref<2x1280x32xf32, #tpu.memory_space<vmem>> -> memref<1x1280x32xf32, #tpu.memory_space<vmem>>
    %dma_wait3A_718 = tpu.memref_squeeze %dma_wait3A_717 : memref<1x1280x32xf32, #tpu.memory_space<vmem>> -> memref<1280x32xf32, #tpu.memory_space<vmem>>
    %dma_wait3A_719 = arith.constant 0 : i32
    %dma_wait3A_720 = arith.constant 0 : i32
    %dma_wait3A_721 = tpu.memref_slice %dma_wait3A_718[%dma_wait3A_719, %dma_wait3A_720] : memref<1280x32xf32, #tpu.memory_space<vmem>> -> memref<128x32xf32, #tpu.memory_space<vmem>>
    %dma_wait3A_722 = arith.constant 0 : i32
    %dma_wait3A_723 = arith.constant 0 : i32
    %dma_wait3A_724 = tpu.memref_slice %arg5[%dma_wait3A_712, %dma_wait3A_722, %dma_wait3A_723] : memref<2x10x128xi32, #tpu.memory_space<vmem>> -> memref<1x10x128xi32, #tpu.memory_space<vmem>>
    %dma_wait3A_725 = tpu.memref_squeeze %dma_wait3A_724 : memref<1x10x128xi32, #tpu.memory_space<vmem>> -> memref<10x128xi32, #tpu.memory_space<vmem>>
    %dma_wait3A_726 = arith.constant 0 : i32
    %dma_wait3A_727 = tpu.memref_slice %dma_wait3A_725[%dma_wait3A_713, %dma_wait3A_726] : memref<10x128xi32, #tpu.memory_space<vmem>> -> memref<1x128xi32, #tpu.memory_space<vmem>>
    %dma_wait3A_728 = tpu.memref_squeeze %dma_wait3A_727 : memref<1x128xi32, #tpu.memory_space<vmem>> -> memref<128xi32, #tpu.memory_space<vmem>>
    %dma_wait3A_729 = arith.constant 0 : i32
    %dma_wait3A_730 = arith.constant 0 : i32
    %dma_wait3A_731 = tpu.memref_slice %arg2[%dma_wait3A_729, %dma_wait3A_730] : memref<1000000x32xf32, #tpu.memory_space<hbm>> -> memref<1000000x32xf32, #tpu.memory_space<hbm>>
    tpu.wait_indirect_dma semaphore(%arg10 : memref<!tpu.dma_semaphore, #tpu.memory_space<semaphore_mem>>) src(%dma_wait3A_731 : memref<1000000x32xf32, #tpu.memory_space<hbm>>) dst(%dma_wait3A_721 : memref<128x32xf32, #tpu.memory_space<vmem>>)
    %dma_wait3A_732 = arith.constant 1 : i32
    %dma_wait3A_733 = arith.constant 1 : i32
    %dma_wait3A_734 = arith.constant 1 : i32
    %dma_wait3A_735 = arith.constant 0 : i32
    %dma_wait3A_736 = arith.constant 0 : i32
    %dma_wait3A_737 = tpu.memref_slice %arg6[%dma_wait3A_734, %dma_wait3A_735, %dma_wait3A_736] : memref<2x1280x32xf32, #tpu.memory_space<vmem>> -> memref<1x1280x32xf32, #tpu.memory_space<vmem>>
    %dma_wait3A_738 = tpu.memref_squeeze %dma_wait3A_737 : memref<1x1280x32xf32, #tpu.memory_space<vmem>> -> memref<1280x32xf32, #tpu.memory_space<vmem>>
    %dma_wait3A_739 = arith.constant 128 : i32
    %dma_wait3A_740 = arith.constant 0 : i32
    %dma_wait3A_741 = tpu.memref_slice %dma_wait3A_738[%dma_wait3A_739, %dma_wait3A_740] : memref<1280x32xf32, #tpu.memory_space<vmem>> -> memref<128x32xf32, #tpu.memory_space<vmem>>
    %dma_wait3A_742 = arith.constant 0 : i32
    %dma_wait3A_743 = arith.constant 0 : i32
    %dma_wait3A_744 = tpu.memref_slice %arg5[%dma_wait3A_732, %dma_wait3A_742, %dma_wait3A_743] : memref<2x10x128xi32, #tpu.memory_space<vmem>> -> memref<1x10x128xi32, #tpu.memory_space<vmem>>
    %dma_wait3A_745 = tpu.memref_squeeze %dma_wait3A_744 : memref<1x10x128xi32, #tpu.memory_space<vmem>> -> memref<10x128xi32, #tpu.memory_space<vmem>>
    %dma_wait3A_746 = arith.constant 0 : i32
    %dma_wait3A_747 = tpu.memref_slice %dma_wait3A_745[%dma_wait3A_733, %dma_wait3A_746] : memref<10x128xi32, #tpu.memory_space<vmem>> -> memref<1x128xi32, #tpu.memory_space<vmem>>
    %dma_wait3A_748 = tpu.memref_squeeze %dma_wait3A_747 : memref<1x128xi32, #tpu.memory_space<vmem>> -> memref<128xi32, #tpu.memory_space<vmem>>
    %dma_wait3A_749 = arith.constant 0 : i32
    %dma_wait3A_750 = arith.constant 0 : i32
    %dma_wait3A_751 = tpu.memref_slice %arg2[%dma_wait3A_749, %dma_wait3A_750] : memref<1000000x32xf32, #tpu.memory_space<hbm>> -> memref<1000000x32xf32, #tpu.memory_space<hbm>>
    tpu.wait_indirect_dma semaphore(%arg10 : memref<!tpu.dma_semaphore, #tpu.memory_space<semaphore_mem>>) src(%dma_wait3A_751 : memref<1000000x32xf32, #tpu.memory_space<hbm>>) dst(%dma_wait3A_741 : memref<128x32xf32, #tpu.memory_space<vmem>>)
    %dma_wait3A_752 = arith.constant 1 : i32
    %dma_wait3A_753 = arith.constant 2 : i32
    %dma_wait3A_754 = arith.constant 1 : i32
    %dma_wait3A_755 = arith.constant 0 : i32
    %dma_wait3A_756 = arith.constant 0 : i32
    %dma_wait3A_757 = tpu.memref_slice %arg6[%dma_wait3A_754, %dma_wait3A_755, %dma_wait3A_756] : memref<2x1280x32xf32, #tpu.memory_space<vmem>> -> memref<1x1280x32xf32, #tpu.memory_space<vmem>>
    %dma_wait3A_758 = tpu.memref_squeeze %dma_wait3A_757 : memref<1x1280x32xf32, #tpu.memory_space<vmem>> -> memref<1280x32xf32, #tpu.memory_space<vmem>>
    %dma_wait3A_759 = arith.constant 256 : i32
    %dma_wait3A_760 = arith.constant 0 : i32
    %dma_wait3A_761 = tpu.memref_slice %dma_wait3A_758[%dma_wait3A_759, %dma_wait3A_760] : memref<1280x32xf32, #tpu.memory_space<vmem>> -> memref<128x32xf32, #tpu.memory_space<vmem>>
    %dma_wait3A_762 = arith.constant 0 : i32
    %dma_wait3A_763 = arith.constant 0 : i32
    %dma_wait3A_764 = tpu.memref_slice %arg5[%dma_wait3A_752, %dma_wait3A_762, %dma_wait3A_763] : memref<2x10x128xi32, #tpu.memory_space<vmem>> -> memref<1x10x128xi32, #tpu.memory_space<vmem>>
    %dma_wait3A_765 = tpu.memref_squeeze %dma_wait3A_764 : memref<1x10x128xi32, #tpu.memory_space<vmem>> -> memref<10x128xi32, #tpu.memory_space<vmem>>
    %dma_wait3A_766 = arith.constant 0 : i32
    %dma_wait3A_767 = tpu.memref_slice %dma_wait3A_765[%dma_wait3A_753, %dma_wait3A_766] : memref<10x128xi32, #tpu.memory_space<vmem>> -> memref<1x128xi32, #tpu.memory_space<vmem>>
    %dma_wait3A_768 = tpu.memref_squeeze %dma_wait3A_767 : memref<1x128xi32, #tpu.memory_space<vmem>> -> memref<128xi32, #tpu.memory_space<vmem>>
    %dma_wait3A_769 = arith.constant 0 : i32
    %dma_wait3A_770 = arith.constant 0 : i32
    %dma_wait3A_771 = tpu.memref_slice %arg2[%dma_wait3A_769, %dma_wait3A_770] : memref<1000000x32xf32, #tpu.memory_space<hbm>> -> memref<1000000x32xf32, #tpu.memory_space<hbm>>
    tpu.wait_indirect_dma semaphore(%arg10 : memref<!tpu.dma_semaphore, #tpu.memory_space<semaphore_mem>>) src(%dma_wait3A_771 : memref<1000000x32xf32, #tpu.memory_space<hbm>>) dst(%dma_wait3A_761 : memref<128x32xf32, #tpu.memory_space<vmem>>)
    %dma_wait3A_772 = arith.constant 1 : i32
    %dma_wait3A_773 = arith.constant 3 : i32
    %dma_wait3A_774 = arith.constant 1 : i32
    %dma_wait3A_775 = arith.constant 0 : i32
    %dma_wait3A_776 = arith.constant 0 : i32
    %dma_wait3A_777 = tpu.memref_slice %arg6[%dma_wait3A_774, %dma_wait3A_775, %dma_wait3A_776] : memref<2x1280x32xf32, #tpu.memory_space<vmem>> -> memref<1x1280x32xf32, #tpu.memory_space<vmem>>
    %dma_wait3A_778 = tpu.memref_squeeze %dma_wait3A_777 : memref<1x1280x32xf32, #tpu.memory_space<vmem>> -> memref<1280x32xf32, #tpu.memory_space<vmem>>
    %dma_wait3A_779 = arith.constant 384 : i32
    %dma_wait3A_780 = arith.constant 0 : i32
    %dma_wait3A_781 = tpu.memref_slice %dma_wait3A_778[%dma_wait3A_779, %dma_wait3A_780] : memref<1280x32xf32, #tpu.memory_space<vmem>> -> memref<128x32xf32, #tpu.memory_space<vmem>>
    %dma_wait3A_782 = arith.constant 0 : i32
    %dma_wait3A_783 = arith.constant 0 : i32
    %dma_wait3A_784 = tpu.memref_slice %arg5[%dma_wait3A_772, %dma_wait3A_782, %dma_wait3A_783] : memref<2x10x128xi32, #tpu.memory_space<vmem>> -> memref<1x10x128xi32, #tpu.memory_space<vmem>>
    %dma_wait3A_785 = tpu.memref_squeeze %dma_wait3A_784 : memref<1x10x128xi32, #tpu.memory_space<vmem>> -> memref<10x128xi32, #tpu.memory_space<vmem>>
    %dma_wait3A_786 = arith.constant 0 : i32
    %dma_wait3A_787 = tpu.memref_slice %dma_wait3A_785[%dma_wait3A_773, %dma_wait3A_786] : memref<10x128xi32, #tpu.memory_space<vmem>> -> memref<1x128xi32, #tpu.memory_space<vmem>>
    %dma_wait3A_788 = tpu.memref_squeeze %dma_wait3A_787 : memref<1x128xi32, #tpu.memory_space<vmem>> -> memref<128xi32, #tpu.memory_space<vmem>>
    %dma_wait3A_789 = arith.constant 0 : i32
    %dma_wait3A_790 = arith.constant 0 : i32
    %dma_wait3A_791 = tpu.memref_slice %arg2[%dma_wait3A_789, %dma_wait3A_790] : memref<1000000x32xf32, #tpu.memory_space<hbm>> -> memref<1000000x32xf32, #tpu.memory_space<hbm>>
    tpu.wait_indirect_dma semaphore(%arg10 : memref<!tpu.dma_semaphore, #tpu.memory_space<semaphore_mem>>) src(%dma_wait3A_791 : memref<1000000x32xf32, #tpu.memory_space<hbm>>) dst(%dma_wait3A_781 : memref<128x32xf32, #tpu.memory_space<vmem>>)
    %dma_wait3A_792 = arith.constant 1 : i32
    %dma_wait3A_793 = arith.constant 4 : i32
    %dma_wait3A_794 = arith.constant 1 : i32
    %dma_wait3A_795 = arith.constant 0 : i32
    %dma_wait3A_796 = arith.constant 0 : i32
    %dma_wait3A_797 = tpu.memref_slice %arg6[%dma_wait3A_794, %dma_wait3A_795, %dma_wait3A_796] : memref<2x1280x32xf32, #tpu.memory_space<vmem>> -> memref<1x1280x32xf32, #tpu.memory_space<vmem>>
    %dma_wait3A_798 = tpu.memref_squeeze %dma_wait3A_797 : memref<1x1280x32xf32, #tpu.memory_space<vmem>> -> memref<1280x32xf32, #tpu.memory_space<vmem>>
    %dma_wait3A_799 = arith.constant 512 : i32
    %dma_wait3A_800 = arith.constant 0 : i32
    %dma_wait3A_801 = tpu.memref_slice %dma_wait3A_798[%dma_wait3A_799, %dma_wait3A_800] : memref<1280x32xf32, #tpu.memory_space<vmem>> -> memref<128x32xf32, #tpu.memory_space<vmem>>
    %dma_wait3A_802 = arith.constant 0 : i32
    %dma_wait3A_803 = arith.constant 0 : i32
    %dma_wait3A_804 = tpu.memref_slice %arg5[%dma_wait3A_792, %dma_wait3A_802, %dma_wait3A_803] : memref<2x10x128xi32, #tpu.memory_space<vmem>> -> memref<1x10x128xi32, #tpu.memory_space<vmem>>
    %dma_wait3A_805 = tpu.memref_squeeze %dma_wait3A_804 : memref<1x10x128xi32, #tpu.memory_space<vmem>> -> memref<10x128xi32, #tpu.memory_space<vmem>>
    %dma_wait3A_806 = arith.constant 0 : i32
    %dma_wait3A_807 = tpu.memref_slice %dma_wait3A_805[%dma_wait3A_793, %dma_wait3A_806] : memref<10x128xi32, #tpu.memory_space<vmem>> -> memref<1x128xi32, #tpu.memory_space<vmem>>
    %dma_wait3A_808 = tpu.memref_squeeze %dma_wait3A_807 : memref<1x128xi32, #tpu.memory_space<vmem>> -> memref<128xi32, #tpu.memory_space<vmem>>
    %dma_wait3A_809 = arith.constant 0 : i32
    %dma_wait3A_810 = arith.constant 0 : i32
    %dma_wait3A_811 = tpu.memref_slice %arg2[%dma_wait3A_809, %dma_wait3A_810] : memref<1000000x32xf32, #tpu.memory_space<hbm>> -> memref<1000000x32xf32, #tpu.memory_space<hbm>>
    tpu.wait_indirect_dma semaphore(%arg10 : memref<!tpu.dma_semaphore, #tpu.memory_space<semaphore_mem>>) src(%dma_wait3A_811 : memref<1000000x32xf32, #tpu.memory_space<hbm>>) dst(%dma_wait3A_801 : memref<128x32xf32, #tpu.memory_space<vmem>>)
    %dma_wait3A_812 = arith.constant 1 : i32
    %dma_wait3A_813 = arith.constant 5 : i32
    %dma_wait3A_814 = arith.constant 1 : i32
    %dma_wait3A_815 = arith.constant 0 : i32
    %dma_wait3A_816 = arith.constant 0 : i32
    %dma_wait3A_817 = tpu.memref_slice %arg6[%dma_wait3A_814, %dma_wait3A_815, %dma_wait3A_816] : memref<2x1280x32xf32, #tpu.memory_space<vmem>> -> memref<1x1280x32xf32, #tpu.memory_space<vmem>>
    %dma_wait3A_818 = tpu.memref_squeeze %dma_wait3A_817 : memref<1x1280x32xf32, #tpu.memory_space<vmem>> -> memref<1280x32xf32, #tpu.memory_space<vmem>>
    %dma_wait3A_819 = arith.constant 640 : i32
    %dma_wait3A_820 = arith.constant 0 : i32
    %dma_wait3A_821 = tpu.memref_slice %dma_wait3A_818[%dma_wait3A_819, %dma_wait3A_820] : memref<1280x32xf32, #tpu.memory_space<vmem>> -> memref<128x32xf32, #tpu.memory_space<vmem>>
    %dma_wait3A_822 = arith.constant 0 : i32
    %dma_wait3A_823 = arith.constant 0 : i32
    %dma_wait3A_824 = tpu.memref_slice %arg5[%dma_wait3A_812, %dma_wait3A_822, %dma_wait3A_823] : memref<2x10x128xi32, #tpu.memory_space<vmem>> -> memref<1x10x128xi32, #tpu.memory_space<vmem>>
    %dma_wait3A_825 = tpu.memref_squeeze %dma_wait3A_824 : memref<1x10x128xi32, #tpu.memory_space<vmem>> -> memref<10x128xi32, #tpu.memory_space<vmem>>
    %dma_wait3A_826 = arith.constant 0 : i32
    %dma_wait3A_827 = tpu.memref_slice %dma_wait3A_825[%dma_wait3A_813, %dma_wait3A_826] : memref<10x128xi32, #tpu.memory_space<vmem>> -> memref<1x128xi32, #tpu.memory_space<vmem>>
    %dma_wait3A_828 = tpu.memref_squeeze %dma_wait3A_827 : memref<1x128xi32, #tpu.memory_space<vmem>> -> memref<128xi32, #tpu.memory_space<vmem>>
    %dma_wait3A_829 = arith.constant 0 : i32
    %dma_wait3A_830 = arith.constant 0 : i32
    %dma_wait3A_831 = tpu.memref_slice %arg2[%dma_wait3A_829, %dma_wait3A_830] : memref<1000000x32xf32, #tpu.memory_space<hbm>> -> memref<1000000x32xf32, #tpu.memory_space<hbm>>
    tpu.wait_indirect_dma semaphore(%arg10 : memref<!tpu.dma_semaphore, #tpu.memory_space<semaphore_mem>>) src(%dma_wait3A_831 : memref<1000000x32xf32, #tpu.memory_space<hbm>>) dst(%dma_wait3A_821 : memref<128x32xf32, #tpu.memory_space<vmem>>)
    %dma_wait3A_832 = arith.constant 1 : i32
    %dma_wait3A_833 = arith.constant 6 : i32
    %dma_wait3A_834 = arith.constant 1 : i32
    %dma_wait3A_835 = arith.constant 0 : i32
    %dma_wait3A_836 = arith.constant 0 : i32
    %dma_wait3A_837 = tpu.memref_slice %arg6[%dma_wait3A_834, %dma_wait3A_835, %dma_wait3A_836] : memref<2x1280x32xf32, #tpu.memory_space<vmem>> -> memref<1x1280x32xf32, #tpu.memory_space<vmem>>
    %dma_wait3A_838 = tpu.memref_squeeze %dma_wait3A_837 : memref<1x1280x32xf32, #tpu.memory_space<vmem>> -> memref<1280x32xf32, #tpu.memory_space<vmem>>
    %dma_wait3A_839 = arith.constant 768 : i32
    %dma_wait3A_840 = arith.constant 0 : i32
    %dma_wait3A_841 = tpu.memref_slice %dma_wait3A_838[%dma_wait3A_839, %dma_wait3A_840] : memref<1280x32xf32, #tpu.memory_space<vmem>> -> memref<128x32xf32, #tpu.memory_space<vmem>>
    %dma_wait3A_842 = arith.constant 0 : i32
    %dma_wait3A_843 = arith.constant 0 : i32
    %dma_wait3A_844 = tpu.memref_slice %arg5[%dma_wait3A_832, %dma_wait3A_842, %dma_wait3A_843] : memref<2x10x128xi32, #tpu.memory_space<vmem>> -> memref<1x10x128xi32, #tpu.memory_space<vmem>>
    %dma_wait3A_845 = tpu.memref_squeeze %dma_wait3A_844 : memref<1x10x128xi32, #tpu.memory_space<vmem>> -> memref<10x128xi32, #tpu.memory_space<vmem>>
    %dma_wait3A_846 = arith.constant 0 : i32
    %dma_wait3A_847 = tpu.memref_slice %dma_wait3A_845[%dma_wait3A_833, %dma_wait3A_846] : memref<10x128xi32, #tpu.memory_space<vmem>> -> memref<1x128xi32, #tpu.memory_space<vmem>>
    %dma_wait3A_848 = tpu.memref_squeeze %dma_wait3A_847 : memref<1x128xi32, #tpu.memory_space<vmem>> -> memref<128xi32, #tpu.memory_space<vmem>>
    %dma_wait3A_849 = arith.constant 0 : i32
    %dma_wait3A_850 = arith.constant 0 : i32
    %dma_wait3A_851 = tpu.memref_slice %arg2[%dma_wait3A_849, %dma_wait3A_850] : memref<1000000x32xf32, #tpu.memory_space<hbm>> -> memref<1000000x32xf32, #tpu.memory_space<hbm>>
    tpu.wait_indirect_dma semaphore(%arg10 : memref<!tpu.dma_semaphore, #tpu.memory_space<semaphore_mem>>) src(%dma_wait3A_851 : memref<1000000x32xf32, #tpu.memory_space<hbm>>) dst(%dma_wait3A_841 : memref<128x32xf32, #tpu.memory_space<vmem>>)
    %dma_wait3A_852 = arith.constant 1 : i32
    %dma_wait3A_853 = arith.constant 7 : i32
    %dma_wait3A_854 = arith.constant 1 : i32
    %dma_wait3A_855 = arith.constant 0 : i32
    %dma_wait3A_856 = arith.constant 0 : i32
    %dma_wait3A_857 = tpu.memref_slice %arg6[%dma_wait3A_854, %dma_wait3A_855, %dma_wait3A_856] : memref<2x1280x32xf32, #tpu.memory_space<vmem>> -> memref<1x1280x32xf32, #tpu.memory_space<vmem>>
    %dma_wait3A_858 = tpu.memref_squeeze %dma_wait3A_857 : memref<1x1280x32xf32, #tpu.memory_space<vmem>> -> memref<1280x32xf32, #tpu.memory_space<vmem>>
    %dma_wait3A_859 = arith.constant 896 : i32
    %dma_wait3A_860 = arith.constant 0 : i32
    %dma_wait3A_861 = tpu.memref_slice %dma_wait3A_858[%dma_wait3A_859, %dma_wait3A_860] : memref<1280x32xf32, #tpu.memory_space<vmem>> -> memref<128x32xf32, #tpu.memory_space<vmem>>
    %dma_wait3A_862 = arith.constant 0 : i32
    %dma_wait3A_863 = arith.constant 0 : i32
    %dma_wait3A_864 = tpu.memref_slice %arg5[%dma_wait3A_852, %dma_wait3A_862, %dma_wait3A_863] : memref<2x10x128xi32, #tpu.memory_space<vmem>> -> memref<1x10x128xi32, #tpu.memory_space<vmem>>
    %dma_wait3A_865 = tpu.memref_squeeze %dma_wait3A_864 : memref<1x10x128xi32, #tpu.memory_space<vmem>> -> memref<10x128xi32, #tpu.memory_space<vmem>>
    %dma_wait3A_866 = arith.constant 0 : i32
    %dma_wait3A_867 = tpu.memref_slice %dma_wait3A_865[%dma_wait3A_853, %dma_wait3A_866] : memref<10x128xi32, #tpu.memory_space<vmem>> -> memref<1x128xi32, #tpu.memory_space<vmem>>
    %dma_wait3A_868 = tpu.memref_squeeze %dma_wait3A_867 : memref<1x128xi32, #tpu.memory_space<vmem>> -> memref<128xi32, #tpu.memory_space<vmem>>
    %dma_wait3A_869 = arith.constant 0 : i32
    %dma_wait3A_870 = arith.constant 0 : i32
    %dma_wait3A_871 = tpu.memref_slice %arg2[%dma_wait3A_869, %dma_wait3A_870] : memref<1000000x32xf32, #tpu.memory_space<hbm>> -> memref<1000000x32xf32, #tpu.memory_space<hbm>>
    tpu.wait_indirect_dma semaphore(%arg10 : memref<!tpu.dma_semaphore, #tpu.memory_space<semaphore_mem>>) src(%dma_wait3A_871 : memref<1000000x32xf32, #tpu.memory_space<hbm>>) dst(%dma_wait3A_861 : memref<128x32xf32, #tpu.memory_space<vmem>>)
    %dma_wait3A_872 = arith.constant 1 : i32
    %dma_wait3A_873 = arith.constant 8 : i32
    %dma_wait3A_874 = arith.constant 1 : i32
    %dma_wait3A_875 = arith.constant 0 : i32
    %dma_wait3A_876 = arith.constant 0 : i32
    %dma_wait3A_877 = tpu.memref_slice %arg6[%dma_wait3A_874, %dma_wait3A_875, %dma_wait3A_876] : memref<2x1280x32xf32, #tpu.memory_space<vmem>> -> memref<1x1280x32xf32, #tpu.memory_space<vmem>>
    %dma_wait3A_878 = tpu.memref_squeeze %dma_wait3A_877 : memref<1x1280x32xf32, #tpu.memory_space<vmem>> -> memref<1280x32xf32, #tpu.memory_space<vmem>>
    %dma_wait3A_879 = arith.constant 1024 : i32
    %dma_wait3A_880 = arith.constant 0 : i32
    %dma_wait3A_881 = tpu.memref_slice %dma_wait3A_878[%dma_wait3A_879, %dma_wait3A_880] : memref<1280x32xf32, #tpu.memory_space<vmem>> -> memref<128x32xf32, #tpu.memory_space<vmem>>
    %dma_wait3A_882 = arith.constant 0 : i32
    %dma_wait3A_883 = arith.constant 0 : i32
    %dma_wait3A_884 = tpu.memref_slice %arg5[%dma_wait3A_872, %dma_wait3A_882, %dma_wait3A_883] : memref<2x10x128xi32, #tpu.memory_space<vmem>> -> memref<1x10x128xi32, #tpu.memory_space<vmem>>
    %dma_wait3A_885 = tpu.memref_squeeze %dma_wait3A_884 : memref<1x10x128xi32, #tpu.memory_space<vmem>> -> memref<10x128xi32, #tpu.memory_space<vmem>>
    %dma_wait3A_886 = arith.constant 0 : i32
    %dma_wait3A_887 = tpu.memref_slice %dma_wait3A_885[%dma_wait3A_873, %dma_wait3A_886] : memref<10x128xi32, #tpu.memory_space<vmem>> -> memref<1x128xi32, #tpu.memory_space<vmem>>
    %dma_wait3A_888 = tpu.memref_squeeze %dma_wait3A_887 : memref<1x128xi32, #tpu.memory_space<vmem>> -> memref<128xi32, #tpu.memory_space<vmem>>
    %dma_wait3A_889 = arith.constant 0 : i32
    %dma_wait3A_890 = arith.constant 0 : i32
    %dma_wait3A_891 = tpu.memref_slice %arg2[%dma_wait3A_889, %dma_wait3A_890] : memref<1000000x32xf32, #tpu.memory_space<hbm>> -> memref<1000000x32xf32, #tpu.memory_space<hbm>>
    tpu.wait_indirect_dma semaphore(%arg10 : memref<!tpu.dma_semaphore, #tpu.memory_space<semaphore_mem>>) src(%dma_wait3A_891 : memref<1000000x32xf32, #tpu.memory_space<hbm>>) dst(%dma_wait3A_881 : memref<128x32xf32, #tpu.memory_space<vmem>>)
    %dma_wait3A_892 = arith.constant 1 : i32
    %dma_wait3A_893 = arith.constant 9 : i32
    %dma_wait3A_894 = arith.constant 1 : i32
    %dma_wait3A_895 = arith.constant 0 : i32
    %dma_wait3A_896 = arith.constant 0 : i32
    %dma_wait3A_897 = tpu.memref_slice %arg6[%dma_wait3A_894, %dma_wait3A_895, %dma_wait3A_896] : memref<2x1280x32xf32, #tpu.memory_space<vmem>> -> memref<1x1280x32xf32, #tpu.memory_space<vmem>>
    %dma_wait3A_898 = tpu.memref_squeeze %dma_wait3A_897 : memref<1x1280x32xf32, #tpu.memory_space<vmem>> -> memref<1280x32xf32, #tpu.memory_space<vmem>>
    %dma_wait3A_899 = arith.constant 1152 : i32
    %dma_wait3A_900 = arith.constant 0 : i32
    %dma_wait3A_901 = tpu.memref_slice %dma_wait3A_898[%dma_wait3A_899, %dma_wait3A_900] : memref<1280x32xf32, #tpu.memory_space<vmem>> -> memref<128x32xf32, #tpu.memory_space<vmem>>
    %dma_wait3A_902 = arith.constant 0 : i32
    %dma_wait3A_903 = arith.constant 0 : i32
    %dma_wait3A_904 = tpu.memref_slice %arg5[%dma_wait3A_892, %dma_wait3A_902, %dma_wait3A_903] : memref<2x10x128xi32, #tpu.memory_space<vmem>> -> memref<1x10x128xi32, #tpu.memory_space<vmem>>
    %dma_wait3A_905 = tpu.memref_squeeze %dma_wait3A_904 : memref<1x10x128xi32, #tpu.memory_space<vmem>> -> memref<10x128xi32, #tpu.memory_space<vmem>>
    %dma_wait3A_906 = arith.constant 0 : i32
    %dma_wait3A_907 = tpu.memref_slice %dma_wait3A_905[%dma_wait3A_893, %dma_wait3A_906] : memref<10x128xi32, #tpu.memory_space<vmem>> -> memref<1x128xi32, #tpu.memory_space<vmem>>
    %dma_wait3A_908 = tpu.memref_squeeze %dma_wait3A_907 : memref<1x128xi32, #tpu.memory_space<vmem>> -> memref<128xi32, #tpu.memory_space<vmem>>
    %dma_wait3A_909 = arith.constant 0 : i32
    %dma_wait3A_910 = arith.constant 0 : i32
    %dma_wait3A_911 = tpu.memref_slice %arg2[%dma_wait3A_909, %dma_wait3A_910] : memref<1000000x32xf32, #tpu.memory_space<hbm>> -> memref<1000000x32xf32, #tpu.memory_space<hbm>>
    tpu.wait_indirect_dma semaphore(%arg10 : memref<!tpu.dma_semaphore, #tpu.memory_space<semaphore_mem>>) src(%dma_wait3A_911 : memref<1000000x32xf32, #tpu.memory_space<hbm>>) dst(%dma_wait3A_901 : memref<128x32xf32, #tpu.memory_space<vmem>>)
    %min3A_912 = arith.constant 3 : i32
    %min3A_913 = arith.constant 79 : i32
    %min3A_914 = arith.minsi %min3A_912, %min3A_913 : i32
    %mul3A_915 = arith.constant 10 : i32
    %mul3A_916 = arith.muli %min3A_914, %mul3A_915 : i32
    %add3A_917 = arith.addi %mul3A_2, %mul3A_916 : i32
    %dma_start3A_918 = arith.constant 1 : i32
    %dma_start3A_919 = arith.constant 0 : i32
    %dma_start3A_920 = arith.constant 0 : i32
    %dma_start3A_921 = tpu.memref_slice %arg5[%dma_start3A_918, %dma_start3A_919, %dma_start3A_920] : memref<2x10x128xi32, #tpu.memory_space<vmem>> -> memref<1x10x128xi32, #tpu.memory_space<vmem>>
    %dma_start3A_922 = tpu.memref_squeeze %dma_start3A_921 : memref<1x10x128xi32, #tpu.memory_space<vmem>> -> memref<10x128xi32, #tpu.memory_space<vmem>>
    %dma_start3A_923 = arith.constant 0 : i32
    %dma_start3A_924 = tpu.memref_slice %arg3[%add3A_917, %dma_start3A_923] : memref<25600x128xi32, #tpu.memory_space<hbm>> -> memref<10x128xi32, #tpu.memory_space<hbm>>
    %dma_start3A_925 = arith.constant 0 : i32
    %dma_start3A_926 = arith.constant 0 : i32
    %dma_start3A_927 = tpu.memref_slice %arg5[%dma_start3A_918, %dma_start3A_925, %dma_start3A_926] : memref<2x10x128xi32, #tpu.memory_space<vmem>> -> memref<1x10x128xi32, #tpu.memory_space<vmem>>
    %dma_start3A_928 = tpu.memref_squeeze %dma_start3A_927 : memref<1x10x128xi32, #tpu.memory_space<vmem>> -> memref<10x128xi32, #tpu.memory_space<vmem>>
    %dma_start3A_929 = arith.constant 0 : i32
    %dma_start3A_930 = tpu.memref_slice %arg3[%add3A_917, %dma_start3A_929] : memref<25600x128xi32, #tpu.memory_space<hbm>> -> memref<10x128xi32, #tpu.memory_space<hbm>>
    tpu.enqueue_dma source(%dma_start3A_930 : memref<10x128xi32, #tpu.memory_space<hbm>>) target(%dma_start3A_928 : memref<10x128xi32, #tpu.memory_space<vmem>>) target_semaphore(%arg8 : memref<!tpu.dma_semaphore, #tpu.memory_space<semaphore_mem>>)
    %add3A_931 = arith.constant 1280 : i32
    %add3A_932 = arith.addi %mul3A_4, %add3A_931 : i32
    %dma_start3A_933 = arith.constant 1 : i32
    %dma_start3A_934 = arith.constant 0 : i32
    %dma_start3A_935 = arith.constant 0 : i32
    %dma_start3A_936 = tpu.memref_slice %arg6[%dma_start3A_933, %dma_start3A_934, %dma_start3A_935] : memref<2x1280x32xf32, #tpu.memory_space<vmem>> -> memref<1x1280x32xf32, #tpu.memory_space<vmem>>
    %dma_start3A_937 = tpu.memref_squeeze %dma_start3A_936 : memref<1x1280x32xf32, #tpu.memory_space<vmem>> -> memref<1280x32xf32, #tpu.memory_space<vmem>>
    %dma_start3A_938 = arith.constant 0 : i32
    %dma_start3A_939 = tpu.memref_slice %arg4[%add3A_932, %dma_start3A_938] : memref<3276800x128xf32, #tpu.memory_space<hbm>> -> memref<1280x32xf32, #tpu.memory_space<hbm>>
    %dma_start3A_940 = arith.constant 0 : i32
    %dma_start3A_941 = tpu.memref_slice %arg4[%add3A_932, %dma_start3A_940] : memref<3276800x128xf32, #tpu.memory_space<hbm>> -> memref<1280x32xf32, #tpu.memory_space<hbm>>
    %dma_start3A_942 = arith.constant 0 : i32
    %dma_start3A_943 = arith.constant 0 : i32
    %dma_start3A_944 = tpu.memref_slice %arg6[%dma_start3A_933, %dma_start3A_942, %dma_start3A_943] : memref<2x1280x32xf32, #tpu.memory_space<vmem>> -> memref<1x1280x32xf32, #tpu.memory_space<vmem>>
    %dma_start3A_945 = tpu.memref_squeeze %dma_start3A_944 : memref<1x1280x32xf32, #tpu.memory_space<vmem>> -> memref<1280x32xf32, #tpu.memory_space<vmem>>
    tpu.enqueue_dma source(%dma_start3A_945 : memref<1280x32xf32, #tpu.memory_space<vmem>>) target(%dma_start3A_941 : memref<1280x32xf32, #tpu.memory_space<hbm>>) target_semaphore(%arg12 : memref<!tpu.dma_semaphore, #tpu.memory_space<semaphore_mem>>)
    %scan3A = arith.constant 0 : i32
    %scan3A_946 = arith.constant 0 : i32
    %scan3A_947 = arith.constant 39 : i32
    %scan3A_948 = arith.addi %scan3A_946, %scan3A_947 : i32
    %scan3A_949 = arith.constant 1 : i32
    scf.for %scan3A_1019 = %scan3A_946 to %scan3A_948 step %scan3A_949  : i32 {
      %mul3A_1020 = arith.constant 2 : i32
      %mul3A_1021 = arith.muli %scan3A_1019, %mul3A_1020 : i32
      %add3A_1022 = arith.constant 2 : i32
      %add3A_1023 = arith.addi %add3A_1022, %mul3A_1021 : i32
      %add3A_1024 = arith.constant 0 : i32
      %add3A_1025 = arith.addi %add3A_1023, %add3A_1024 : i32
      %min3A_1026 = arith.constant 79 : i32
      %min3A_1027 = arith.minsi %add3A_1025, %min3A_1026 : i32
      %mul3A_1028 = arith.constant 10 : i32
      %mul3A_1029 = arith.muli %min3A_1027, %mul3A_1028 : i32
      %add3A_1030 = arith.addi %mul3A_2, %mul3A_1029 : i32
      %dma_wait3A_1031 = arith.constant 0 : i32
      %dma_wait3A_1032 = arith.constant 0 : i32
      %dma_wait3A_1033 = arith.constant 0 : i32
      %dma_wait3A_1034 = tpu.memref_slice %arg5[%dma_wait3A_1031, %dma_wait3A_1032, %dma_wait3A_1033] : memref<2x10x128xi32, #tpu.memory_space<vmem>> -> memref<1x10x128xi32, #tpu.memory_space<vmem>>
      %dma_wait3A_1035 = tpu.memref_squeeze %dma_wait3A_1034 : memref<1x10x128xi32, #tpu.memory_space<vmem>> -> memref<10x128xi32, #tpu.memory_space<vmem>>
      %dma_wait3A_1036 = arith.constant 0 : i32
      %dma_wait3A_1037 = tpu.memref_slice %arg3[%add3A_1030, %dma_wait3A_1036] : memref<25600x128xi32, #tpu.memory_space<hbm>> -> memref<10x128xi32, #tpu.memory_space<hbm>>
      %dma_wait3A_1038 = arith.constant 0 : i32
      %dma_wait3A_1039 = arith.constant 0 : i32
      %dma_wait3A_1040 = tpu.memref_slice %arg5[%dma_wait3A_1031, %dma_wait3A_1038, %dma_wait3A_1039] : memref<2x10x128xi32, #tpu.memory_space<vmem>> -> memref<1x10x128xi32, #tpu.memory_space<vmem>>
      %dma_wait3A_1041 = tpu.memref_squeeze %dma_wait3A_1040 : memref<1x10x128xi32, #tpu.memory_space<vmem>> -> memref<10x128xi32, #tpu.memory_space<vmem>>
      %dma_wait3A_1042 = arith.constant 0 : i32
      %dma_wait3A_1043 = tpu.memref_slice %arg3[%add3A_1030, %dma_wait3A_1042] : memref<25600x128xi32, #tpu.memory_space<hbm>> -> memref<10x128xi32, #tpu.memory_space<hbm>>
      tpu.wait_dma2 semaphore(%arg7 : memref<!tpu.dma_semaphore, #tpu.memory_space<semaphore_mem>>) src(%dma_wait3A_1043 : memref<10x128xi32, #tpu.memory_space<hbm>>) dst(%dma_wait3A_1041 : memref<10x128xi32, #tpu.memory_space<vmem>>)
      %mul3A_1044 = arith.constant 1280 : i32
      %mul3A_1045 = arith.muli %add3A_1025, %mul3A_1044 : i32
      %add3A_1046 = arith.addi %mul3A_4, %mul3A_1045 : i32
      %dma_wait3A_1047 = arith.constant 0 : i32
      %dma_wait3A_1048 = arith.constant 0 : i32
      %dma_wait3A_1049 = arith.constant 0 : i32
      %dma_wait3A_1050 = tpu.memref_slice %arg6[%dma_wait3A_1047, %dma_wait3A_1048, %dma_wait3A_1049] : memref<2x1280x32xf32, #tpu.memory_space<vmem>> -> memref<1x1280x32xf32, #tpu.memory_space<vmem>>
      %dma_wait3A_1051 = tpu.memref_squeeze %dma_wait3A_1050 : memref<1x1280x32xf32, #tpu.memory_space<vmem>> -> memref<1280x32xf32, #tpu.memory_space<vmem>>
      %dma_wait3A_1052 = arith.constant 0 : i32
      %dma_wait3A_1053 = tpu.memref_slice %arg4[%add3A_1046, %dma_wait3A_1052] : memref<3276800x128xf32, #tpu.memory_space<hbm>> -> memref<1280x32xf32, #tpu.memory_space<hbm>>
      %dma_wait3A_1054 = arith.constant 0 : i32
      %dma_wait3A_1055 = tpu.memref_slice %arg4[%add3A_1046, %dma_wait3A_1054] : memref<3276800x128xf32, #tpu.memory_space<hbm>> -> memref<1280x32xf32, #tpu.memory_space<hbm>>
      %dma_wait3A_1056 = arith.constant 0 : i32
      %dma_wait3A_1057 = arith.constant 0 : i32
      %dma_wait3A_1058 = tpu.memref_slice %arg6[%dma_wait3A_1047, %dma_wait3A_1056, %dma_wait3A_1057] : memref<2x1280x32xf32, #tpu.memory_space<vmem>> -> memref<1x1280x32xf32, #tpu.memory_space<vmem>>
      %dma_wait3A_1059 = tpu.memref_squeeze %dma_wait3A_1058 : memref<1x1280x32xf32, #tpu.memory_space<vmem>> -> memref<1280x32xf32, #tpu.memory_space<vmem>>
      tpu.wait_dma2 semaphore(%arg11 : memref<!tpu.dma_semaphore, #tpu.memory_space<semaphore_mem>>) src(%dma_wait3A_1059 : memref<1280x32xf32, #tpu.memory_space<vmem>>) dst(%dma_wait3A_1055 : memref<1280x32xf32, #tpu.memory_space<hbm>>)
      %dma_start3A_1060 = arith.constant 0 : i32
      %dma_start3A_1061 = arith.constant 0 : i32
      %dma_start3A_1062 = arith.constant 0 : i32
      %dma_start3A_1063 = arith.constant 0 : i32
      %dma_start3A_1064 = arith.constant 0 : i32
      %dma_start3A_1065 = tpu.memref_slice %arg6[%dma_start3A_1062, %dma_start3A_1063, %dma_start3A_1064] : memref<2x1280x32xf32, #tpu.memory_space<vmem>> -> memref<1x1280x32xf32, #tpu.memory_space<vmem>>
      %dma_start3A_1066 = tpu.memref_squeeze %dma_start3A_1065 : memref<1x1280x32xf32, #tpu.memory_space<vmem>> -> memref<1280x32xf32, #tpu.memory_space<vmem>>
      %dma_start3A_1067 = arith.constant 0 : i32
      %dma_start3A_1068 = arith.constant 0 : i32
      %dma_start3A_1069 = tpu.memref_slice %dma_start3A_1066[%dma_start3A_1067, %dma_start3A_1068] : memref<1280x32xf32, #tpu.memory_space<vmem>> -> memref<128x32xf32, #tpu.memory_space<vmem>>
      %dma_start3A_1070 = arith.constant 0 : i32
      %dma_start3A_1071 = arith.constant 0 : i32
      %dma_start3A_1072 = tpu.memref_slice %arg5[%dma_start3A_1060, %dma_start3A_1070, %dma_start3A_1071] : memref<2x10x128xi32, #tpu.memory_space<vmem>> -> memref<1x10x128xi32, #tpu.memory_space<vmem>>
      %dma_start3A_1073 = tpu.memref_squeeze %dma_start3A_1072 : memref<1x10x128xi32, #tpu.memory_space<vmem>> -> memref<10x128xi32, #tpu.memory_space<vmem>>
      %dma_start3A_1074 = arith.constant 0 : i32
      %dma_start3A_1075 = tpu.memref_slice %dma_start3A_1073[%dma_start3A_1061, %dma_start3A_1074] : memref<10x128xi32, #tpu.memory_space<vmem>> -> memref<1x128xi32, #tpu.memory_space<vmem>>
      %dma_start3A_1076 = tpu.memref_squeeze %dma_start3A_1075 : memref<1x128xi32, #tpu.memory_space<vmem>> -> memref<128xi32, #tpu.memory_space<vmem>>
      %dma_start3A_1077 = arith.constant 0 : i32
      %dma_start3A_1078 = arith.constant 0 : i32
      %dma_start3A_1079 = tpu.memref_slice %arg2[%dma_start3A_1077, %dma_start3A_1078] : memref<1000000x32xf32, #tpu.memory_space<hbm>> -> memref<1000000x32xf32, #tpu.memory_space<hbm>>
      tpu.enqueue_indirect_dma source(%dma_start3A_1079 : memref<1000000x32xf32, #tpu.memory_space<hbm>>) target(%dma_start3A_1069 : memref<128x32xf32, #tpu.memory_space<vmem>>) offsets(%dma_start3A_1076 : memref<128xi32, #tpu.memory_space<vmem>>) semaphore(%arg9 : memref<!tpu.dma_semaphore, #tpu.memory_space<semaphore_mem>>)
      %dma_start3A_1080 = arith.constant 0 : i32
      %dma_start3A_1081 = arith.constant 1 : i32
      %dma_start3A_1082 = arith.constant 0 : i32
      %dma_start3A_1083 = arith.constant 0 : i32
      %dma_start3A_1084 = arith.constant 0 : i32
      %dma_start3A_1085 = tpu.memref_slice %arg6[%dma_start3A_1082, %dma_start3A_1083, %dma_start3A_1084] : memref<2x1280x32xf32, #tpu.memory_space<vmem>> -> memref<1x1280x32xf32, #tpu.memory_space<vmem>>
      %dma_start3A_1086 = tpu.memref_squeeze %dma_start3A_1085 : memref<1x1280x32xf32, #tpu.memory_space<vmem>> -> memref<1280x32xf32, #tpu.memory_space<vmem>>
      %dma_start3A_1087 = arith.constant 128 : i32
      %dma_start3A_1088 = arith.constant 0 : i32
      %dma_start3A_1089 = tpu.memref_slice %dma_start3A_1086[%dma_start3A_1087, %dma_start3A_1088] : memref<1280x32xf32, #tpu.memory_space<vmem>> -> memref<128x32xf32, #tpu.memory_space<vmem>>
      %dma_start3A_1090 = arith.constant 0 : i32
      %dma_start3A_1091 = arith.constant 0 : i32
      %dma_start3A_1092 = tpu.memref_slice %arg5[%dma_start3A_1080, %dma_start3A_1090, %dma_start3A_1091] : memref<2x10x128xi32, #tpu.memory_space<vmem>> -> memref<1x10x128xi32, #tpu.memory_space<vmem>>
      %dma_start3A_1093 = tpu.memref_squeeze %dma_start3A_1092 : memref<1x10x128xi32, #tpu.memory_space<vmem>> -> memref<10x128xi32, #tpu.memory_space<vmem>>
      %dma_start3A_1094 = arith.constant 0 : i32
      %dma_start3A_1095 = tpu.memref_slice %dma_start3A_1093[%dma_start3A_1081, %dma_start3A_1094] : memref<10x128xi32, #tpu.memory_space<vmem>> -> memref<1x128xi32, #tpu.memory_space<vmem>>
      %dma_start3A_1096 = tpu.memref_squeeze %dma_start3A_1095 : memref<1x128xi32, #tpu.memory_space<vmem>> -> memref<128xi32, #tpu.memory_space<vmem>>
      %dma_start3A_1097 = arith.constant 0 : i32
      %dma_start3A_1098 = arith.constant 0 : i32
      %dma_start3A_1099 = tpu.memref_slice %arg2[%dma_start3A_1097, %dma_start3A_1098] : memref<1000000x32xf32, #tpu.memory_space<hbm>> -> memref<1000000x32xf32, #tpu.memory_space<hbm>>
      tpu.enqueue_indirect_dma source(%dma_start3A_1099 : memref<1000000x32xf32, #tpu.memory_space<hbm>>) target(%dma_start3A_1089 : memref<128x32xf32, #tpu.memory_space<vmem>>) offsets(%dma_start3A_1096 : memref<128xi32, #tpu.memory_space<vmem>>) semaphore(%arg9 : memref<!tpu.dma_semaphore, #tpu.memory_space<semaphore_mem>>)
      %dma_start3A_1100 = arith.constant 0 : i32
      %dma_start3A_1101 = arith.constant 2 : i32
      %dma_start3A_1102 = arith.constant 0 : i32
      %dma_start3A_1103 = arith.constant 0 : i32
      %dma_start3A_1104 = arith.constant 0 : i32
      %dma_start3A_1105 = tpu.memref_slice %arg6[%dma_start3A_1102, %dma_start3A_1103, %dma_start3A_1104] : memref<2x1280x32xf32, #tpu.memory_space<vmem>> -> memref<1x1280x32xf32, #tpu.memory_space<vmem>>
      %dma_start3A_1106 = tpu.memref_squeeze %dma_start3A_1105 : memref<1x1280x32xf32, #tpu.memory_space<vmem>> -> memref<1280x32xf32, #tpu.memory_space<vmem>>
      %dma_start3A_1107 = arith.constant 256 : i32
      %dma_start3A_1108 = arith.constant 0 : i32
      %dma_start3A_1109 = tpu.memref_slice %dma_start3A_1106[%dma_start3A_1107, %dma_start3A_1108] : memref<1280x32xf32, #tpu.memory_space<vmem>> -> memref<128x32xf32, #tpu.memory_space<vmem>>
      %dma_start3A_1110 = arith.constant 0 : i32
      %dma_start3A_1111 = arith.constant 0 : i32
      %dma_start3A_1112 = tpu.memref_slice %arg5[%dma_start3A_1100, %dma_start3A_1110, %dma_start3A_1111] : memref<2x10x128xi32, #tpu.memory_space<vmem>> -> memref<1x10x128xi32, #tpu.memory_space<vmem>>
      %dma_start3A_1113 = tpu.memref_squeeze %dma_start3A_1112 : memref<1x10x128xi32, #tpu.memory_space<vmem>> -> memref<10x128xi32, #tpu.memory_space<vmem>>
      %dma_start3A_1114 = arith.constant 0 : i32
      %dma_start3A_1115 = tpu.memref_slice %dma_start3A_1113[%dma_start3A_1101, %dma_start3A_1114] : memref<10x128xi32, #tpu.memory_space<vmem>> -> memref<1x128xi32, #tpu.memory_space<vmem>>
      %dma_start3A_1116 = tpu.memref_squeeze %dma_start3A_1115 : memref<1x128xi32, #tpu.memory_space<vmem>> -> memref<128xi32, #tpu.memory_space<vmem>>
      %dma_start3A_1117 = arith.constant 0 : i32
      %dma_start3A_1118 = arith.constant 0 : i32
      %dma_start3A_1119 = tpu.memref_slice %arg2[%dma_start3A_1117, %dma_start3A_1118] : memref<1000000x32xf32, #tpu.memory_space<hbm>> -> memref<1000000x32xf32, #tpu.memory_space<hbm>>
      tpu.enqueue_indirect_dma source(%dma_start3A_1119 : memref<1000000x32xf32, #tpu.memory_space<hbm>>) target(%dma_start3A_1109 : memref<128x32xf32, #tpu.memory_space<vmem>>) offsets(%dma_start3A_1116 : memref<128xi32, #tpu.memory_space<vmem>>) semaphore(%arg9 : memref<!tpu.dma_semaphore, #tpu.memory_space<semaphore_mem>>)
      %dma_start3A_1120 = arith.constant 0 : i32
      %dma_start3A_1121 = arith.constant 3 : i32
      %dma_start3A_1122 = arith.constant 0 : i32
      %dma_start3A_1123 = arith.constant 0 : i32
      %dma_start3A_1124 = arith.constant 0 : i32
      %dma_start3A_1125 = tpu.memref_slice %arg6[%dma_start3A_1122, %dma_start3A_1123, %dma_start3A_1124] : memref<2x1280x32xf32, #tpu.memory_space<vmem>> -> memref<1x1280x32xf32, #tpu.memory_space<vmem>>
      %dma_start3A_1126 = tpu.memref_squeeze %dma_start3A_1125 : memref<1x1280x32xf32, #tpu.memory_space<vmem>> -> memref<1280x32xf32, #tpu.memory_space<vmem>>
      %dma_start3A_1127 = arith.constant 384 : i32
      %dma_start3A_1128 = arith.constant 0 : i32
      %dma_start3A_1129 = tpu.memref_slice %dma_start3A_1126[%dma_start3A_1127, %dma_start3A_1128] : memref<1280x32xf32, #tpu.memory_space<vmem>> -> memref<128x32xf32, #tpu.memory_space<vmem>>
      %dma_start3A_1130 = arith.constant 0 : i32
      %dma_start3A_1131 = arith.constant 0 : i32
      %dma_start3A_1132 = tpu.memref_slice %arg5[%dma_start3A_1120, %dma_start3A_1130, %dma_start3A_1131] : memref<2x10x128xi32, #tpu.memory_space<vmem>> -> memref<1x10x128xi32, #tpu.memory_space<vmem>>
      %dma_start3A_1133 = tpu.memref_squeeze %dma_start3A_1132 : memref<1x10x128xi32, #tpu.memory_space<vmem>> -> memref<10x128xi32, #tpu.memory_space<vmem>>
      %dma_start3A_1134 = arith.constant 0 : i32
      %dma_start3A_1135 = tpu.memref_slice %dma_start3A_1133[%dma_start3A_1121, %dma_start3A_1134] : memref<10x128xi32, #tpu.memory_space<vmem>> -> memref<1x128xi32, #tpu.memory_space<vmem>>
      %dma_start3A_1136 = tpu.memref_squeeze %dma_start3A_1135 : memref<1x128xi32, #tpu.memory_space<vmem>> -> memref<128xi32, #tpu.memory_space<vmem>>
      %dma_start3A_1137 = arith.constant 0 : i32
      %dma_start3A_1138 = arith.constant 0 : i32
      %dma_start3A_1139 = tpu.memref_slice %arg2[%dma_start3A_1137, %dma_start3A_1138] : memref<1000000x32xf32, #tpu.memory_space<hbm>> -> memref<1000000x32xf32, #tpu.memory_space<hbm>>
      tpu.enqueue_indirect_dma source(%dma_start3A_1139 : memref<1000000x32xf32, #tpu.memory_space<hbm>>) target(%dma_start3A_1129 : memref<128x32xf32, #tpu.memory_space<vmem>>) offsets(%dma_start3A_1136 : memref<128xi32, #tpu.memory_space<vmem>>) semaphore(%arg9 : memref<!tpu.dma_semaphore, #tpu.memory_space<semaphore_mem>>)
      %dma_start3A_1140 = arith.constant 0 : i32
      %dma_start3A_1141 = arith.constant 4 : i32
      %dma_start3A_1142 = arith.constant 0 : i32
      %dma_start3A_1143 = arith.constant 0 : i32
      %dma_start3A_1144 = arith.constant 0 : i32
      %dma_start3A_1145 = tpu.memref_slice %arg6[%dma_start3A_1142, %dma_start3A_1143, %dma_start3A_1144] : memref<2x1280x32xf32, #tpu.memory_space<vmem>> -> memref<1x1280x32xf32, #tpu.memory_space<vmem>>
      %dma_start3A_1146 = tpu.memref_squeeze %dma_start3A_1145 : memref<1x1280x32xf32, #tpu.memory_space<vmem>> -> memref<1280x32xf32, #tpu.memory_space<vmem>>
      %dma_start3A_1147 = arith.constant 512 : i32
      %dma_start3A_1148 = arith.constant 0 : i32
      %dma_start3A_1149 = tpu.memref_slice %dma_start3A_1146[%dma_start3A_1147, %dma_start3A_1148] : memref<1280x32xf32, #tpu.memory_space<vmem>> -> memref<128x32xf32, #tpu.memory_space<vmem>>
      %dma_start3A_1150 = arith.constant 0 : i32
      %dma_start3A_1151 = arith.constant 0 : i32
      %dma_start3A_1152 = tpu.memref_slice %arg5[%dma_start3A_1140, %dma_start3A_1150, %dma_start3A_1151] : memref<2x10x128xi32, #tpu.memory_space<vmem>> -> memref<1x10x128xi32, #tpu.memory_space<vmem>>
      %dma_start3A_1153 = tpu.memref_squeeze %dma_start3A_1152 : memref<1x10x128xi32, #tpu.memory_space<vmem>> -> memref<10x128xi32, #tpu.memory_space<vmem>>
      %dma_start3A_1154 = arith.constant 0 : i32
      %dma_start3A_1155 = tpu.memref_slice %dma_start3A_1153[%dma_start3A_1141, %dma_start3A_1154] : memref<10x128xi32, #tpu.memory_space<vmem>> -> memref<1x128xi32, #tpu.memory_space<vmem>>
      %dma_start3A_1156 = tpu.memref_squeeze %dma_start3A_1155 : memref<1x128xi32, #tpu.memory_space<vmem>> -> memref<128xi32, #tpu.memory_space<vmem>>
      %dma_start3A_1157 = arith.constant 0 : i32
      %dma_start3A_1158 = arith.constant 0 : i32
      %dma_start3A_1159 = tpu.memref_slice %arg2[%dma_start3A_1157, %dma_start3A_1158] : memref<1000000x32xf32, #tpu.memory_space<hbm>> -> memref<1000000x32xf32, #tpu.memory_space<hbm>>
      tpu.enqueue_indirect_dma source(%dma_start3A_1159 : memref<1000000x32xf32, #tpu.memory_space<hbm>>) target(%dma_start3A_1149 : memref<128x32xf32, #tpu.memory_space<vmem>>) offsets(%dma_start3A_1156 : memref<128xi32, #tpu.memory_space<vmem>>) semaphore(%arg9 : memref<!tpu.dma_semaphore, #tpu.memory_space<semaphore_mem>>)
      %dma_start3A_1160 = arith.constant 0 : i32
      %dma_start3A_1161 = arith.constant 5 : i32
      %dma_start3A_1162 = arith.constant 0 : i32
      %dma_start3A_1163 = arith.constant 0 : i32
      %dma_start3A_1164 = arith.constant 0 : i32
      %dma_start3A_1165 = tpu.memref_slice %arg6[%dma_start3A_1162, %dma_start3A_1163, %dma_start3A_1164] : memref<2x1280x32xf32, #tpu.memory_space<vmem>> -> memref<1x1280x32xf32, #tpu.memory_space<vmem>>
      %dma_start3A_1166 = tpu.memref_squeeze %dma_start3A_1165 : memref<1x1280x32xf32, #tpu.memory_space<vmem>> -> memref<1280x32xf32, #tpu.memory_space<vmem>>
      %dma_start3A_1167 = arith.constant 640 : i32
      %dma_start3A_1168 = arith.constant 0 : i32
      %dma_start3A_1169 = tpu.memref_slice %dma_start3A_1166[%dma_start3A_1167, %dma_start3A_1168] : memref<1280x32xf32, #tpu.memory_space<vmem>> -> memref<128x32xf32, #tpu.memory_space<vmem>>
      %dma_start3A_1170 = arith.constant 0 : i32
      %dma_start3A_1171 = arith.constant 0 : i32
      %dma_start3A_1172 = tpu.memref_slice %arg5[%dma_start3A_1160, %dma_start3A_1170, %dma_start3A_1171] : memref<2x10x128xi32, #tpu.memory_space<vmem>> -> memref<1x10x128xi32, #tpu.memory_space<vmem>>
      %dma_start3A_1173 = tpu.memref_squeeze %dma_start3A_1172 : memref<1x10x128xi32, #tpu.memory_space<vmem>> -> memref<10x128xi32, #tpu.memory_space<vmem>>
      %dma_start3A_1174 = arith.constant 0 : i32
      %dma_start3A_1175 = tpu.memref_slice %dma_start3A_1173[%dma_start3A_1161, %dma_start3A_1174] : memref<10x128xi32, #tpu.memory_space<vmem>> -> memref<1x128xi32, #tpu.memory_space<vmem>>
      %dma_start3A_1176 = tpu.memref_squeeze %dma_start3A_1175 : memref<1x128xi32, #tpu.memory_space<vmem>> -> memref<128xi32, #tpu.memory_space<vmem>>
      %dma_start3A_1177 = arith.constant 0 : i32
      %dma_start3A_1178 = arith.constant 0 : i32
      %dma_start3A_1179 = tpu.memref_slice %arg2[%dma_start3A_1177, %dma_start3A_1178] : memref<1000000x32xf32, #tpu.memory_space<hbm>> -> memref<1000000x32xf32, #tpu.memory_space<hbm>>
      tpu.enqueue_indirect_dma source(%dma_start3A_1179 : memref<1000000x32xf32, #tpu.memory_space<hbm>>) target(%dma_start3A_1169 : memref<128x32xf32, #tpu.memory_space<vmem>>) offsets(%dma_start3A_1176 : memref<128xi32, #tpu.memory_space<vmem>>) semaphore(%arg9 : memref<!tpu.dma_semaphore, #tpu.memory_space<semaphore_mem>>)
      %dma_start3A_1180 = arith.constant 0 : i32
      %dma_start3A_1181 = arith.constant 6 : i32
      %dma_start3A_1182 = arith.constant 0 : i32
      %dma_start3A_1183 = arith.constant 0 : i32
      %dma_start3A_1184 = arith.constant 0 : i32
      %dma_start3A_1185 = tpu.memref_slice %arg6[%dma_start3A_1182, %dma_start3A_1183, %dma_start3A_1184] : memref<2x1280x32xf32, #tpu.memory_space<vmem>> -> memref<1x1280x32xf32, #tpu.memory_space<vmem>>
      %dma_start3A_1186 = tpu.memref_squeeze %dma_start3A_1185 : memref<1x1280x32xf32, #tpu.memory_space<vmem>> -> memref<1280x32xf32, #tpu.memory_space<vmem>>
      %dma_start3A_1187 = arith.constant 768 : i32
      %dma_start3A_1188 = arith.constant 0 : i32
      %dma_start3A_1189 = tpu.memref_slice %dma_start3A_1186[%dma_start3A_1187, %dma_start3A_1188] : memref<1280x32xf32, #tpu.memory_space<vmem>> -> memref<128x32xf32, #tpu.memory_space<vmem>>
      %dma_start3A_1190 = arith.constant 0 : i32
      %dma_start3A_1191 = arith.constant 0 : i32
      %dma_start3A_1192 = tpu.memref_slice %arg5[%dma_start3A_1180, %dma_start3A_1190, %dma_start3A_1191] : memref<2x10x128xi32, #tpu.memory_space<vmem>> -> memref<1x10x128xi32, #tpu.memory_space<vmem>>
      %dma_start3A_1193 = tpu.memref_squeeze %dma_start3A_1192 : memref<1x10x128xi32, #tpu.memory_space<vmem>> -> memref<10x128xi32, #tpu.memory_space<vmem>>
      %dma_start3A_1194 = arith.constant 0 : i32
      %dma_start3A_1195 = tpu.memref_slice %dma_start3A_1193[%dma_start3A_1181, %dma_start3A_1194] : memref<10x128xi32, #tpu.memory_space<vmem>> -> memref<1x128xi32, #tpu.memory_space<vmem>>
      %dma_start3A_1196 = tpu.memref_squeeze %dma_start3A_1195 : memref<1x128xi32, #tpu.memory_space<vmem>> -> memref<128xi32, #tpu.memory_space<vmem>>
      %dma_start3A_1197 = arith.constant 0 : i32
      %dma_start3A_1198 = arith.constant 0 : i32
      %dma_start3A_1199 = tpu.memref_slice %arg2[%dma_start3A_1197, %dma_start3A_1198] : memref<1000000x32xf32, #tpu.memory_space<hbm>> -> memref<1000000x32xf32, #tpu.memory_space<hbm>>
      tpu.enqueue_indirect_dma source(%dma_start3A_1199 : memref<1000000x32xf32, #tpu.memory_space<hbm>>) target(%dma_start3A_1189 : memref<128x32xf32, #tpu.memory_space<vmem>>) offsets(%dma_start3A_1196 : memref<128xi32, #tpu.memory_space<vmem>>) semaphore(%arg9 : memref<!tpu.dma_semaphore, #tpu.memory_space<semaphore_mem>>)
      %dma_start3A_1200 = arith.constant 0 : i32
      %dma_start3A_1201 = arith.constant 7 : i32
      %dma_start3A_1202 = arith.constant 0 : i32
      %dma_start3A_1203 = arith.constant 0 : i32
      %dma_start3A_1204 = arith.constant 0 : i32
      %dma_start3A_1205 = tpu.memref_slice %arg6[%dma_start3A_1202, %dma_start3A_1203, %dma_start3A_1204] : memref<2x1280x32xf32, #tpu.memory_space<vmem>> -> memref<1x1280x32xf32, #tpu.memory_space<vmem>>
      %dma_start3A_1206 = tpu.memref_squeeze %dma_start3A_1205 : memref<1x1280x32xf32, #tpu.memory_space<vmem>> -> memref<1280x32xf32, #tpu.memory_space<vmem>>
      %dma_start3A_1207 = arith.constant 896 : i32
      %dma_start3A_1208 = arith.constant 0 : i32
      %dma_start3A_1209 = tpu.memref_slice %dma_start3A_1206[%dma_start3A_1207, %dma_start3A_1208] : memref<1280x32xf32, #tpu.memory_space<vmem>> -> memref<128x32xf32, #tpu.memory_space<vmem>>
      %dma_start3A_1210 = arith.constant 0 : i32
      %dma_start3A_1211 = arith.constant 0 : i32
      %dma_start3A_1212 = tpu.memref_slice %arg5[%dma_start3A_1200, %dma_start3A_1210, %dma_start3A_1211] : memref<2x10x128xi32, #tpu.memory_space<vmem>> -> memref<1x10x128xi32, #tpu.memory_space<vmem>>
      %dma_start3A_1213 = tpu.memref_squeeze %dma_start3A_1212 : memref<1x10x128xi32, #tpu.memory_space<vmem>> -> memref<10x128xi32, #tpu.memory_space<vmem>>
      %dma_start3A_1214 = arith.constant 0 : i32
      %dma_start3A_1215 = tpu.memref_slice %dma_start3A_1213[%dma_start3A_1201, %dma_start3A_1214] : memref<10x128xi32, #tpu.memory_space<vmem>> -> memref<1x128xi32, #tpu.memory_space<vmem>>
      %dma_start3A_1216 = tpu.memref_squeeze %dma_start3A_1215 : memref<1x128xi32, #tpu.memory_space<vmem>> -> memref<128xi32, #tpu.memory_space<vmem>>
      %dma_start3A_1217 = arith.constant 0 : i32
      %dma_start3A_1218 = arith.constant 0 : i32
      %dma_start3A_1219 = tpu.memref_slice %arg2[%dma_start3A_1217, %dma_start3A_1218] : memref<1000000x32xf32, #tpu.memory_space<hbm>> -> memref<1000000x32xf32, #tpu.memory_space<hbm>>
      tpu.enqueue_indirect_dma source(%dma_start3A_1219 : memref<1000000x32xf32, #tpu.memory_space<hbm>>) target(%dma_start3A_1209 : memref<128x32xf32, #tpu.memory_space<vmem>>) offsets(%dma_start3A_1216 : memref<128xi32, #tpu.memory_space<vmem>>) semaphore(%arg9 : memref<!tpu.dma_semaphore, #tpu.memory_space<semaphore_mem>>)
      %dma_start3A_1220 = arith.constant 0 : i32
      %dma_start3A_1221 = arith.constant 8 : i32
      %dma_start3A_1222 = arith.constant 0 : i32
      %dma_start3A_1223 = arith.constant 0 : i32
      %dma_start3A_1224 = arith.constant 0 : i32
      %dma_start3A_1225 = tpu.memref_slice %arg6[%dma_start3A_1222, %dma_start3A_1223, %dma_start3A_1224] : memref<2x1280x32xf32, #tpu.memory_space<vmem>> -> memref<1x1280x32xf32, #tpu.memory_space<vmem>>
      %dma_start3A_1226 = tpu.memref_squeeze %dma_start3A_1225 : memref<1x1280x32xf32, #tpu.memory_space<vmem>> -> memref<1280x32xf32, #tpu.memory_space<vmem>>
      %dma_start3A_1227 = arith.constant 1024 : i32
      %dma_start3A_1228 = arith.constant 0 : i32
      %dma_start3A_1229 = tpu.memref_slice %dma_start3A_1226[%dma_start3A_1227, %dma_start3A_1228] : memref<1280x32xf32, #tpu.memory_space<vmem>> -> memref<128x32xf32, #tpu.memory_space<vmem>>
      %dma_start3A_1230 = arith.constant 0 : i32
      %dma_start3A_1231 = arith.constant 0 : i32
      %dma_start3A_1232 = tpu.memref_slice %arg5[%dma_start3A_1220, %dma_start3A_1230, %dma_start3A_1231] : memref<2x10x128xi32, #tpu.memory_space<vmem>> -> memref<1x10x128xi32, #tpu.memory_space<vmem>>
      %dma_start3A_1233 = tpu.memref_squeeze %dma_start3A_1232 : memref<1x10x128xi32, #tpu.memory_space<vmem>> -> memref<10x128xi32, #tpu.memory_space<vmem>>
      %dma_start3A_1234 = arith.constant 0 : i32
      %dma_start3A_1235 = tpu.memref_slice %dma_start3A_1233[%dma_start3A_1221, %dma_start3A_1234] : memref<10x128xi32, #tpu.memory_space<vmem>> -> memref<1x128xi32, #tpu.memory_space<vmem>>
      %dma_start3A_1236 = tpu.memref_squeeze %dma_start3A_1235 : memref<1x128xi32, #tpu.memory_space<vmem>> -> memref<128xi32, #tpu.memory_space<vmem>>
      %dma_start3A_1237 = arith.constant 0 : i32
      %dma_start3A_1238 = arith.constant 0 : i32
      %dma_start3A_1239 = tpu.memref_slice %arg2[%dma_start3A_1237, %dma_start3A_1238] : memref<1000000x32xf32, #tpu.memory_space<hbm>> -> memref<1000000x32xf32, #tpu.memory_space<hbm>>
      tpu.enqueue_indirect_dma source(%dma_start3A_1239 : memref<1000000x32xf32, #tpu.memory_space<hbm>>) target(%dma_start3A_1229 : memref<128x32xf32, #tpu.memory_space<vmem>>) offsets(%dma_start3A_1236 : memref<128xi32, #tpu.memory_space<vmem>>) semaphore(%arg9 : memref<!tpu.dma_semaphore, #tpu.memory_space<semaphore_mem>>)
      %dma_start3A_1240 = arith.constant 0 : i32
      %dma_start3A_1241 = arith.constant 9 : i32
      %dma_start3A_1242 = arith.constant 0 : i32
      %dma_start3A_1243 = arith.constant 0 : i32
      %dma_start3A_1244 = arith.constant 0 : i32
      %dma_start3A_1245 = tpu.memref_slice %arg6[%dma_start3A_1242, %dma_start3A_1243, %dma_start3A_1244] : memref<2x1280x32xf32, #tpu.memory_space<vmem>> -> memref<1x1280x32xf32, #tpu.memory_space<vmem>>
      %dma_start3A_1246 = tpu.memref_squeeze %dma_start3A_1245 : memref<1x1280x32xf32, #tpu.memory_space<vmem>> -> memref<1280x32xf32, #tpu.memory_space<vmem>>
      %dma_start3A_1247 = arith.constant 1152 : i32
      %dma_start3A_1248 = arith.constant 0 : i32
      %dma_start3A_1249 = tpu.memref_slice %dma_start3A_1246[%dma_start3A_1247, %dma_start3A_1248] : memref<1280x32xf32, #tpu.memory_space<vmem>> -> memref<128x32xf32, #tpu.memory_space<vmem>>
      %dma_start3A_1250 = arith.constant 0 : i32
      %dma_start3A_1251 = arith.constant 0 : i32
      %dma_start3A_1252 = tpu.memref_slice %arg5[%dma_start3A_1240, %dma_start3A_1250, %dma_start3A_1251] : memref<2x10x128xi32, #tpu.memory_space<vmem>> -> memref<1x10x128xi32, #tpu.memory_space<vmem>>
      %dma_start3A_1253 = tpu.memref_squeeze %dma_start3A_1252 : memref<1x10x128xi32, #tpu.memory_space<vmem>> -> memref<10x128xi32, #tpu.memory_space<vmem>>
      %dma_start3A_1254 = arith.constant 0 : i32
      %dma_start3A_1255 = tpu.memref_slice %dma_start3A_1253[%dma_start3A_1241, %dma_start3A_1254] : memref<10x128xi32, #tpu.memory_space<vmem>> -> memref<1x128xi32, #tpu.memory_space<vmem>>
      %dma_start3A_1256 = tpu.memref_squeeze %dma_start3A_1255 : memref<1x128xi32, #tpu.memory_space<vmem>> -> memref<128xi32, #tpu.memory_space<vmem>>
      %dma_start3A_1257 = arith.constant 0 : i32
      %dma_start3A_1258 = arith.constant 0 : i32
      %dma_start3A_1259 = tpu.memref_slice %arg2[%dma_start3A_1257, %dma_start3A_1258] : memref<1000000x32xf32, #tpu.memory_space<hbm>> -> memref<1000000x32xf32, #tpu.memory_space<hbm>>
      tpu.enqueue_indirect_dma source(%dma_start3A_1259 : memref<1000000x32xf32, #tpu.memory_space<hbm>>) target(%dma_start3A_1249 : memref<128x32xf32, #tpu.memory_space<vmem>>) offsets(%dma_start3A_1256 : memref<128xi32, #tpu.memory_space<vmem>>) semaphore(%arg9 : memref<!tpu.dma_semaphore, #tpu.memory_space<semaphore_mem>>)
      %dma_wait3A_1260 = arith.constant 0 : i32
      %dma_wait3A_1261 = arith.constant 0 : i32
      %dma_wait3A_1262 = arith.constant 0 : i32
      %dma_wait3A_1263 = arith.constant 0 : i32
      %dma_wait3A_1264 = arith.constant 0 : i32
      %dma_wait3A_1265 = tpu.memref_slice %arg6[%dma_wait3A_1262, %dma_wait3A_1263, %dma_wait3A_1264] : memref<2x1280x32xf32, #tpu.memory_space<vmem>> -> memref<1x1280x32xf32, #tpu.memory_space<vmem>>
      %dma_wait3A_1266 = tpu.memref_squeeze %dma_wait3A_1265 : memref<1x1280x32xf32, #tpu.memory_space<vmem>> -> memref<1280x32xf32, #tpu.memory_space<vmem>>
      %dma_wait3A_1267 = arith.constant 0 : i32
      %dma_wait3A_1268 = arith.constant 0 : i32
      %dma_wait3A_1269 = tpu.memref_slice %dma_wait3A_1266[%dma_wait3A_1267, %dma_wait3A_1268] : memref<1280x32xf32, #tpu.memory_space<vmem>> -> memref<128x32xf32, #tpu.memory_space<vmem>>
      %dma_wait3A_1270 = arith.constant 0 : i32
      %dma_wait3A_1271 = arith.constant 0 : i32
      %dma_wait3A_1272 = tpu.memref_slice %arg5[%dma_wait3A_1260, %dma_wait3A_1270, %dma_wait3A_1271] : memref<2x10x128xi32, #tpu.memory_space<vmem>> -> memref<1x10x128xi32, #tpu.memory_space<vmem>>
      %dma_wait3A_1273 = tpu.memref_squeeze %dma_wait3A_1272 : memref<1x10x128xi32, #tpu.memory_space<vmem>> -> memref<10x128xi32, #tpu.memory_space<vmem>>
      %dma_wait3A_1274 = arith.constant 0 : i32
      %dma_wait3A_1275 = tpu.memref_slice %dma_wait3A_1273[%dma_wait3A_1261, %dma_wait3A_1274] : memref<10x128xi32, #tpu.memory_space<vmem>> -> memref<1x128xi32, #tpu.memory_space<vmem>>
      %dma_wait3A_1276 = tpu.memref_squeeze %dma_wait3A_1275 : memref<1x128xi32, #tpu.memory_space<vmem>> -> memref<128xi32, #tpu.memory_space<vmem>>
      %dma_wait3A_1277 = arith.constant 0 : i32
      %dma_wait3A_1278 = arith.constant 0 : i32
      %dma_wait3A_1279 = tpu.memref_slice %arg2[%dma_wait3A_1277, %dma_wait3A_1278] : memref<1000000x32xf32, #tpu.memory_space<hbm>> -> memref<1000000x32xf32, #tpu.memory_space<hbm>>
      tpu.wait_indirect_dma semaphore(%arg9 : memref<!tpu.dma_semaphore, #tpu.memory_space<semaphore_mem>>) src(%dma_wait3A_1279 : memref<1000000x32xf32, #tpu.memory_space<hbm>>) dst(%dma_wait3A_1269 : memref<128x32xf32, #tpu.memory_space<vmem>>)
      %dma_wait3A_1280 = arith.constant 0 : i32
      %dma_wait3A_1281 = arith.constant 1 : i32
      %dma_wait3A_1282 = arith.constant 0 : i32
      %dma_wait3A_1283 = arith.constant 0 : i32
      %dma_wait3A_1284 = arith.constant 0 : i32
      %dma_wait3A_1285 = tpu.memref_slice %arg6[%dma_wait3A_1282, %dma_wait3A_1283, %dma_wait3A_1284] : memref<2x1280x32xf32, #tpu.memory_space<vmem>> -> memref<1x1280x32xf32, #tpu.memory_space<vmem>>
      %dma_wait3A_1286 = tpu.memref_squeeze %dma_wait3A_1285 : memref<1x1280x32xf32, #tpu.memory_space<vmem>> -> memref<1280x32xf32, #tpu.memory_space<vmem>>
      %dma_wait3A_1287 = arith.constant 128 : i32
      %dma_wait3A_1288 = arith.constant 0 : i32
      %dma_wait3A_1289 = tpu.memref_slice %dma_wait3A_1286[%dma_wait3A_1287, %dma_wait3A_1288] : memref<1280x32xf32, #tpu.memory_space<vmem>> -> memref<128x32xf32, #tpu.memory_space<vmem>>
      %dma_wait3A_1290 = arith.constant 0 : i32
      %dma_wait3A_1291 = arith.constant 0 : i32
      %dma_wait3A_1292 = tpu.memref_slice %arg5[%dma_wait3A_1280, %dma_wait3A_1290, %dma_wait3A_1291] : memref<2x10x128xi32, #tpu.memory_space<vmem>> -> memref<1x10x128xi32, #tpu.memory_space<vmem>>
      %dma_wait3A_1293 = tpu.memref_squeeze %dma_wait3A_1292 : memref<1x10x128xi32, #tpu.memory_space<vmem>> -> memref<10x128xi32, #tpu.memory_space<vmem>>
      %dma_wait3A_1294 = arith.constant 0 : i32
      %dma_wait3A_1295 = tpu.memref_slice %dma_wait3A_1293[%dma_wait3A_1281, %dma_wait3A_1294] : memref<10x128xi32, #tpu.memory_space<vmem>> -> memref<1x128xi32, #tpu.memory_space<vmem>>
      %dma_wait3A_1296 = tpu.memref_squeeze %dma_wait3A_1295 : memref<1x128xi32, #tpu.memory_space<vmem>> -> memref<128xi32, #tpu.memory_space<vmem>>
      %dma_wait3A_1297 = arith.constant 0 : i32
      %dma_wait3A_1298 = arith.constant 0 : i32
      %dma_wait3A_1299 = tpu.memref_slice %arg2[%dma_wait3A_1297, %dma_wait3A_1298] : memref<1000000x32xf32, #tpu.memory_space<hbm>> -> memref<1000000x32xf32, #tpu.memory_space<hbm>>
      tpu.wait_indirect_dma semaphore(%arg9 : memref<!tpu.dma_semaphore, #tpu.memory_space<semaphore_mem>>) src(%dma_wait3A_1299 : memref<1000000x32xf32, #tpu.memory_space<hbm>>) dst(%dma_wait3A_1289 : memref<128x32xf32, #tpu.memory_space<vmem>>)
      %dma_wait3A_1300 = arith.constant 0 : i32
      %dma_wait3A_1301 = arith.constant 2 : i32
      %dma_wait3A_1302 = arith.constant 0 : i32
      %dma_wait3A_1303 = arith.constant 0 : i32
      %dma_wait3A_1304 = arith.constant 0 : i32
      %dma_wait3A_1305 = tpu.memref_slice %arg6[%dma_wait3A_1302, %dma_wait3A_1303, %dma_wait3A_1304] : memref<2x1280x32xf32, #tpu.memory_space<vmem>> -> memref<1x1280x32xf32, #tpu.memory_space<vmem>>
      %dma_wait3A_1306 = tpu.memref_squeeze %dma_wait3A_1305 : memref<1x1280x32xf32, #tpu.memory_space<vmem>> -> memref<1280x32xf32, #tpu.memory_space<vmem>>
      %dma_wait3A_1307 = arith.constant 256 : i32
      %dma_wait3A_1308 = arith.constant 0 : i32
      %dma_wait3A_1309 = tpu.memref_slice %dma_wait3A_1306[%dma_wait3A_1307, %dma_wait3A_1308] : memref<1280x32xf32, #tpu.memory_space<vmem>> -> memref<128x32xf32, #tpu.memory_space<vmem>>
      %dma_wait3A_1310 = arith.constant 0 : i32
      %dma_wait3A_1311 = arith.constant 0 : i32
      %dma_wait3A_1312 = tpu.memref_slice %arg5[%dma_wait3A_1300, %dma_wait3A_1310, %dma_wait3A_1311] : memref<2x10x128xi32, #tpu.memory_space<vmem>> -> memref<1x10x128xi32, #tpu.memory_space<vmem>>
      %dma_wait3A_1313 = tpu.memref_squeeze %dma_wait3A_1312 : memref<1x10x128xi32, #tpu.memory_space<vmem>> -> memref<10x128xi32, #tpu.memory_space<vmem>>
      %dma_wait3A_1314 = arith.constant 0 : i32
      %dma_wait3A_1315 = tpu.memref_slice %dma_wait3A_1313[%dma_wait3A_1301, %dma_wait3A_1314] : memref<10x128xi32, #tpu.memory_space<vmem>> -> memref<1x128xi32, #tpu.memory_space<vmem>>
      %dma_wait3A_1316 = tpu.memref_squeeze %dma_wait3A_1315 : memref<1x128xi32, #tpu.memory_space<vmem>> -> memref<128xi32, #tpu.memory_space<vmem>>
      %dma_wait3A_1317 = arith.constant 0 : i32
      %dma_wait3A_1318 = arith.constant 0 : i32
      %dma_wait3A_1319 = tpu.memref_slice %arg2[%dma_wait3A_1317, %dma_wait3A_1318] : memref<1000000x32xf32, #tpu.memory_space<hbm>> -> memref<1000000x32xf32, #tpu.memory_space<hbm>>
      tpu.wait_indirect_dma semaphore(%arg9 : memref<!tpu.dma_semaphore, #tpu.memory_space<semaphore_mem>>) src(%dma_wait3A_1319 : memref<1000000x32xf32, #tpu.memory_space<hbm>>) dst(%dma_wait3A_1309 : memref<128x32xf32, #tpu.memory_space<vmem>>)
      %dma_wait3A_1320 = arith.constant 0 : i32
      %dma_wait3A_1321 = arith.constant 3 : i32
      %dma_wait3A_1322 = arith.constant 0 : i32
      %dma_wait3A_1323 = arith.constant 0 : i32
      %dma_wait3A_1324 = arith.constant 0 : i32
      %dma_wait3A_1325 = tpu.memref_slice %arg6[%dma_wait3A_1322, %dma_wait3A_1323, %dma_wait3A_1324] : memref<2x1280x32xf32, #tpu.memory_space<vmem>> -> memref<1x1280x32xf32, #tpu.memory_space<vmem>>
      %dma_wait3A_1326 = tpu.memref_squeeze %dma_wait3A_1325 : memref<1x1280x32xf32, #tpu.memory_space<vmem>> -> memref<1280x32xf32, #tpu.memory_space<vmem>>
      %dma_wait3A_1327 = arith.constant 384 : i32
      %dma_wait3A_1328 = arith.constant 0 : i32
      %dma_wait3A_1329 = tpu.memref_slice %dma_wait3A_1326[%dma_wait3A_1327, %dma_wait3A_1328] : memref<1280x32xf32, #tpu.memory_space<vmem>> -> memref<128x32xf32, #tpu.memory_space<vmem>>
      %dma_wait3A_1330 = arith.constant 0 : i32
      %dma_wait3A_1331 = arith.constant 0 : i32
      %dma_wait3A_1332 = tpu.memref_slice %arg5[%dma_wait3A_1320, %dma_wait3A_1330, %dma_wait3A_1331] : memref<2x10x128xi32, #tpu.memory_space<vmem>> -> memref<1x10x128xi32, #tpu.memory_space<vmem>>
      %dma_wait3A_1333 = tpu.memref_squeeze %dma_wait3A_1332 : memref<1x10x128xi32, #tpu.memory_space<vmem>> -> memref<10x128xi32, #tpu.memory_space<vmem>>
      %dma_wait3A_1334 = arith.constant 0 : i32
      %dma_wait3A_1335 = tpu.memref_slice %dma_wait3A_1333[%dma_wait3A_1321, %dma_wait3A_1334] : memref<10x128xi32, #tpu.memory_space<vmem>> -> memref<1x128xi32, #tpu.memory_space<vmem>>
      %dma_wait3A_1336 = tpu.memref_squeeze %dma_wait3A_1335 : memref<1x128xi32, #tpu.memory_space<vmem>> -> memref<128xi32, #tpu.memory_space<vmem>>
      %dma_wait3A_1337 = arith.constant 0 : i32
      %dma_wait3A_1338 = arith.constant 0 : i32
      %dma_wait3A_1339 = tpu.memref_slice %arg2[%dma_wait3A_1337, %dma_wait3A_1338] : memref<1000000x32xf32, #tpu.memory_space<hbm>> -> memref<1000000x32xf32, #tpu.memory_space<hbm>>
      tpu.wait_indirect_dma semaphore(%arg9 : memref<!tpu.dma_semaphore, #tpu.memory_space<semaphore_mem>>) src(%dma_wait3A_1339 : memref<1000000x32xf32, #tpu.memory_space<hbm>>) dst(%dma_wait3A_1329 : memref<128x32xf32, #tpu.memory_space<vmem>>)
      %dma_wait3A_1340 = arith.constant 0 : i32
      %dma_wait3A_1341 = arith.constant 4 : i32
      %dma_wait3A_1342 = arith.constant 0 : i32
      %dma_wait3A_1343 = arith.constant 0 : i32
      %dma_wait3A_1344 = arith.constant 0 : i32
      %dma_wait3A_1345 = tpu.memref_slice %arg6[%dma_wait3A_1342, %dma_wait3A_1343, %dma_wait3A_1344] : memref<2x1280x32xf32, #tpu.memory_space<vmem>> -> memref<1x1280x32xf32, #tpu.memory_space<vmem>>
      %dma_wait3A_1346 = tpu.memref_squeeze %dma_wait3A_1345 : memref<1x1280x32xf32, #tpu.memory_space<vmem>> -> memref<1280x32xf32, #tpu.memory_space<vmem>>
      %dma_wait3A_1347 = arith.constant 512 : i32
      %dma_wait3A_1348 = arith.constant 0 : i32
      %dma_wait3A_1349 = tpu.memref_slice %dma_wait3A_1346[%dma_wait3A_1347, %dma_wait3A_1348] : memref<1280x32xf32, #tpu.memory_space<vmem>> -> memref<128x32xf32, #tpu.memory_space<vmem>>
      %dma_wait3A_1350 = arith.constant 0 : i32
      %dma_wait3A_1351 = arith.constant 0 : i32
      %dma_wait3A_1352 = tpu.memref_slice %arg5[%dma_wait3A_1340, %dma_wait3A_1350, %dma_wait3A_1351] : memref<2x10x128xi32, #tpu.memory_space<vmem>> -> memref<1x10x128xi32, #tpu.memory_space<vmem>>
      %dma_wait3A_1353 = tpu.memref_squeeze %dma_wait3A_1352 : memref<1x10x128xi32, #tpu.memory_space<vmem>> -> memref<10x128xi32, #tpu.memory_space<vmem>>
      %dma_wait3A_1354 = arith.constant 0 : i32
      %dma_wait3A_1355 = tpu.memref_slice %dma_wait3A_1353[%dma_wait3A_1341, %dma_wait3A_1354] : memref<10x128xi32, #tpu.memory_space<vmem>> -> memref<1x128xi32, #tpu.memory_space<vmem>>
      %dma_wait3A_1356 = tpu.memref_squeeze %dma_wait3A_1355 : memref<1x128xi32, #tpu.memory_space<vmem>> -> memref<128xi32, #tpu.memory_space<vmem>>
      %dma_wait3A_1357 = arith.constant 0 : i32
      %dma_wait3A_1358 = arith.constant 0 : i32
      %dma_wait3A_1359 = tpu.memref_slice %arg2[%dma_wait3A_1357, %dma_wait3A_1358] : memref<1000000x32xf32, #tpu.memory_space<hbm>> -> memref<1000000x32xf32, #tpu.memory_space<hbm>>
      tpu.wait_indirect_dma semaphore(%arg9 : memref<!tpu.dma_semaphore, #tpu.memory_space<semaphore_mem>>) src(%dma_wait3A_1359 : memref<1000000x32xf32, #tpu.memory_space<hbm>>) dst(%dma_wait3A_1349 : memref<128x32xf32, #tpu.memory_space<vmem>>)
      %dma_wait3A_1360 = arith.constant 0 : i32
      %dma_wait3A_1361 = arith.constant 5 : i32
      %dma_wait3A_1362 = arith.constant 0 : i32
      %dma_wait3A_1363 = arith.constant 0 : i32
      %dma_wait3A_1364 = arith.constant 0 : i32
      %dma_wait3A_1365 = tpu.memref_slice %arg6[%dma_wait3A_1362, %dma_wait3A_1363, %dma_wait3A_1364] : memref<2x1280x32xf32, #tpu.memory_space<vmem>> -> memref<1x1280x32xf32, #tpu.memory_space<vmem>>
      %dma_wait3A_1366 = tpu.memref_squeeze %dma_wait3A_1365 : memref<1x1280x32xf32, #tpu.memory_space<vmem>> -> memref<1280x32xf32, #tpu.memory_space<vmem>>
      %dma_wait3A_1367 = arith.constant 640 : i32
      %dma_wait3A_1368 = arith.constant 0 : i32
      %dma_wait3A_1369 = tpu.memref_slice %dma_wait3A_1366[%dma_wait3A_1367, %dma_wait3A_1368] : memref<1280x32xf32, #tpu.memory_space<vmem>> -> memref<128x32xf32, #tpu.memory_space<vmem>>
      %dma_wait3A_1370 = arith.constant 0 : i32
      %dma_wait3A_1371 = arith.constant 0 : i32
      %dma_wait3A_1372 = tpu.memref_slice %arg5[%dma_wait3A_1360, %dma_wait3A_1370, %dma_wait3A_1371] : memref<2x10x128xi32, #tpu.memory_space<vmem>> -> memref<1x10x128xi32, #tpu.memory_space<vmem>>
      %dma_wait3A_1373 = tpu.memref_squeeze %dma_wait3A_1372 : memref<1x10x128xi32, #tpu.memory_space<vmem>> -> memref<10x128xi32, #tpu.memory_space<vmem>>
      %dma_wait3A_1374 = arith.constant 0 : i32
      %dma_wait3A_1375 = tpu.memref_slice %dma_wait3A_1373[%dma_wait3A_1361, %dma_wait3A_1374] : memref<10x128xi32, #tpu.memory_space<vmem>> -> memref<1x128xi32, #tpu.memory_space<vmem>>
      %dma_wait3A_1376 = tpu.memref_squeeze %dma_wait3A_1375 : memref<1x128xi32, #tpu.memory_space<vmem>> -> memref<128xi32, #tpu.memory_space<vmem>>
      %dma_wait3A_1377 = arith.constant 0 : i32
      %dma_wait3A_1378 = arith.constant 0 : i32
      %dma_wait3A_1379 = tpu.memref_slice %arg2[%dma_wait3A_1377, %dma_wait3A_1378] : memref<1000000x32xf32, #tpu.memory_space<hbm>> -> memref<1000000x32xf32, #tpu.memory_space<hbm>>
      tpu.wait_indirect_dma semaphore(%arg9 : memref<!tpu.dma_semaphore, #tpu.memory_space<semaphore_mem>>) src(%dma_wait3A_1379 : memref<1000000x32xf32, #tpu.memory_space<hbm>>) dst(%dma_wait3A_1369 : memref<128x32xf32, #tpu.memory_space<vmem>>)
      %dma_wait3A_1380 = arith.constant 0 : i32
      %dma_wait3A_1381 = arith.constant 6 : i32
      %dma_wait3A_1382 = arith.constant 0 : i32
      %dma_wait3A_1383 = arith.constant 0 : i32
      %dma_wait3A_1384 = arith.constant 0 : i32
      %dma_wait3A_1385 = tpu.memref_slice %arg6[%dma_wait3A_1382, %dma_wait3A_1383, %dma_wait3A_1384] : memref<2x1280x32xf32, #tpu.memory_space<vmem>> -> memref<1x1280x32xf32, #tpu.memory_space<vmem>>
      %dma_wait3A_1386 = tpu.memref_squeeze %dma_wait3A_1385 : memref<1x1280x32xf32, #tpu.memory_space<vmem>> -> memref<1280x32xf32, #tpu.memory_space<vmem>>
      %dma_wait3A_1387 = arith.constant 768 : i32
      %dma_wait3A_1388 = arith.constant 0 : i32
      %dma_wait3A_1389 = tpu.memref_slice %dma_wait3A_1386[%dma_wait3A_1387, %dma_wait3A_1388] : memref<1280x32xf32, #tpu.memory_space<vmem>> -> memref<128x32xf32, #tpu.memory_space<vmem>>
      %dma_wait3A_1390 = arith.constant 0 : i32
      %dma_wait3A_1391 = arith.constant 0 : i32
      %dma_wait3A_1392 = tpu.memref_slice %arg5[%dma_wait3A_1380, %dma_wait3A_1390, %dma_wait3A_1391] : memref<2x10x128xi32, #tpu.memory_space<vmem>> -> memref<1x10x128xi32, #tpu.memory_space<vmem>>
      %dma_wait3A_1393 = tpu.memref_squeeze %dma_wait3A_1392 : memref<1x10x128xi32, #tpu.memory_space<vmem>> -> memref<10x128xi32, #tpu.memory_space<vmem>>
      %dma_wait3A_1394 = arith.constant 0 : i32
      %dma_wait3A_1395 = tpu.memref_slice %dma_wait3A_1393[%dma_wait3A_1381, %dma_wait3A_1394] : memref<10x128xi32, #tpu.memory_space<vmem>> -> memref<1x128xi32, #tpu.memory_space<vmem>>
      %dma_wait3A_1396 = tpu.memref_squeeze %dma_wait3A_1395 : memref<1x128xi32, #tpu.memory_space<vmem>> -> memref<128xi32, #tpu.memory_space<vmem>>
      %dma_wait3A_1397 = arith.constant 0 : i32
      %dma_wait3A_1398 = arith.constant 0 : i32
      %dma_wait3A_1399 = tpu.memref_slice %arg2[%dma_wait3A_1397, %dma_wait3A_1398] : memref<1000000x32xf32, #tpu.memory_space<hbm>> -> memref<1000000x32xf32, #tpu.memory_space<hbm>>
      tpu.wait_indirect_dma semaphore(%arg9 : memref<!tpu.dma_semaphore, #tpu.memory_space<semaphore_mem>>) src(%dma_wait3A_1399 : memref<1000000x32xf32, #tpu.memory_space<hbm>>) dst(%dma_wait3A_1389 : memref<128x32xf32, #tpu.memory_space<vmem>>)
      %dma_wait3A_1400 = arith.constant 0 : i32
      %dma_wait3A_1401 = arith.constant 7 : i32
      %dma_wait3A_1402 = arith.constant 0 : i32
      %dma_wait3A_1403 = arith.constant 0 : i32
      %dma_wait3A_1404 = arith.constant 0 : i32
      %dma_wait3A_1405 = tpu.memref_slice %arg6[%dma_wait3A_1402, %dma_wait3A_1403, %dma_wait3A_1404] : memref<2x1280x32xf32, #tpu.memory_space<vmem>> -> memref<1x1280x32xf32, #tpu.memory_space<vmem>>
      %dma_wait3A_1406 = tpu.memref_squeeze %dma_wait3A_1405 : memref<1x1280x32xf32, #tpu.memory_space<vmem>> -> memref<1280x32xf32, #tpu.memory_space<vmem>>
      %dma_wait3A_1407 = arith.constant 896 : i32
      %dma_wait3A_1408 = arith.constant 0 : i32
      %dma_wait3A_1409 = tpu.memref_slice %dma_wait3A_1406[%dma_wait3A_1407, %dma_wait3A_1408] : memref<1280x32xf32, #tpu.memory_space<vmem>> -> memref<128x32xf32, #tpu.memory_space<vmem>>
      %dma_wait3A_1410 = arith.constant 0 : i32
      %dma_wait3A_1411 = arith.constant 0 : i32
      %dma_wait3A_1412 = tpu.memref_slice %arg5[%dma_wait3A_1400, %dma_wait3A_1410, %dma_wait3A_1411] : memref<2x10x128xi32, #tpu.memory_space<vmem>> -> memref<1x10x128xi32, #tpu.memory_space<vmem>>
      %dma_wait3A_1413 = tpu.memref_squeeze %dma_wait3A_1412 : memref<1x10x128xi32, #tpu.memory_space<vmem>> -> memref<10x128xi32, #tpu.memory_space<vmem>>
      %dma_wait3A_1414 = arith.constant 0 : i32
      %dma_wait3A_1415 = tpu.memref_slice %dma_wait3A_1413[%dma_wait3A_1401, %dma_wait3A_1414] : memref<10x128xi32, #tpu.memory_space<vmem>> -> memref<1x128xi32, #tpu.memory_space<vmem>>
      %dma_wait3A_1416 = tpu.memref_squeeze %dma_wait3A_1415 : memref<1x128xi32, #tpu.memory_space<vmem>> -> memref<128xi32, #tpu.memory_space<vmem>>
      %dma_wait3A_1417 = arith.constant 0 : i32
      %dma_wait3A_1418 = arith.constant 0 : i32
      %dma_wait3A_1419 = tpu.memref_slice %arg2[%dma_wait3A_1417, %dma_wait3A_1418] : memref<1000000x32xf32, #tpu.memory_space<hbm>> -> memref<1000000x32xf32, #tpu.memory_space<hbm>>
      tpu.wait_indirect_dma semaphore(%arg9 : memref<!tpu.dma_semaphore, #tpu.memory_space<semaphore_mem>>) src(%dma_wait3A_1419 : memref<1000000x32xf32, #tpu.memory_space<hbm>>) dst(%dma_wait3A_1409 : memref<128x32xf32, #tpu.memory_space<vmem>>)
      %dma_wait3A_1420 = arith.constant 0 : i32
      %dma_wait3A_1421 = arith.constant 8 : i32
      %dma_wait3A_1422 = arith.constant 0 : i32
      %dma_wait3A_1423 = arith.constant 0 : i32
      %dma_wait3A_1424 = arith.constant 0 : i32
      %dma_wait3A_1425 = tpu.memref_slice %arg6[%dma_wait3A_1422, %dma_wait3A_1423, %dma_wait3A_1424] : memref<2x1280x32xf32, #tpu.memory_space<vmem>> -> memref<1x1280x32xf32, #tpu.memory_space<vmem>>
      %dma_wait3A_1426 = tpu.memref_squeeze %dma_wait3A_1425 : memref<1x1280x32xf32, #tpu.memory_space<vmem>> -> memref<1280x32xf32, #tpu.memory_space<vmem>>
      %dma_wait3A_1427 = arith.constant 1024 : i32
      %dma_wait3A_1428 = arith.constant 0 : i32
      %dma_wait3A_1429 = tpu.memref_slice %dma_wait3A_1426[%dma_wait3A_1427, %dma_wait3A_1428] : memref<1280x32xf32, #tpu.memory_space<vmem>> -> memref<128x32xf32, #tpu.memory_space<vmem>>
      %dma_wait3A_1430 = arith.constant 0 : i32
      %dma_wait3A_1431 = arith.constant 0 : i32
      %dma_wait3A_1432 = tpu.memref_slice %arg5[%dma_wait3A_1420, %dma_wait3A_1430, %dma_wait3A_1431] : memref<2x10x128xi32, #tpu.memory_space<vmem>> -> memref<1x10x128xi32, #tpu.memory_space<vmem>>
      %dma_wait3A_1433 = tpu.memref_squeeze %dma_wait3A_1432 : memref<1x10x128xi32, #tpu.memory_space<vmem>> -> memref<10x128xi32, #tpu.memory_space<vmem>>
      %dma_wait3A_1434 = arith.constant 0 : i32
      %dma_wait3A_1435 = tpu.memref_slice %dma_wait3A_1433[%dma_wait3A_1421, %dma_wait3A_1434] : memref<10x128xi32, #tpu.memory_space<vmem>> -> memref<1x128xi32, #tpu.memory_space<vmem>>
      %dma_wait3A_1436 = tpu.memref_squeeze %dma_wait3A_1435 : memref<1x128xi32, #tpu.memory_space<vmem>> -> memref<128xi32, #tpu.memory_space<vmem>>
      %dma_wait3A_1437 = arith.constant 0 : i32
      %dma_wait3A_1438 = arith.constant 0 : i32
      %dma_wait3A_1439 = tpu.memref_slice %arg2[%dma_wait3A_1437, %dma_wait3A_1438] : memref<1000000x32xf32, #tpu.memory_space<hbm>> -> memref<1000000x32xf32, #tpu.memory_space<hbm>>
      tpu.wait_indirect_dma semaphore(%arg9 : memref<!tpu.dma_semaphore, #tpu.memory_space<semaphore_mem>>) src(%dma_wait3A_1439 : memref<1000000x32xf32, #tpu.memory_space<hbm>>) dst(%dma_wait3A_1429 : memref<128x32xf32, #tpu.memory_space<vmem>>)
      %dma_wait3A_1440 = arith.constant 0 : i32
      %dma_wait3A_1441 = arith.constant 9 : i32
      %dma_wait3A_1442 = arith.constant 0 : i32
      %dma_wait3A_1443 = arith.constant 0 : i32
      %dma_wait3A_1444 = arith.constant 0 : i32
      %dma_wait3A_1445 = tpu.memref_slice %arg6[%dma_wait3A_1442, %dma_wait3A_1443, %dma_wait3A_1444] : memref<2x1280x32xf32, #tpu.memory_space<vmem>> -> memref<1x1280x32xf32, #tpu.memory_space<vmem>>
      %dma_wait3A_1446 = tpu.memref_squeeze %dma_wait3A_1445 : memref<1x1280x32xf32, #tpu.memory_space<vmem>> -> memref<1280x32xf32, #tpu.memory_space<vmem>>
      %dma_wait3A_1447 = arith.constant 1152 : i32
      %dma_wait3A_1448 = arith.constant 0 : i32
      %dma_wait3A_1449 = tpu.memref_slice %dma_wait3A_1446[%dma_wait3A_1447, %dma_wait3A_1448] : memref<1280x32xf32, #tpu.memory_space<vmem>> -> memref<128x32xf32, #tpu.memory_space<vmem>>
      %dma_wait3A_1450 = arith.constant 0 : i32
      %dma_wait3A_1451 = arith.constant 0 : i32
      %dma_wait3A_1452 = tpu.memref_slice %arg5[%dma_wait3A_1440, %dma_wait3A_1450, %dma_wait3A_1451] : memref<2x10x128xi32, #tpu.memory_space<vmem>> -> memref<1x10x128xi32, #tpu.memory_space<vmem>>
      %dma_wait3A_1453 = tpu.memref_squeeze %dma_wait3A_1452 : memref<1x10x128xi32, #tpu.memory_space<vmem>> -> memref<10x128xi32, #tpu.memory_space<vmem>>
      %dma_wait3A_1454 = arith.constant 0 : i32
      %dma_wait3A_1455 = tpu.memref_slice %dma_wait3A_1453[%dma_wait3A_1441, %dma_wait3A_1454] : memref<10x128xi32, #tpu.memory_space<vmem>> -> memref<1x128xi32, #tpu.memory_space<vmem>>
      %dma_wait3A_1456 = tpu.memref_squeeze %dma_wait3A_1455 : memref<1x128xi32, #tpu.memory_space<vmem>> -> memref<128xi32, #tpu.memory_space<vmem>>
      %dma_wait3A_1457 = arith.constant 0 : i32
      %dma_wait3A_1458 = arith.constant 0 : i32
      %dma_wait3A_1459 = tpu.memref_slice %arg2[%dma_wait3A_1457, %dma_wait3A_1458] : memref<1000000x32xf32, #tpu.memory_space<hbm>> -> memref<1000000x32xf32, #tpu.memory_space<hbm>>
      tpu.wait_indirect_dma semaphore(%arg9 : memref<!tpu.dma_semaphore, #tpu.memory_space<semaphore_mem>>) src(%dma_wait3A_1459 : memref<1000000x32xf32, #tpu.memory_space<hbm>>) dst(%dma_wait3A_1449 : memref<128x32xf32, #tpu.memory_space<vmem>>)
      %add3A_1460 = arith.constant 2 : i32
      %add3A_1461 = arith.addi %add3A_1025, %add3A_1460 : i32
      %min3A_1462 = arith.constant 79 : i32
      %min3A_1463 = arith.minsi %add3A_1461, %min3A_1462 : i32
      %mul3A_1464 = arith.constant 10 : i32
      %mul3A_1465 = arith.muli %min3A_1463, %mul3A_1464 : i32
      %add3A_1466 = arith.addi %mul3A_2, %mul3A_1465 : i32
      %dma_start3A_1467 = arith.constant 0 : i32
      %dma_start3A_1468 = arith.constant 0 : i32
      %dma_start3A_1469 = arith.constant 0 : i32
      %dma_start3A_1470 = tpu.memref_slice %arg5[%dma_start3A_1467, %dma_start3A_1468, %dma_start3A_1469] : memref<2x10x128xi32, #tpu.memory_space<vmem>> -> memref<1x10x128xi32, #tpu.memory_space<vmem>>
      %dma_start3A_1471 = tpu.memref_squeeze %dma_start3A_1470 : memref<1x10x128xi32, #tpu.memory_space<vmem>> -> memref<10x128xi32, #tpu.memory_space<vmem>>
      %dma_start3A_1472 = arith.constant 0 : i32
      %dma_start3A_1473 = tpu.memref_slice %arg3[%add3A_1466, %dma_start3A_1472] : memref<25600x128xi32, #tpu.memory_space<hbm>> -> memref<10x128xi32, #tpu.memory_space<hbm>>
      %dma_start3A_1474 = arith.constant 0 : i32
      %dma_start3A_1475 = arith.constant 0 : i32
      %dma_start3A_1476 = tpu.memref_slice %arg5[%dma_start3A_1467, %dma_start3A_1474, %dma_start3A_1475] : memref<2x10x128xi32, #tpu.memory_space<vmem>> -> memref<1x10x128xi32, #tpu.memory_space<vmem>>
      %dma_start3A_1477 = tpu.memref_squeeze %dma_start3A_1476 : memref<1x10x128xi32, #tpu.memory_space<vmem>> -> memref<10x128xi32, #tpu.memory_space<vmem>>
      %dma_start3A_1478 = arith.constant 0 : i32
      %dma_start3A_1479 = tpu.memref_slice %arg3[%add3A_1466, %dma_start3A_1478] : memref<25600x128xi32, #tpu.memory_space<hbm>> -> memref<10x128xi32, #tpu.memory_space<hbm>>
      tpu.enqueue_dma source(%dma_start3A_1479 : memref<10x128xi32, #tpu.memory_space<hbm>>) target(%dma_start3A_1477 : memref<10x128xi32, #tpu.memory_space<vmem>>) target_semaphore(%arg7 : memref<!tpu.dma_semaphore, #tpu.memory_space<semaphore_mem>>)
      %mul3A_1480 = arith.constant 1280 : i32
      %mul3A_1481 = arith.muli %add3A_1025, %mul3A_1480 : i32
      %add3A_1482 = arith.addi %mul3A_4, %mul3A_1481 : i32
      %dma_start3A_1483 = arith.constant 0 : i32
      %dma_start3A_1484 = arith.constant 0 : i32
      %dma_start3A_1485 = arith.constant 0 : i32
      %dma_start3A_1486 = tpu.memref_slice %arg6[%dma_start3A_1483, %dma_start3A_1484, %dma_start3A_1485] : memref<2x1280x32xf32, #tpu.memory_space<vmem>> -> memref<1x1280x32xf32, #tpu.memory_space<vmem>>
      %dma_start3A_1487 = tpu.memref_squeeze %dma_start3A_1486 : memref<1x1280x32xf32, #tpu.memory_space<vmem>> -> memref<1280x32xf32, #tpu.memory_space<vmem>>
      %dma_start3A_1488 = arith.constant 0 : i32
      %dma_start3A_1489 = tpu.memref_slice %arg4[%add3A_1482, %dma_start3A_1488] : memref<3276800x128xf32, #tpu.memory_space<hbm>> -> memref<1280x32xf32, #tpu.memory_space<hbm>>
      %dma_start3A_1490 = arith.constant 0 : i32
      %dma_start3A_1491 = tpu.memref_slice %arg4[%add3A_1482, %dma_start3A_1490] : memref<3276800x128xf32, #tpu.memory_space<hbm>> -> memref<1280x32xf32, #tpu.memory_space<hbm>>
      %dma_start3A_1492 = arith.constant 0 : i32
      %dma_start3A_1493 = arith.constant 0 : i32
      %dma_start3A_1494 = tpu.memref_slice %arg6[%dma_start3A_1483, %dma_start3A_1492, %dma_start3A_1493] : memref<2x1280x32xf32, #tpu.memory_space<vmem>> -> memref<1x1280x32xf32, #tpu.memory_space<vmem>>
      %dma_start3A_1495 = tpu.memref_squeeze %dma_start3A_1494 : memref<1x1280x32xf32, #tpu.memory_space<vmem>> -> memref<1280x32xf32, #tpu.memory_space<vmem>>
      tpu.enqueue_dma source(%dma_start3A_1495 : memref<1280x32xf32, #tpu.memory_space<vmem>>) target(%dma_start3A_1491 : memref<1280x32xf32, #tpu.memory_space<hbm>>) target_semaphore(%arg11 : memref<!tpu.dma_semaphore, #tpu.memory_space<semaphore_mem>>)
      %add3A_1496 = arith.constant 1 : i32
      %add3A_1497 = arith.addi %add3A_1023, %add3A_1496 : i32
      %min3A_1498 = arith.constant 79 : i32
      %min3A_1499 = arith.minsi %add3A_1497, %min3A_1498 : i32
      %mul3A_1500 = arith.constant 10 : i32
      %mul3A_1501 = arith.muli %min3A_1499, %mul3A_1500 : i32
      %add3A_1502 = arith.addi %mul3A_2, %mul3A_1501 : i32
      %dma_wait3A_1503 = arith.constant 1 : i32
      %dma_wait3A_1504 = arith.constant 0 : i32
      %dma_wait3A_1505 = arith.constant 0 : i32
      %dma_wait3A_1506 = tpu.memref_slice %arg5[%dma_wait3A_1503, %dma_wait3A_1504, %dma_wait3A_1505] : memref<2x10x128xi32, #tpu.memory_space<vmem>> -> memref<1x10x128xi32, #tpu.memory_space<vmem>>
      %dma_wait3A_1507 = tpu.memref_squeeze %dma_wait3A_1506 : memref<1x10x128xi32, #tpu.memory_space<vmem>> -> memref<10x128xi32, #tpu.memory_space<vmem>>
      %dma_wait3A_1508 = arith.constant 0 : i32
      %dma_wait3A_1509 = tpu.memref_slice %arg3[%add3A_1502, %dma_wait3A_1508] : memref<25600x128xi32, #tpu.memory_space<hbm>> -> memref<10x128xi32, #tpu.memory_space<hbm>>
      %dma_wait3A_1510 = arith.constant 0 : i32
      %dma_wait3A_1511 = arith.constant 0 : i32
      %dma_wait3A_1512 = tpu.memref_slice %arg5[%dma_wait3A_1503, %dma_wait3A_1510, %dma_wait3A_1511] : memref<2x10x128xi32, #tpu.memory_space<vmem>> -> memref<1x10x128xi32, #tpu.memory_space<vmem>>
      %dma_wait3A_1513 = tpu.memref_squeeze %dma_wait3A_1512 : memref<1x10x128xi32, #tpu.memory_space<vmem>> -> memref<10x128xi32, #tpu.memory_space<vmem>>
      %dma_wait3A_1514 = arith.constant 0 : i32
      %dma_wait3A_1515 = tpu.memref_slice %arg3[%add3A_1502, %dma_wait3A_1514] : memref<25600x128xi32, #tpu.memory_space<hbm>> -> memref<10x128xi32, #tpu.memory_space<hbm>>
      tpu.wait_dma2 semaphore(%arg8 : memref<!tpu.dma_semaphore, #tpu.memory_space<semaphore_mem>>) src(%dma_wait3A_1515 : memref<10x128xi32, #tpu.memory_space<hbm>>) dst(%dma_wait3A_1513 : memref<10x128xi32, #tpu.memory_space<vmem>>)
      %mul3A_1516 = arith.constant 1280 : i32
      %mul3A_1517 = arith.muli %add3A_1497, %mul3A_1516 : i32
      %add3A_1518 = arith.addi %mul3A_4, %mul3A_1517 : i32
      %dma_wait3A_1519 = arith.constant 1 : i32
      %dma_wait3A_1520 = arith.constant 0 : i32
      %dma_wait3A_1521 = arith.constant 0 : i32
      %dma_wait3A_1522 = tpu.memref_slice %arg6[%dma_wait3A_1519, %dma_wait3A_1520, %dma_wait3A_1521] : memref<2x1280x32xf32, #tpu.memory_space<vmem>> -> memref<1x1280x32xf32, #tpu.memory_space<vmem>>
      %dma_wait3A_1523 = tpu.memref_squeeze %dma_wait3A_1522 : memref<1x1280x32xf32, #tpu.memory_space<vmem>> -> memref<1280x32xf32, #tpu.memory_space<vmem>>
      %dma_wait3A_1524 = arith.constant 0 : i32
      %dma_wait3A_1525 = tpu.memref_slice %arg4[%add3A_1518, %dma_wait3A_1524] : memref<3276800x128xf32, #tpu.memory_space<hbm>> -> memref<1280x32xf32, #tpu.memory_space<hbm>>
      %dma_wait3A_1526 = arith.constant 0 : i32
      %dma_wait3A_1527 = tpu.memref_slice %arg4[%add3A_1518, %dma_wait3A_1526] : memref<3276800x128xf32, #tpu.memory_space<hbm>> -> memref<1280x32xf32, #tpu.memory_space<hbm>>
      %dma_wait3A_1528 = arith.constant 0 : i32
      %dma_wait3A_1529 = arith.constant 0 : i32
      %dma_wait3A_1530 = tpu.memref_slice %arg6[%dma_wait3A_1519, %dma_wait3A_1528, %dma_wait3A_1529] : memref<2x1280x32xf32, #tpu.memory_space<vmem>> -> memref<1x1280x32xf32, #tpu.memory_space<vmem>>
      %dma_wait3A_1531 = tpu.memref_squeeze %dma_wait3A_1530 : memref<1x1280x32xf32, #tpu.memory_space<vmem>> -> memref<1280x32xf32, #tpu.memory_space<vmem>>
      tpu.wait_dma2 semaphore(%arg12 : memref<!tpu.dma_semaphore, #tpu.memory_space<semaphore_mem>>) src(%dma_wait3A_1531 : memref<1280x32xf32, #tpu.memory_space<vmem>>) dst(%dma_wait3A_1527 : memref<1280x32xf32, #tpu.memory_space<hbm>>)
      %dma_start3A_1532 = arith.constant 1 : i32
      %dma_start3A_1533 = arith.constant 0 : i32
      %dma_start3A_1534 = arith.constant 1 : i32
      %dma_start3A_1535 = arith.constant 0 : i32
      %dma_start3A_1536 = arith.constant 0 : i32
      %dma_start3A_1537 = tpu.memref_slice %arg6[%dma_start3A_1534, %dma_start3A_1535, %dma_start3A_1536] : memref<2x1280x32xf32, #tpu.memory_space<vmem>> -> memref<1x1280x32xf32, #tpu.memory_space<vmem>>
      %dma_start3A_1538 = tpu.memref_squeeze %dma_start3A_1537 : memref<1x1280x32xf32, #tpu.memory_space<vmem>> -> memref<1280x32xf32, #tpu.memory_space<vmem>>
      %dma_start3A_1539 = arith.constant 0 : i32
      %dma_start3A_1540 = arith.constant 0 : i32
      %dma_start3A_1541 = tpu.memref_slice %dma_start3A_1538[%dma_start3A_1539, %dma_start3A_1540] : memref<1280x32xf32, #tpu.memory_space<vmem>> -> memref<128x32xf32, #tpu.memory_space<vmem>>
      %dma_start3A_1542 = arith.constant 0 : i32
      %dma_start3A_1543 = arith.constant 0 : i32
      %dma_start3A_1544 = tpu.memref_slice %arg5[%dma_start3A_1532, %dma_start3A_1542, %dma_start3A_1543] : memref<2x10x128xi32, #tpu.memory_space<vmem>> -> memref<1x10x128xi32, #tpu.memory_space<vmem>>
      %dma_start3A_1545 = tpu.memref_squeeze %dma_start3A_1544 : memref<1x10x128xi32, #tpu.memory_space<vmem>> -> memref<10x128xi32, #tpu.memory_space<vmem>>
      %dma_start3A_1546 = arith.constant 0 : i32
      %dma_start3A_1547 = tpu.memref_slice %dma_start3A_1545[%dma_start3A_1533, %dma_start3A_1546] : memref<10x128xi32, #tpu.memory_space<vmem>> -> memref<1x128xi32, #tpu.memory_space<vmem>>
      %dma_start3A_1548 = tpu.memref_squeeze %dma_start3A_1547 : memref<1x128xi32, #tpu.memory_space<vmem>> -> memref<128xi32, #tpu.memory_space<vmem>>
      %dma_start3A_1549 = arith.constant 0 : i32
      %dma_start3A_1550 = arith.constant 0 : i32
      %dma_start3A_1551 = tpu.memref_slice %arg2[%dma_start3A_1549, %dma_start3A_1550] : memref<1000000x32xf32, #tpu.memory_space<hbm>> -> memref<1000000x32xf32, #tpu.memory_space<hbm>>
      tpu.enqueue_indirect_dma source(%dma_start3A_1551 : memref<1000000x32xf32, #tpu.memory_space<hbm>>) target(%dma_start3A_1541 : memref<128x32xf32, #tpu.memory_space<vmem>>) offsets(%dma_start3A_1548 : memref<128xi32, #tpu.memory_space<vmem>>) semaphore(%arg10 : memref<!tpu.dma_semaphore, #tpu.memory_space<semaphore_mem>>)
      %dma_start3A_1552 = arith.constant 1 : i32
      %dma_start3A_1553 = arith.constant 1 : i32
      %dma_start3A_1554 = arith.constant 1 : i32
      %dma_start3A_1555 = arith.constant 0 : i32
      %dma_start3A_1556 = arith.constant 0 : i32
      %dma_start3A_1557 = tpu.memref_slice %arg6[%dma_start3A_1554, %dma_start3A_1555, %dma_start3A_1556] : memref<2x1280x32xf32, #tpu.memory_space<vmem>> -> memref<1x1280x32xf32, #tpu.memory_space<vmem>>
      %dma_start3A_1558 = tpu.memref_squeeze %dma_start3A_1557 : memref<1x1280x32xf32, #tpu.memory_space<vmem>> -> memref<1280x32xf32, #tpu.memory_space<vmem>>
      %dma_start3A_1559 = arith.constant 128 : i32
      %dma_start3A_1560 = arith.constant 0 : i32
      %dma_start3A_1561 = tpu.memref_slice %dma_start3A_1558[%dma_start3A_1559, %dma_start3A_1560] : memref<1280x32xf32, #tpu.memory_space<vmem>> -> memref<128x32xf32, #tpu.memory_space<vmem>>
      %dma_start3A_1562 = arith.constant 0 : i32
      %dma_start3A_1563 = arith.constant 0 : i32
      %dma_start3A_1564 = tpu.memref_slice %arg5[%dma_start3A_1552, %dma_start3A_1562, %dma_start3A_1563] : memref<2x10x128xi32, #tpu.memory_space<vmem>> -> memref<1x10x128xi32, #tpu.memory_space<vmem>>
      %dma_start3A_1565 = tpu.memref_squeeze %dma_start3A_1564 : memref<1x10x128xi32, #tpu.memory_space<vmem>> -> memref<10x128xi32, #tpu.memory_space<vmem>>
      %dma_start3A_1566 = arith.constant 0 : i32
      %dma_start3A_1567 = tpu.memref_slice %dma_start3A_1565[%dma_start3A_1553, %dma_start3A_1566] : memref<10x128xi32, #tpu.memory_space<vmem>> -> memref<1x128xi32, #tpu.memory_space<vmem>>
      %dma_start3A_1568 = tpu.memref_squeeze %dma_start3A_1567 : memref<1x128xi32, #tpu.memory_space<vmem>> -> memref<128xi32, #tpu.memory_space<vmem>>
      %dma_start3A_1569 = arith.constant 0 : i32
      %dma_start3A_1570 = arith.constant 0 : i32
      %dma_start3A_1571 = tpu.memref_slice %arg2[%dma_start3A_1569, %dma_start3A_1570] : memref<1000000x32xf32, #tpu.memory_space<hbm>> -> memref<1000000x32xf32, #tpu.memory_space<hbm>>
      tpu.enqueue_indirect_dma source(%dma_start3A_1571 : memref<1000000x32xf32, #tpu.memory_space<hbm>>) target(%dma_start3A_1561 : memref<128x32xf32, #tpu.memory_space<vmem>>) offsets(%dma_start3A_1568 : memref<128xi32, #tpu.memory_space<vmem>>) semaphore(%arg10 : memref<!tpu.dma_semaphore, #tpu.memory_space<semaphore_mem>>)
      %dma_start3A_1572 = arith.constant 1 : i32
      %dma_start3A_1573 = arith.constant 2 : i32
      %dma_start3A_1574 = arith.constant 1 : i32
      %dma_start3A_1575 = arith.constant 0 : i32
      %dma_start3A_1576 = arith.constant 0 : i32
      %dma_start3A_1577 = tpu.memref_slice %arg6[%dma_start3A_1574, %dma_start3A_1575, %dma_start3A_1576] : memref<2x1280x32xf32, #tpu.memory_space<vmem>> -> memref<1x1280x32xf32, #tpu.memory_space<vmem>>
      %dma_start3A_1578 = tpu.memref_squeeze %dma_start3A_1577 : memref<1x1280x32xf32, #tpu.memory_space<vmem>> -> memref<1280x32xf32, #tpu.memory_space<vmem>>
      %dma_start3A_1579 = arith.constant 256 : i32
      %dma_start3A_1580 = arith.constant 0 : i32
      %dma_start3A_1581 = tpu.memref_slice %dma_start3A_1578[%dma_start3A_1579, %dma_start3A_1580] : memref<1280x32xf32, #tpu.memory_space<vmem>> -> memref<128x32xf32, #tpu.memory_space<vmem>>
      %dma_start3A_1582 = arith.constant 0 : i32
      %dma_start3A_1583 = arith.constant 0 : i32
      %dma_start3A_1584 = tpu.memref_slice %arg5[%dma_start3A_1572, %dma_start3A_1582, %dma_start3A_1583] : memref<2x10x128xi32, #tpu.memory_space<vmem>> -> memref<1x10x128xi32, #tpu.memory_space<vmem>>
      %dma_start3A_1585 = tpu.memref_squeeze %dma_start3A_1584 : memref<1x10x128xi32, #tpu.memory_space<vmem>> -> memref<10x128xi32, #tpu.memory_space<vmem>>
      %dma_start3A_1586 = arith.constant 0 : i32
      %dma_start3A_1587 = tpu.memref_slice %dma_start3A_1585[%dma_start3A_1573, %dma_start3A_1586] : memref<10x128xi32, #tpu.memory_space<vmem>> -> memref<1x128xi32, #tpu.memory_space<vmem>>
      %dma_start3A_1588 = tpu.memref_squeeze %dma_start3A_1587 : memref<1x128xi32, #tpu.memory_space<vmem>> -> memref<128xi32, #tpu.memory_space<vmem>>
      %dma_start3A_1589 = arith.constant 0 : i32
      %dma_start3A_1590 = arith.constant 0 : i32
      %dma_start3A_1591 = tpu.memref_slice %arg2[%dma_start3A_1589, %dma_start3A_1590] : memref<1000000x32xf32, #tpu.memory_space<hbm>> -> memref<1000000x32xf32, #tpu.memory_space<hbm>>
      tpu.enqueue_indirect_dma source(%dma_start3A_1591 : memref<1000000x32xf32, #tpu.memory_space<hbm>>) target(%dma_start3A_1581 : memref<128x32xf32, #tpu.memory_space<vmem>>) offsets(%dma_start3A_1588 : memref<128xi32, #tpu.memory_space<vmem>>) semaphore(%arg10 : memref<!tpu.dma_semaphore, #tpu.memory_space<semaphore_mem>>)
      %dma_start3A_1592 = arith.constant 1 : i32
      %dma_start3A_1593 = arith.constant 3 : i32
      %dma_start3A_1594 = arith.constant 1 : i32
      %dma_start3A_1595 = arith.constant 0 : i32
      %dma_start3A_1596 = arith.constant 0 : i32
      %dma_start3A_1597 = tpu.memref_slice %arg6[%dma_start3A_1594, %dma_start3A_1595, %dma_start3A_1596] : memref<2x1280x32xf32, #tpu.memory_space<vmem>> -> memref<1x1280x32xf32, #tpu.memory_space<vmem>>
      %dma_start3A_1598 = tpu.memref_squeeze %dma_start3A_1597 : memref<1x1280x32xf32, #tpu.memory_space<vmem>> -> memref<1280x32xf32, #tpu.memory_space<vmem>>
      %dma_start3A_1599 = arith.constant 384 : i32
      %dma_start3A_1600 = arith.constant 0 : i32
      %dma_start3A_1601 = tpu.memref_slice %dma_start3A_1598[%dma_start3A_1599, %dma_start3A_1600] : memref<1280x32xf32, #tpu.memory_space<vmem>> -> memref<128x32xf32, #tpu.memory_space<vmem>>
      %dma_start3A_1602 = arith.constant 0 : i32
      %dma_start3A_1603 = arith.constant 0 : i32
      %dma_start3A_1604 = tpu.memref_slice %arg5[%dma_start3A_1592, %dma_start3A_1602, %dma_start3A_1603] : memref<2x10x128xi32, #tpu.memory_space<vmem>> -> memref<1x10x128xi32, #tpu.memory_space<vmem>>
      %dma_start3A_1605 = tpu.memref_squeeze %dma_start3A_1604 : memref<1x10x128xi32, #tpu.memory_space<vmem>> -> memref<10x128xi32, #tpu.memory_space<vmem>>
      %dma_start3A_1606 = arith.constant 0 : i32
      %dma_start3A_1607 = tpu.memref_slice %dma_start3A_1605[%dma_start3A_1593, %dma_start3A_1606] : memref<10x128xi32, #tpu.memory_space<vmem>> -> memref<1x128xi32, #tpu.memory_space<vmem>>
      %dma_start3A_1608 = tpu.memref_squeeze %dma_start3A_1607 : memref<1x128xi32, #tpu.memory_space<vmem>> -> memref<128xi32, #tpu.memory_space<vmem>>
      %dma_start3A_1609 = arith.constant 0 : i32
      %dma_start3A_1610 = arith.constant 0 : i32
      %dma_start3A_1611 = tpu.memref_slice %arg2[%dma_start3A_1609, %dma_start3A_1610] : memref<1000000x32xf32, #tpu.memory_space<hbm>> -> memref<1000000x32xf32, #tpu.memory_space<hbm>>
      tpu.enqueue_indirect_dma source(%dma_start3A_1611 : memref<1000000x32xf32, #tpu.memory_space<hbm>>) target(%dma_start3A_1601 : memref<128x32xf32, #tpu.memory_space<vmem>>) offsets(%dma_start3A_1608 : memref<128xi32, #tpu.memory_space<vmem>>) semaphore(%arg10 : memref<!tpu.dma_semaphore, #tpu.memory_space<semaphore_mem>>)
      %dma_start3A_1612 = arith.constant 1 : i32
      %dma_start3A_1613 = arith.constant 4 : i32
      %dma_start3A_1614 = arith.constant 1 : i32
      %dma_start3A_1615 = arith.constant 0 : i32
      %dma_start3A_1616 = arith.constant 0 : i32
      %dma_start3A_1617 = tpu.memref_slice %arg6[%dma_start3A_1614, %dma_start3A_1615, %dma_start3A_1616] : memref<2x1280x32xf32, #tpu.memory_space<vmem>> -> memref<1x1280x32xf32, #tpu.memory_space<vmem>>
      %dma_start3A_1618 = tpu.memref_squeeze %dma_start3A_1617 : memref<1x1280x32xf32, #tpu.memory_space<vmem>> -> memref<1280x32xf32, #tpu.memory_space<vmem>>
      %dma_start3A_1619 = arith.constant 512 : i32
      %dma_start3A_1620 = arith.constant 0 : i32
      %dma_start3A_1621 = tpu.memref_slice %dma_start3A_1618[%dma_start3A_1619, %dma_start3A_1620] : memref<1280x32xf32, #tpu.memory_space<vmem>> -> memref<128x32xf32, #tpu.memory_space<vmem>>
      %dma_start3A_1622 = arith.constant 0 : i32
      %dma_start3A_1623 = arith.constant 0 : i32
      %dma_start3A_1624 = tpu.memref_slice %arg5[%dma_start3A_1612, %dma_start3A_1622, %dma_start3A_1623] : memref<2x10x128xi32, #tpu.memory_space<vmem>> -> memref<1x10x128xi32, #tpu.memory_space<vmem>>
      %dma_start3A_1625 = tpu.memref_squeeze %dma_start3A_1624 : memref<1x10x128xi32, #tpu.memory_space<vmem>> -> memref<10x128xi32, #tpu.memory_space<vmem>>
      %dma_start3A_1626 = arith.constant 0 : i32
      %dma_start3A_1627 = tpu.memref_slice %dma_start3A_1625[%dma_start3A_1613, %dma_start3A_1626] : memref<10x128xi32, #tpu.memory_space<vmem>> -> memref<1x128xi32, #tpu.memory_space<vmem>>
      %dma_start3A_1628 = tpu.memref_squeeze %dma_start3A_1627 : memref<1x128xi32, #tpu.memory_space<vmem>> -> memref<128xi32, #tpu.memory_space<vmem>>
      %dma_start3A_1629 = arith.constant 0 : i32
      %dma_start3A_1630 = arith.constant 0 : i32
      %dma_start3A_1631 = tpu.memref_slice %arg2[%dma_start3A_1629, %dma_start3A_1630] : memref<1000000x32xf32, #tpu.memory_space<hbm>> -> memref<1000000x32xf32, #tpu.memory_space<hbm>>
      tpu.enqueue_indirect_dma source(%dma_start3A_1631 : memref<1000000x32xf32, #tpu.memory_space<hbm>>) target(%dma_start3A_1621 : memref<128x32xf32, #tpu.memory_space<vmem>>) offsets(%dma_start3A_1628 : memref<128xi32, #tpu.memory_space<vmem>>) semaphore(%arg10 : memref<!tpu.dma_semaphore, #tpu.memory_space<semaphore_mem>>)
      %dma_start3A_1632 = arith.constant 1 : i32
      %dma_start3A_1633 = arith.constant 5 : i32
      %dma_start3A_1634 = arith.constant 1 : i32
      %dma_start3A_1635 = arith.constant 0 : i32
      %dma_start3A_1636 = arith.constant 0 : i32
      %dma_start3A_1637 = tpu.memref_slice %arg6[%dma_start3A_1634, %dma_start3A_1635, %dma_start3A_1636] : memref<2x1280x32xf32, #tpu.memory_space<vmem>> -> memref<1x1280x32xf32, #tpu.memory_space<vmem>>
      %dma_start3A_1638 = tpu.memref_squeeze %dma_start3A_1637 : memref<1x1280x32xf32, #tpu.memory_space<vmem>> -> memref<1280x32xf32, #tpu.memory_space<vmem>>
      %dma_start3A_1639 = arith.constant 640 : i32
      %dma_start3A_1640 = arith.constant 0 : i32
      %dma_start3A_1641 = tpu.memref_slice %dma_start3A_1638[%dma_start3A_1639, %dma_start3A_1640] : memref<1280x32xf32, #tpu.memory_space<vmem>> -> memref<128x32xf32, #tpu.memory_space<vmem>>
      %dma_start3A_1642 = arith.constant 0 : i32
      %dma_start3A_1643 = arith.constant 0 : i32
      %dma_start3A_1644 = tpu.memref_slice %arg5[%dma_start3A_1632, %dma_start3A_1642, %dma_start3A_1643] : memref<2x10x128xi32, #tpu.memory_space<vmem>> -> memref<1x10x128xi32, #tpu.memory_space<vmem>>
      %dma_start3A_1645 = tpu.memref_squeeze %dma_start3A_1644 : memref<1x10x128xi32, #tpu.memory_space<vmem>> -> memref<10x128xi32, #tpu.memory_space<vmem>>
      %dma_start3A_1646 = arith.constant 0 : i32
      %dma_start3A_1647 = tpu.memref_slice %dma_start3A_1645[%dma_start3A_1633, %dma_start3A_1646] : memref<10x128xi32, #tpu.memory_space<vmem>> -> memref<1x128xi32, #tpu.memory_space<vmem>>
      %dma_start3A_1648 = tpu.memref_squeeze %dma_start3A_1647 : memref<1x128xi32, #tpu.memory_space<vmem>> -> memref<128xi32, #tpu.memory_space<vmem>>
      %dma_start3A_1649 = arith.constant 0 : i32
      %dma_start3A_1650 = arith.constant 0 : i32
      %dma_start3A_1651 = tpu.memref_slice %arg2[%dma_start3A_1649, %dma_start3A_1650] : memref<1000000x32xf32, #tpu.memory_space<hbm>> -> memref<1000000x32xf32, #tpu.memory_space<hbm>>
      tpu.enqueue_indirect_dma source(%dma_start3A_1651 : memref<1000000x32xf32, #tpu.memory_space<hbm>>) target(%dma_start3A_1641 : memref<128x32xf32, #tpu.memory_space<vmem>>) offsets(%dma_start3A_1648 : memref<128xi32, #tpu.memory_space<vmem>>) semaphore(%arg10 : memref<!tpu.dma_semaphore, #tpu.memory_space<semaphore_mem>>)
      %dma_start3A_1652 = arith.constant 1 : i32
      %dma_start3A_1653 = arith.constant 6 : i32
      %dma_start3A_1654 = arith.constant 1 : i32
      %dma_start3A_1655 = arith.constant 0 : i32
      %dma_start3A_1656 = arith.constant 0 : i32
      %dma_start3A_1657 = tpu.memref_slice %arg6[%dma_start3A_1654, %dma_start3A_1655, %dma_start3A_1656] : memref<2x1280x32xf32, #tpu.memory_space<vmem>> -> memref<1x1280x32xf32, #tpu.memory_space<vmem>>
      %dma_start3A_1658 = tpu.memref_squeeze %dma_start3A_1657 : memref<1x1280x32xf32, #tpu.memory_space<vmem>> -> memref<1280x32xf32, #tpu.memory_space<vmem>>
      %dma_start3A_1659 = arith.constant 768 : i32
      %dma_start3A_1660 = arith.constant 0 : i32
      %dma_start3A_1661 = tpu.memref_slice %dma_start3A_1658[%dma_start3A_1659, %dma_start3A_1660] : memref<1280x32xf32, #tpu.memory_space<vmem>> -> memref<128x32xf32, #tpu.memory_space<vmem>>
      %dma_start3A_1662 = arith.constant 0 : i32
      %dma_start3A_1663 = arith.constant 0 : i32
      %dma_start3A_1664 = tpu.memref_slice %arg5[%dma_start3A_1652, %dma_start3A_1662, %dma_start3A_1663] : memref<2x10x128xi32, #tpu.memory_space<vmem>> -> memref<1x10x128xi32, #tpu.memory_space<vmem>>
      %dma_start3A_1665 = tpu.memref_squeeze %dma_start3A_1664 : memref<1x10x128xi32, #tpu.memory_space<vmem>> -> memref<10x128xi32, #tpu.memory_space<vmem>>
      %dma_start3A_1666 = arith.constant 0 : i32
      %dma_start3A_1667 = tpu.memref_slice %dma_start3A_1665[%dma_start3A_1653, %dma_start3A_1666] : memref<10x128xi32, #tpu.memory_space<vmem>> -> memref<1x128xi32, #tpu.memory_space<vmem>>
      %dma_start3A_1668 = tpu.memref_squeeze %dma_start3A_1667 : memref<1x128xi32, #tpu.memory_space<vmem>> -> memref<128xi32, #tpu.memory_space<vmem>>
      %dma_start3A_1669 = arith.constant 0 : i32
      %dma_start3A_1670 = arith.constant 0 : i32
      %dma_start3A_1671 = tpu.memref_slice %arg2[%dma_start3A_1669, %dma_start3A_1670] : memref<1000000x32xf32, #tpu.memory_space<hbm>> -> memref<1000000x32xf32, #tpu.memory_space<hbm>>
      tpu.enqueue_indirect_dma source(%dma_start3A_1671 : memref<1000000x32xf32, #tpu.memory_space<hbm>>) target(%dma_start3A_1661 : memref<128x32xf32, #tpu.memory_space<vmem>>) offsets(%dma_start3A_1668 : memref<128xi32, #tpu.memory_space<vmem>>) semaphore(%arg10 : memref<!tpu.dma_semaphore, #tpu.memory_space<semaphore_mem>>)
      %dma_start3A_1672 = arith.constant 1 : i32
      %dma_start3A_1673 = arith.constant 7 : i32
      %dma_start3A_1674 = arith.constant 1 : i32
      %dma_start3A_1675 = arith.constant 0 : i32
      %dma_start3A_1676 = arith.constant 0 : i32
      %dma_start3A_1677 = tpu.memref_slice %arg6[%dma_start3A_1674, %dma_start3A_1675, %dma_start3A_1676] : memref<2x1280x32xf32, #tpu.memory_space<vmem>> -> memref<1x1280x32xf32, #tpu.memory_space<vmem>>
      %dma_start3A_1678 = tpu.memref_squeeze %dma_start3A_1677 : memref<1x1280x32xf32, #tpu.memory_space<vmem>> -> memref<1280x32xf32, #tpu.memory_space<vmem>>
      %dma_start3A_1679 = arith.constant 896 : i32
      %dma_start3A_1680 = arith.constant 0 : i32
      %dma_start3A_1681 = tpu.memref_slice %dma_start3A_1678[%dma_start3A_1679, %dma_start3A_1680] : memref<1280x32xf32, #tpu.memory_space<vmem>> -> memref<128x32xf32, #tpu.memory_space<vmem>>
      %dma_start3A_1682 = arith.constant 0 : i32
      %dma_start3A_1683 = arith.constant 0 : i32
      %dma_start3A_1684 = tpu.memref_slice %arg5[%dma_start3A_1672, %dma_start3A_1682, %dma_start3A_1683] : memref<2x10x128xi32, #tpu.memory_space<vmem>> -> memref<1x10x128xi32, #tpu.memory_space<vmem>>
      %dma_start3A_1685 = tpu.memref_squeeze %dma_start3A_1684 : memref<1x10x128xi32, #tpu.memory_space<vmem>> -> memref<10x128xi32, #tpu.memory_space<vmem>>
      %dma_start3A_1686 = arith.constant 0 : i32
      %dma_start3A_1687 = tpu.memref_slice %dma_start3A_1685[%dma_start3A_1673, %dma_start3A_1686] : memref<10x128xi32, #tpu.memory_space<vmem>> -> memref<1x128xi32, #tpu.memory_space<vmem>>
      %dma_start3A_1688 = tpu.memref_squeeze %dma_start3A_1687 : memref<1x128xi32, #tpu.memory_space<vmem>> -> memref<128xi32, #tpu.memory_space<vmem>>
      %dma_start3A_1689 = arith.constant 0 : i32
      %dma_start3A_1690 = arith.constant 0 : i32
      %dma_start3A_1691 = tpu.memref_slice %arg2[%dma_start3A_1689, %dma_start3A_1690] : memref<1000000x32xf32, #tpu.memory_space<hbm>> -> memref<1000000x32xf32, #tpu.memory_space<hbm>>
      tpu.enqueue_indirect_dma source(%dma_start3A_1691 : memref<1000000x32xf32, #tpu.memory_space<hbm>>) target(%dma_start3A_1681 : memref<128x32xf32, #tpu.memory_space<vmem>>) offsets(%dma_start3A_1688 : memref<128xi32, #tpu.memory_space<vmem>>) semaphore(%arg10 : memref<!tpu.dma_semaphore, #tpu.memory_space<semaphore_mem>>)
      %dma_start3A_1692 = arith.constant 1 : i32
      %dma_start3A_1693 = arith.constant 8 : i32
      %dma_start3A_1694 = arith.constant 1 : i32
      %dma_start3A_1695 = arith.constant 0 : i32
      %dma_start3A_1696 = arith.constant 0 : i32
      %dma_start3A_1697 = tpu.memref_slice %arg6[%dma_start3A_1694, %dma_start3A_1695, %dma_start3A_1696] : memref<2x1280x32xf32, #tpu.memory_space<vmem>> -> memref<1x1280x32xf32, #tpu.memory_space<vmem>>
      %dma_start3A_1698 = tpu.memref_squeeze %dma_start3A_1697 : memref<1x1280x32xf32, #tpu.memory_space<vmem>> -> memref<1280x32xf32, #tpu.memory_space<vmem>>
      %dma_start3A_1699 = arith.constant 1024 : i32
      %dma_start3A_1700 = arith.constant 0 : i32
      %dma_start3A_1701 = tpu.memref_slice %dma_start3A_1698[%dma_start3A_1699, %dma_start3A_1700] : memref<1280x32xf32, #tpu.memory_space<vmem>> -> memref<128x32xf32, #tpu.memory_space<vmem>>
      %dma_start3A_1702 = arith.constant 0 : i32
      %dma_start3A_1703 = arith.constant 0 : i32
      %dma_start3A_1704 = tpu.memref_slice %arg5[%dma_start3A_1692, %dma_start3A_1702, %dma_start3A_1703] : memref<2x10x128xi32, #tpu.memory_space<vmem>> -> memref<1x10x128xi32, #tpu.memory_space<vmem>>
      %dma_start3A_1705 = tpu.memref_squeeze %dma_start3A_1704 : memref<1x10x128xi32, #tpu.memory_space<vmem>> -> memref<10x128xi32, #tpu.memory_space<vmem>>
      %dma_start3A_1706 = arith.constant 0 : i32
      %dma_start3A_1707 = tpu.memref_slice %dma_start3A_1705[%dma_start3A_1693, %dma_start3A_1706] : memref<10x128xi32, #tpu.memory_space<vmem>> -> memref<1x128xi32, #tpu.memory_space<vmem>>
      %dma_start3A_1708 = tpu.memref_squeeze %dma_start3A_1707 : memref<1x128xi32, #tpu.memory_space<vmem>> -> memref<128xi32, #tpu.memory_space<vmem>>
      %dma_start3A_1709 = arith.constant 0 : i32
      %dma_start3A_1710 = arith.constant 0 : i32
      %dma_start3A_1711 = tpu.memref_slice %arg2[%dma_start3A_1709, %dma_start3A_1710] : memref<1000000x32xf32, #tpu.memory_space<hbm>> -> memref<1000000x32xf32, #tpu.memory_space<hbm>>
      tpu.enqueue_indirect_dma source(%dma_start3A_1711 : memref<1000000x32xf32, #tpu.memory_space<hbm>>) target(%dma_start3A_1701 : memref<128x32xf32, #tpu.memory_space<vmem>>) offsets(%dma_start3A_1708 : memref<128xi32, #tpu.memory_space<vmem>>) semaphore(%arg10 : memref<!tpu.dma_semaphore, #tpu.memory_space<semaphore_mem>>)
      %dma_start3A_1712 = arith.constant 1 : i32
      %dma_start3A_1713 = arith.constant 9 : i32
      %dma_start3A_1714 = arith.constant 1 : i32
      %dma_start3A_1715 = arith.constant 0 : i32
      %dma_start3A_1716 = arith.constant 0 : i32
      %dma_start3A_1717 = tpu.memref_slice %arg6[%dma_start3A_1714, %dma_start3A_1715, %dma_start3A_1716] : memref<2x1280x32xf32, #tpu.memory_space<vmem>> -> memref<1x1280x32xf32, #tpu.memory_space<vmem>>
      %dma_start3A_1718 = tpu.memref_squeeze %dma_start3A_1717 : memref<1x1280x32xf32, #tpu.memory_space<vmem>> -> memref<1280x32xf32, #tpu.memory_space<vmem>>
      %dma_start3A_1719 = arith.constant 1152 : i32
      %dma_start3A_1720 = arith.constant 0 : i32
      %dma_start3A_1721 = tpu.memref_slice %dma_start3A_1718[%dma_start3A_1719, %dma_start3A_1720] : memref<1280x32xf32, #tpu.memory_space<vmem>> -> memref<128x32xf32, #tpu.memory_space<vmem>>
      %dma_start3A_1722 = arith.constant 0 : i32
      %dma_start3A_1723 = arith.constant 0 : i32
      %dma_start3A_1724 = tpu.memref_slice %arg5[%dma_start3A_1712, %dma_start3A_1722, %dma_start3A_1723] : memref<2x10x128xi32, #tpu.memory_space<vmem>> -> memref<1x10x128xi32, #tpu.memory_space<vmem>>
      %dma_start3A_1725 = tpu.memref_squeeze %dma_start3A_1724 : memref<1x10x128xi32, #tpu.memory_space<vmem>> -> memref<10x128xi32, #tpu.memory_space<vmem>>
      %dma_start3A_1726 = arith.constant 0 : i32
      %dma_start3A_1727 = tpu.memref_slice %dma_start3A_1725[%dma_start3A_1713, %dma_start3A_1726] : memref<10x128xi32, #tpu.memory_space<vmem>> -> memref<1x128xi32, #tpu.memory_space<vmem>>
      %dma_start3A_1728 = tpu.memref_squeeze %dma_start3A_1727 : memref<1x128xi32, #tpu.memory_space<vmem>> -> memref<128xi32, #tpu.memory_space<vmem>>
      %dma_start3A_1729 = arith.constant 0 : i32
      %dma_start3A_1730 = arith.constant 0 : i32
      %dma_start3A_1731 = tpu.memref_slice %arg2[%dma_start3A_1729, %dma_start3A_1730] : memref<1000000x32xf32, #tpu.memory_space<hbm>> -> memref<1000000x32xf32, #tpu.memory_space<hbm>>
      tpu.enqueue_indirect_dma source(%dma_start3A_1731 : memref<1000000x32xf32, #tpu.memory_space<hbm>>) target(%dma_start3A_1721 : memref<128x32xf32, #tpu.memory_space<vmem>>) offsets(%dma_start3A_1728 : memref<128xi32, #tpu.memory_space<vmem>>) semaphore(%arg10 : memref<!tpu.dma_semaphore, #tpu.memory_space<semaphore_mem>>)
      %dma_wait3A_1732 = arith.constant 1 : i32
      %dma_wait3A_1733 = arith.constant 0 : i32
      %dma_wait3A_1734 = arith.constant 1 : i32
      %dma_wait3A_1735 = arith.constant 0 : i32
      %dma_wait3A_1736 = arith.constant 0 : i32
      %dma_wait3A_1737 = tpu.memref_slice %arg6[%dma_wait3A_1734, %dma_wait3A_1735, %dma_wait3A_1736] : memref<2x1280x32xf32, #tpu.memory_space<vmem>> -> memref<1x1280x32xf32, #tpu.memory_space<vmem>>
      %dma_wait3A_1738 = tpu.memref_squeeze %dma_wait3A_1737 : memref<1x1280x32xf32, #tpu.memory_space<vmem>> -> memref<1280x32xf32, #tpu.memory_space<vmem>>
      %dma_wait3A_1739 = arith.constant 0 : i32
      %dma_wait3A_1740 = arith.constant 0 : i32
      %dma_wait3A_1741 = tpu.memref_slice %dma_wait3A_1738[%dma_wait3A_1739, %dma_wait3A_1740] : memref<1280x32xf32, #tpu.memory_space<vmem>> -> memref<128x32xf32, #tpu.memory_space<vmem>>
      %dma_wait3A_1742 = arith.constant 0 : i32
      %dma_wait3A_1743 = arith.constant 0 : i32
      %dma_wait3A_1744 = tpu.memref_slice %arg5[%dma_wait3A_1732, %dma_wait3A_1742, %dma_wait3A_1743] : memref<2x10x128xi32, #tpu.memory_space<vmem>> -> memref<1x10x128xi32, #tpu.memory_space<vmem>>
      %dma_wait3A_1745 = tpu.memref_squeeze %dma_wait3A_1744 : memref<1x10x128xi32, #tpu.memory_space<vmem>> -> memref<10x128xi32, #tpu.memory_space<vmem>>
      %dma_wait3A_1746 = arith.constant 0 : i32
      %dma_wait3A_1747 = tpu.memref_slice %dma_wait3A_1745[%dma_wait3A_1733, %dma_wait3A_1746] : memref<10x128xi32, #tpu.memory_space<vmem>> -> memref<1x128xi32, #tpu.memory_space<vmem>>
      %dma_wait3A_1748 = tpu.memref_squeeze %dma_wait3A_1747 : memref<1x128xi32, #tpu.memory_space<vmem>> -> memref<128xi32, #tpu.memory_space<vmem>>
      %dma_wait3A_1749 = arith.constant 0 : i32
      %dma_wait3A_1750 = arith.constant 0 : i32
      %dma_wait3A_1751 = tpu.memref_slice %arg2[%dma_wait3A_1749, %dma_wait3A_1750] : memref<1000000x32xf32, #tpu.memory_space<hbm>> -> memref<1000000x32xf32, #tpu.memory_space<hbm>>
      tpu.wait_indirect_dma semaphore(%arg10 : memref<!tpu.dma_semaphore, #tpu.memory_space<semaphore_mem>>) src(%dma_wait3A_1751 : memref<1000000x32xf32, #tpu.memory_space<hbm>>) dst(%dma_wait3A_1741 : memref<128x32xf32, #tpu.memory_space<vmem>>)
      %dma_wait3A_1752 = arith.constant 1 : i32
      %dma_wait3A_1753 = arith.constant 1 : i32
      %dma_wait3A_1754 = arith.constant 1 : i32
      %dma_wait3A_1755 = arith.constant 0 : i32
      %dma_wait3A_1756 = arith.constant 0 : i32
      %dma_wait3A_1757 = tpu.memref_slice %arg6[%dma_wait3A_1754, %dma_wait3A_1755, %dma_wait3A_1756] : memref<2x1280x32xf32, #tpu.memory_space<vmem>> -> memref<1x1280x32xf32, #tpu.memory_space<vmem>>
      %dma_wait3A_1758 = tpu.memref_squeeze %dma_wait3A_1757 : memref<1x1280x32xf32, #tpu.memory_space<vmem>> -> memref<1280x32xf32, #tpu.memory_space<vmem>>
      %dma_wait3A_1759 = arith.constant 128 : i32
      %dma_wait3A_1760 = arith.constant 0 : i32
      %dma_wait3A_1761 = tpu.memref_slice %dma_wait3A_1758[%dma_wait3A_1759, %dma_wait3A_1760] : memref<1280x32xf32, #tpu.memory_space<vmem>> -> memref<128x32xf32, #tpu.memory_space<vmem>>
      %dma_wait3A_1762 = arith.constant 0 : i32
      %dma_wait3A_1763 = arith.constant 0 : i32
      %dma_wait3A_1764 = tpu.memref_slice %arg5[%dma_wait3A_1752, %dma_wait3A_1762, %dma_wait3A_1763] : memref<2x10x128xi32, #tpu.memory_space<vmem>> -> memref<1x10x128xi32, #tpu.memory_space<vmem>>
      %dma_wait3A_1765 = tpu.memref_squeeze %dma_wait3A_1764 : memref<1x10x128xi32, #tpu.memory_space<vmem>> -> memref<10x128xi32, #tpu.memory_space<vmem>>
      %dma_wait3A_1766 = arith.constant 0 : i32
      %dma_wait3A_1767 = tpu.memref_slice %dma_wait3A_1765[%dma_wait3A_1753, %dma_wait3A_1766] : memref<10x128xi32, #tpu.memory_space<vmem>> -> memref<1x128xi32, #tpu.memory_space<vmem>>
      %dma_wait3A_1768 = tpu.memref_squeeze %dma_wait3A_1767 : memref<1x128xi32, #tpu.memory_space<vmem>> -> memref<128xi32, #tpu.memory_space<vmem>>
      %dma_wait3A_1769 = arith.constant 0 : i32
      %dma_wait3A_1770 = arith.constant 0 : i32
      %dma_wait3A_1771 = tpu.memref_slice %arg2[%dma_wait3A_1769, %dma_wait3A_1770] : memref<1000000x32xf32, #tpu.memory_space<hbm>> -> memref<1000000x32xf32, #tpu.memory_space<hbm>>
      tpu.wait_indirect_dma semaphore(%arg10 : memref<!tpu.dma_semaphore, #tpu.memory_space<semaphore_mem>>) src(%dma_wait3A_1771 : memref<1000000x32xf32, #tpu.memory_space<hbm>>) dst(%dma_wait3A_1761 : memref<128x32xf32, #tpu.memory_space<vmem>>)
      %dma_wait3A_1772 = arith.constant 1 : i32
      %dma_wait3A_1773 = arith.constant 2 : i32
      %dma_wait3A_1774 = arith.constant 1 : i32
      %dma_wait3A_1775 = arith.constant 0 : i32
      %dma_wait3A_1776 = arith.constant 0 : i32
      %dma_wait3A_1777 = tpu.memref_slice %arg6[%dma_wait3A_1774, %dma_wait3A_1775, %dma_wait3A_1776] : memref<2x1280x32xf32, #tpu.memory_space<vmem>> -> memref<1x1280x32xf32, #tpu.memory_space<vmem>>
      %dma_wait3A_1778 = tpu.memref_squeeze %dma_wait3A_1777 : memref<1x1280x32xf32, #tpu.memory_space<vmem>> -> memref<1280x32xf32, #tpu.memory_space<vmem>>
      %dma_wait3A_1779 = arith.constant 256 : i32
      %dma_wait3A_1780 = arith.constant 0 : i32
      %dma_wait3A_1781 = tpu.memref_slice %dma_wait3A_1778[%dma_wait3A_1779, %dma_wait3A_1780] : memref<1280x32xf32, #tpu.memory_space<vmem>> -> memref<128x32xf32, #tpu.memory_space<vmem>>
      %dma_wait3A_1782 = arith.constant 0 : i32
      %dma_wait3A_1783 = arith.constant 0 : i32
      %dma_wait3A_1784 = tpu.memref_slice %arg5[%dma_wait3A_1772, %dma_wait3A_1782, %dma_wait3A_1783] : memref<2x10x128xi32, #tpu.memory_space<vmem>> -> memref<1x10x128xi32, #tpu.memory_space<vmem>>
      %dma_wait3A_1785 = tpu.memref_squeeze %dma_wait3A_1784 : memref<1x10x128xi32, #tpu.memory_space<vmem>> -> memref<10x128xi32, #tpu.memory_space<vmem>>
      %dma_wait3A_1786 = arith.constant 0 : i32
      %dma_wait3A_1787 = tpu.memref_slice %dma_wait3A_1785[%dma_wait3A_1773, %dma_wait3A_1786] : memref<10x128xi32, #tpu.memory_space<vmem>> -> memref<1x128xi32, #tpu.memory_space<vmem>>
      %dma_wait3A_1788 = tpu.memref_squeeze %dma_wait3A_1787 : memref<1x128xi32, #tpu.memory_space<vmem>> -> memref<128xi32, #tpu.memory_space<vmem>>
      %dma_wait3A_1789 = arith.constant 0 : i32
      %dma_wait3A_1790 = arith.constant 0 : i32
      %dma_wait3A_1791 = tpu.memref_slice %arg2[%dma_wait3A_1789, %dma_wait3A_1790] : memref<1000000x32xf32, #tpu.memory_space<hbm>> -> memref<1000000x32xf32, #tpu.memory_space<hbm>>
      tpu.wait_indirect_dma semaphore(%arg10 : memref<!tpu.dma_semaphore, #tpu.memory_space<semaphore_mem>>) src(%dma_wait3A_1791 : memref<1000000x32xf32, #tpu.memory_space<hbm>>) dst(%dma_wait3A_1781 : memref<128x32xf32, #tpu.memory_space<vmem>>)
      %dma_wait3A_1792 = arith.constant 1 : i32
      %dma_wait3A_1793 = arith.constant 3 : i32
      %dma_wait3A_1794 = arith.constant 1 : i32
      %dma_wait3A_1795 = arith.constant 0 : i32
      %dma_wait3A_1796 = arith.constant 0 : i32
      %dma_wait3A_1797 = tpu.memref_slice %arg6[%dma_wait3A_1794, %dma_wait3A_1795, %dma_wait3A_1796] : memref<2x1280x32xf32, #tpu.memory_space<vmem>> -> memref<1x1280x32xf32, #tpu.memory_space<vmem>>
      %dma_wait3A_1798 = tpu.memref_squeeze %dma_wait3A_1797 : memref<1x1280x32xf32, #tpu.memory_space<vmem>> -> memref<1280x32xf32, #tpu.memory_space<vmem>>
      %dma_wait3A_1799 = arith.constant 384 : i32
      %dma_wait3A_1800 = arith.constant 0 : i32
      %dma_wait3A_1801 = tpu.memref_slice %dma_wait3A_1798[%dma_wait3A_1799, %dma_wait3A_1800] : memref<1280x32xf32, #tpu.memory_space<vmem>> -> memref<128x32xf32, #tpu.memory_space<vmem>>
      %dma_wait3A_1802 = arith.constant 0 : i32
      %dma_wait3A_1803 = arith.constant 0 : i32
      %dma_wait3A_1804 = tpu.memref_slice %arg5[%dma_wait3A_1792, %dma_wait3A_1802, %dma_wait3A_1803] : memref<2x10x128xi32, #tpu.memory_space<vmem>> -> memref<1x10x128xi32, #tpu.memory_space<vmem>>
      %dma_wait3A_1805 = tpu.memref_squeeze %dma_wait3A_1804 : memref<1x10x128xi32, #tpu.memory_space<vmem>> -> memref<10x128xi32, #tpu.memory_space<vmem>>
      %dma_wait3A_1806 = arith.constant 0 : i32
      %dma_wait3A_1807 = tpu.memref_slice %dma_wait3A_1805[%dma_wait3A_1793, %dma_wait3A_1806] : memref<10x128xi32, #tpu.memory_space<vmem>> -> memref<1x128xi32, #tpu.memory_space<vmem>>
      %dma_wait3A_1808 = tpu.memref_squeeze %dma_wait3A_1807 : memref<1x128xi32, #tpu.memory_space<vmem>> -> memref<128xi32, #tpu.memory_space<vmem>>
      %dma_wait3A_1809 = arith.constant 0 : i32
      %dma_wait3A_1810 = arith.constant 0 : i32
      %dma_wait3A_1811 = tpu.memref_slice %arg2[%dma_wait3A_1809, %dma_wait3A_1810] : memref<1000000x32xf32, #tpu.memory_space<hbm>> -> memref<1000000x32xf32, #tpu.memory_space<hbm>>
      tpu.wait_indirect_dma semaphore(%arg10 : memref<!tpu.dma_semaphore, #tpu.memory_space<semaphore_mem>>) src(%dma_wait3A_1811 : memref<1000000x32xf32, #tpu.memory_space<hbm>>) dst(%dma_wait3A_1801 : memref<128x32xf32, #tpu.memory_space<vmem>>)
      %dma_wait3A_1812 = arith.constant 1 : i32
      %dma_wait3A_1813 = arith.constant 4 : i32
      %dma_wait3A_1814 = arith.constant 1 : i32
      %dma_wait3A_1815 = arith.constant 0 : i32
      %dma_wait3A_1816 = arith.constant 0 : i32
      %dma_wait3A_1817 = tpu.memref_slice %arg6[%dma_wait3A_1814, %dma_wait3A_1815, %dma_wait3A_1816] : memref<2x1280x32xf32, #tpu.memory_space<vmem>> -> memref<1x1280x32xf32, #tpu.memory_space<vmem>>
      %dma_wait3A_1818 = tpu.memref_squeeze %dma_wait3A_1817 : memref<1x1280x32xf32, #tpu.memory_space<vmem>> -> memref<1280x32xf32, #tpu.memory_space<vmem>>
      %dma_wait3A_1819 = arith.constant 512 : i32
      %dma_wait3A_1820 = arith.constant 0 : i32
      %dma_wait3A_1821 = tpu.memref_slice %dma_wait3A_1818[%dma_wait3A_1819, %dma_wait3A_1820] : memref<1280x32xf32, #tpu.memory_space<vmem>> -> memref<128x32xf32, #tpu.memory_space<vmem>>
      %dma_wait3A_1822 = arith.constant 0 : i32
      %dma_wait3A_1823 = arith.constant 0 : i32
      %dma_wait3A_1824 = tpu.memref_slice %arg5[%dma_wait3A_1812, %dma_wait3A_1822, %dma_wait3A_1823] : memref<2x10x128xi32, #tpu.memory_space<vmem>> -> memref<1x10x128xi32, #tpu.memory_space<vmem>>
      %dma_wait3A_1825 = tpu.memref_squeeze %dma_wait3A_1824 : memref<1x10x128xi32, #tpu.memory_space<vmem>> -> memref<10x128xi32, #tpu.memory_space<vmem>>
      %dma_wait3A_1826 = arith.constant 0 : i32
      %dma_wait3A_1827 = tpu.memref_slice %dma_wait3A_1825[%dma_wait3A_1813, %dma_wait3A_1826] : memref<10x128xi32, #tpu.memory_space<vmem>> -> memref<1x128xi32, #tpu.memory_space<vmem>>
      %dma_wait3A_1828 = tpu.memref_squeeze %dma_wait3A_1827 : memref<1x128xi32, #tpu.memory_space<vmem>> -> memref<128xi32, #tpu.memory_space<vmem>>
      %dma_wait3A_1829 = arith.constant 0 : i32
      %dma_wait3A_1830 = arith.constant 0 : i32
      %dma_wait3A_1831 = tpu.memref_slice %arg2[%dma_wait3A_1829, %dma_wait3A_1830] : memref<1000000x32xf32, #tpu.memory_space<hbm>> -> memref<1000000x32xf32, #tpu.memory_space<hbm>>
      tpu.wait_indirect_dma semaphore(%arg10 : memref<!tpu.dma_semaphore, #tpu.memory_space<semaphore_mem>>) src(%dma_wait3A_1831 : memref<1000000x32xf32, #tpu.memory_space<hbm>>) dst(%dma_wait3A_1821 : memref<128x32xf32, #tpu.memory_space<vmem>>)
      %dma_wait3A_1832 = arith.constant 1 : i32
      %dma_wait3A_1833 = arith.constant 5 : i32
      %dma_wait3A_1834 = arith.constant 1 : i32
      %dma_wait3A_1835 = arith.constant 0 : i32
      %dma_wait3A_1836 = arith.constant 0 : i32
      %dma_wait3A_1837 = tpu.memref_slice %arg6[%dma_wait3A_1834, %dma_wait3A_1835, %dma_wait3A_1836] : memref<2x1280x32xf32, #tpu.memory_space<vmem>> -> memref<1x1280x32xf32, #tpu.memory_space<vmem>>
      %dma_wait3A_1838 = tpu.memref_squeeze %dma_wait3A_1837 : memref<1x1280x32xf32, #tpu.memory_space<vmem>> -> memref<1280x32xf32, #tpu.memory_space<vmem>>
      %dma_wait3A_1839 = arith.constant 640 : i32
      %dma_wait3A_1840 = arith.constant 0 : i32
      %dma_wait3A_1841 = tpu.memref_slice %dma_wait3A_1838[%dma_wait3A_1839, %dma_wait3A_1840] : memref<1280x32xf32, #tpu.memory_space<vmem>> -> memref<128x32xf32, #tpu.memory_space<vmem>>
      %dma_wait3A_1842 = arith.constant 0 : i32
      %dma_wait3A_1843 = arith.constant 0 : i32
      %dma_wait3A_1844 = tpu.memref_slice %arg5[%dma_wait3A_1832, %dma_wait3A_1842, %dma_wait3A_1843] : memref<2x10x128xi32, #tpu.memory_space<vmem>> -> memref<1x10x128xi32, #tpu.memory_space<vmem>>
      %dma_wait3A_1845 = tpu.memref_squeeze %dma_wait3A_1844 : memref<1x10x128xi32, #tpu.memory_space<vmem>> -> memref<10x128xi32, #tpu.memory_space<vmem>>
      %dma_wait3A_1846 = arith.constant 0 : i32
      %dma_wait3A_1847 = tpu.memref_slice %dma_wait3A_1845[%dma_wait3A_1833, %dma_wait3A_1846] : memref<10x128xi32, #tpu.memory_space<vmem>> -> memref<1x128xi32, #tpu.memory_space<vmem>>
      %dma_wait3A_1848 = tpu.memref_squeeze %dma_wait3A_1847 : memref<1x128xi32, #tpu.memory_space<vmem>> -> memref<128xi32, #tpu.memory_space<vmem>>
      %dma_wait3A_1849 = arith.constant 0 : i32
      %dma_wait3A_1850 = arith.constant 0 : i32
      %dma_wait3A_1851 = tpu.memref_slice %arg2[%dma_wait3A_1849, %dma_wait3A_1850] : memref<1000000x32xf32, #tpu.memory_space<hbm>> -> memref<1000000x32xf32, #tpu.memory_space<hbm>>
      tpu.wait_indirect_dma semaphore(%arg10 : memref<!tpu.dma_semaphore, #tpu.memory_space<semaphore_mem>>) src(%dma_wait3A_1851 : memref<1000000x32xf32, #tpu.memory_space<hbm>>) dst(%dma_wait3A_1841 : memref<128x32xf32, #tpu.memory_space<vmem>>)
      %dma_wait3A_1852 = arith.constant 1 : i32
      %dma_wait3A_1853 = arith.constant 6 : i32
      %dma_wait3A_1854 = arith.constant 1 : i32
      %dma_wait3A_1855 = arith.constant 0 : i32
      %dma_wait3A_1856 = arith.constant 0 : i32
      %dma_wait3A_1857 = tpu.memref_slice %arg6[%dma_wait3A_1854, %dma_wait3A_1855, %dma_wait3A_1856] : memref<2x1280x32xf32, #tpu.memory_space<vmem>> -> memref<1x1280x32xf32, #tpu.memory_space<vmem>>
      %dma_wait3A_1858 = tpu.memref_squeeze %dma_wait3A_1857 : memref<1x1280x32xf32, #tpu.memory_space<vmem>> -> memref<1280x32xf32, #tpu.memory_space<vmem>>
      %dma_wait3A_1859 = arith.constant 768 : i32
      %dma_wait3A_1860 = arith.constant 0 : i32
      %dma_wait3A_1861 = tpu.memref_slice %dma_wait3A_1858[%dma_wait3A_1859, %dma_wait3A_1860] : memref<1280x32xf32, #tpu.memory_space<vmem>> -> memref<128x32xf32, #tpu.memory_space<vmem>>
      %dma_wait3A_1862 = arith.constant 0 : i32
      %dma_wait3A_1863 = arith.constant 0 : i32
      %dma_wait3A_1864 = tpu.memref_slice %arg5[%dma_wait3A_1852, %dma_wait3A_1862, %dma_wait3A_1863] : memref<2x10x128xi32, #tpu.memory_space<vmem>> -> memref<1x10x128xi32, #tpu.memory_space<vmem>>
      %dma_wait3A_1865 = tpu.memref_squeeze %dma_wait3A_1864 : memref<1x10x128xi32, #tpu.memory_space<vmem>> -> memref<10x128xi32, #tpu.memory_space<vmem>>
      %dma_wait3A_1866 = arith.constant 0 : i32
      %dma_wait3A_1867 = tpu.memref_slice %dma_wait3A_1865[%dma_wait3A_1853, %dma_wait3A_1866] : memref<10x128xi32, #tpu.memory_space<vmem>> -> memref<1x128xi32, #tpu.memory_space<vmem>>
      %dma_wait3A_1868 = tpu.memref_squeeze %dma_wait3A_1867 : memref<1x128xi32, #tpu.memory_space<vmem>> -> memref<128xi32, #tpu.memory_space<vmem>>
      %dma_wait3A_1869 = arith.constant 0 : i32
      %dma_wait3A_1870 = arith.constant 0 : i32
      %dma_wait3A_1871 = tpu.memref_slice %arg2[%dma_wait3A_1869, %dma_wait3A_1870] : memref<1000000x32xf32, #tpu.memory_space<hbm>> -> memref<1000000x32xf32, #tpu.memory_space<hbm>>
      tpu.wait_indirect_dma semaphore(%arg10 : memref<!tpu.dma_semaphore, #tpu.memory_space<semaphore_mem>>) src(%dma_wait3A_1871 : memref<1000000x32xf32, #tpu.memory_space<hbm>>) dst(%dma_wait3A_1861 : memref<128x32xf32, #tpu.memory_space<vmem>>)
      %dma_wait3A_1872 = arith.constant 1 : i32
      %dma_wait3A_1873 = arith.constant 7 : i32
      %dma_wait3A_1874 = arith.constant 1 : i32
      %dma_wait3A_1875 = arith.constant 0 : i32
      %dma_wait3A_1876 = arith.constant 0 : i32
      %dma_wait3A_1877 = tpu.memref_slice %arg6[%dma_wait3A_1874, %dma_wait3A_1875, %dma_wait3A_1876] : memref<2x1280x32xf32, #tpu.memory_space<vmem>> -> memref<1x1280x32xf32, #tpu.memory_space<vmem>>
      %dma_wait3A_1878 = tpu.memref_squeeze %dma_wait3A_1877 : memref<1x1280x32xf32, #tpu.memory_space<vmem>> -> memref<1280x32xf32, #tpu.memory_space<vmem>>
      %dma_wait3A_1879 = arith.constant 896 : i32
      %dma_wait3A_1880 = arith.constant 0 : i32
      %dma_wait3A_1881 = tpu.memref_slice %dma_wait3A_1878[%dma_wait3A_1879, %dma_wait3A_1880] : memref<1280x32xf32, #tpu.memory_space<vmem>> -> memref<128x32xf32, #tpu.memory_space<vmem>>
      %dma_wait3A_1882 = arith.constant 0 : i32
      %dma_wait3A_1883 = arith.constant 0 : i32
      %dma_wait3A_1884 = tpu.memref_slice %arg5[%dma_wait3A_1872, %dma_wait3A_1882, %dma_wait3A_1883] : memref<2x10x128xi32, #tpu.memory_space<vmem>> -> memref<1x10x128xi32, #tpu.memory_space<vmem>>
      %dma_wait3A_1885 = tpu.memref_squeeze %dma_wait3A_1884 : memref<1x10x128xi32, #tpu.memory_space<vmem>> -> memref<10x128xi32, #tpu.memory_space<vmem>>
      %dma_wait3A_1886 = arith.constant 0 : i32
      %dma_wait3A_1887 = tpu.memref_slice %dma_wait3A_1885[%dma_wait3A_1873, %dma_wait3A_1886] : memref<10x128xi32, #tpu.memory_space<vmem>> -> memref<1x128xi32, #tpu.memory_space<vmem>>
      %dma_wait3A_1888 = tpu.memref_squeeze %dma_wait3A_1887 : memref<1x128xi32, #tpu.memory_space<vmem>> -> memref<128xi32, #tpu.memory_space<vmem>>
      %dma_wait3A_1889 = arith.constant 0 : i32
      %dma_wait3A_1890 = arith.constant 0 : i32
      %dma_wait3A_1891 = tpu.memref_slice %arg2[%dma_wait3A_1889, %dma_wait3A_1890] : memref<1000000x32xf32, #tpu.memory_space<hbm>> -> memref<1000000x32xf32, #tpu.memory_space<hbm>>
      tpu.wait_indirect_dma semaphore(%arg10 : memref<!tpu.dma_semaphore, #tpu.memory_space<semaphore_mem>>) src(%dma_wait3A_1891 : memref<1000000x32xf32, #tpu.memory_space<hbm>>) dst(%dma_wait3A_1881 : memref<128x32xf32, #tpu.memory_space<vmem>>)
      %dma_wait3A_1892 = arith.constant 1 : i32
      %dma_wait3A_1893 = arith.constant 8 : i32
      %dma_wait3A_1894 = arith.constant 1 : i32
      %dma_wait3A_1895 = arith.constant 0 : i32
      %dma_wait3A_1896 = arith.constant 0 : i32
      %dma_wait3A_1897 = tpu.memref_slice %arg6[%dma_wait3A_1894, %dma_wait3A_1895, %dma_wait3A_1896] : memref<2x1280x32xf32, #tpu.memory_space<vmem>> -> memref<1x1280x32xf32, #tpu.memory_space<vmem>>
      %dma_wait3A_1898 = tpu.memref_squeeze %dma_wait3A_1897 : memref<1x1280x32xf32, #tpu.memory_space<vmem>> -> memref<1280x32xf32, #tpu.memory_space<vmem>>
      %dma_wait3A_1899 = arith.constant 1024 : i32
      %dma_wait3A_1900 = arith.constant 0 : i32
      %dma_wait3A_1901 = tpu.memref_slice %dma_wait3A_1898[%dma_wait3A_1899, %dma_wait3A_1900] : memref<1280x32xf32, #tpu.memory_space<vmem>> -> memref<128x32xf32, #tpu.memory_space<vmem>>
      %dma_wait3A_1902 = arith.constant 0 : i32
      %dma_wait3A_1903 = arith.constant 0 : i32
      %dma_wait3A_1904 = tpu.memref_slice %arg5[%dma_wait3A_1892, %dma_wait3A_1902, %dma_wait3A_1903] : memref<2x10x128xi32, #tpu.memory_space<vmem>> -> memref<1x10x128xi32, #tpu.memory_space<vmem>>
      %dma_wait3A_1905 = tpu.memref_squeeze %dma_wait3A_1904 : memref<1x10x128xi32, #tpu.memory_space<vmem>> -> memref<10x128xi32, #tpu.memory_space<vmem>>
      %dma_wait3A_1906 = arith.constant 0 : i32
      %dma_wait3A_1907 = tpu.memref_slice %dma_wait3A_1905[%dma_wait3A_1893, %dma_wait3A_1906] : memref<10x128xi32, #tpu.memory_space<vmem>> -> memref<1x128xi32, #tpu.memory_space<vmem>>
      %dma_wait3A_1908 = tpu.memref_squeeze %dma_wait3A_1907 : memref<1x128xi32, #tpu.memory_space<vmem>> -> memref<128xi32, #tpu.memory_space<vmem>>
      %dma_wait3A_1909 = arith.constant 0 : i32
      %dma_wait3A_1910 = arith.constant 0 : i32
      %dma_wait3A_1911 = tpu.memref_slice %arg2[%dma_wait3A_1909, %dma_wait3A_1910] : memref<1000000x32xf32, #tpu.memory_space<hbm>> -> memref<1000000x32xf32, #tpu.memory_space<hbm>>
      tpu.wait_indirect_dma semaphore(%arg10 : memref<!tpu.dma_semaphore, #tpu.memory_space<semaphore_mem>>) src(%dma_wait3A_1911 : memref<1000000x32xf32, #tpu.memory_space<hbm>>) dst(%dma_wait3A_1901 : memref<128x32xf32, #tpu.memory_space<vmem>>)
      %dma_wait3A_1912 = arith.constant 1 : i32
      %dma_wait3A_1913 = arith.constant 9 : i32
      %dma_wait3A_1914 = arith.constant 1 : i32
      %dma_wait3A_1915 = arith.constant 0 : i32
      %dma_wait3A_1916 = arith.constant 0 : i32
      %dma_wait3A_1917 = tpu.memref_slice %arg6[%dma_wait3A_1914, %dma_wait3A_1915, %dma_wait3A_1916] : memref<2x1280x32xf32, #tpu.memory_space<vmem>> -> memref<1x1280x32xf32, #tpu.memory_space<vmem>>
      %dma_wait3A_1918 = tpu.memref_squeeze %dma_wait3A_1917 : memref<1x1280x32xf32, #tpu.memory_space<vmem>> -> memref<1280x32xf32, #tpu.memory_space<vmem>>
      %dma_wait3A_1919 = arith.constant 1152 : i32
      %dma_wait3A_1920 = arith.constant 0 : i32
      %dma_wait3A_1921 = tpu.memref_slice %dma_wait3A_1918[%dma_wait3A_1919, %dma_wait3A_1920] : memref<1280x32xf32, #tpu.memory_space<vmem>> -> memref<128x32xf32, #tpu.memory_space<vmem>>
      %dma_wait3A_1922 = arith.constant 0 : i32
      %dma_wait3A_1923 = arith.constant 0 : i32
      %dma_wait3A_1924 = tpu.memref_slice %arg5[%dma_wait3A_1912, %dma_wait3A_1922, %dma_wait3A_1923] : memref<2x10x128xi32, #tpu.memory_space<vmem>> -> memref<1x10x128xi32, #tpu.memory_space<vmem>>
      %dma_wait3A_1925 = tpu.memref_squeeze %dma_wait3A_1924 : memref<1x10x128xi32, #tpu.memory_space<vmem>> -> memref<10x128xi32, #tpu.memory_space<vmem>>
      %dma_wait3A_1926 = arith.constant 0 : i32
      %dma_wait3A_1927 = tpu.memref_slice %dma_wait3A_1925[%dma_wait3A_1913, %dma_wait3A_1926] : memref<10x128xi32, #tpu.memory_space<vmem>> -> memref<1x128xi32, #tpu.memory_space<vmem>>
      %dma_wait3A_1928 = tpu.memref_squeeze %dma_wait3A_1927 : memref<1x128xi32, #tpu.memory_space<vmem>> -> memref<128xi32, #tpu.memory_space<vmem>>
      %dma_wait3A_1929 = arith.constant 0 : i32
      %dma_wait3A_1930 = arith.constant 0 : i32
      %dma_wait3A_1931 = tpu.memref_slice %arg2[%dma_wait3A_1929, %dma_wait3A_1930] : memref<1000000x32xf32, #tpu.memory_space<hbm>> -> memref<1000000x32xf32, #tpu.memory_space<hbm>>
      tpu.wait_indirect_dma semaphore(%arg10 : memref<!tpu.dma_semaphore, #tpu.memory_space<semaphore_mem>>) src(%dma_wait3A_1931 : memref<1000000x32xf32, #tpu.memory_space<hbm>>) dst(%dma_wait3A_1921 : memref<128x32xf32, #tpu.memory_space<vmem>>)
      %add3A_1932 = arith.constant 2 : i32
      %add3A_1933 = arith.addi %add3A_1497, %add3A_1932 : i32
      %min3A_1934 = arith.constant 79 : i32
      %min3A_1935 = arith.minsi %add3A_1933, %min3A_1934 : i32
      %mul3A_1936 = arith.constant 10 : i32
      %mul3A_1937 = arith.muli %min3A_1935, %mul3A_1936 : i32
      %add3A_1938 = arith.addi %mul3A_2, %mul3A_1937 : i32
      %dma_start3A_1939 = arith.constant 1 : i32
      %dma_start3A_1940 = arith.constant 0 : i32
      %dma_start3A_1941 = arith.constant 0 : i32
      %dma_start3A_1942 = tpu.memref_slice %arg5[%dma_start3A_1939, %dma_start3A_1940, %dma_start3A_1941] : memref<2x10x128xi32, #tpu.memory_space<vmem>> -> memref<1x10x128xi32, #tpu.memory_space<vmem>>
      %dma_start3A_1943 = tpu.memref_squeeze %dma_start3A_1942 : memref<1x10x128xi32, #tpu.memory_space<vmem>> -> memref<10x128xi32, #tpu.memory_space<vmem>>
      %dma_start3A_1944 = arith.constant 0 : i32
      %dma_start3A_1945 = tpu.memref_slice %arg3[%add3A_1938, %dma_start3A_1944] : memref<25600x128xi32, #tpu.memory_space<hbm>> -> memref<10x128xi32, #tpu.memory_space<hbm>>
      %dma_start3A_1946 = arith.constant 0 : i32
      %dma_start3A_1947 = arith.constant 0 : i32
      %dma_start3A_1948 = tpu.memref_slice %arg5[%dma_start3A_1939, %dma_start3A_1946, %dma_start3A_1947] : memref<2x10x128xi32, #tpu.memory_space<vmem>> -> memref<1x10x128xi32, #tpu.memory_space<vmem>>
      %dma_start3A_1949 = tpu.memref_squeeze %dma_start3A_1948 : memref<1x10x128xi32, #tpu.memory_space<vmem>> -> memref<10x128xi32, #tpu.memory_space<vmem>>
      %dma_start3A_1950 = arith.constant 0 : i32
      %dma_start3A_1951 = tpu.memref_slice %arg3[%add3A_1938, %dma_start3A_1950] : memref<25600x128xi32, #tpu.memory_space<hbm>> -> memref<10x128xi32, #tpu.memory_space<hbm>>
      tpu.enqueue_dma source(%dma_start3A_1951 : memref<10x128xi32, #tpu.memory_space<hbm>>) target(%dma_start3A_1949 : memref<10x128xi32, #tpu.memory_space<vmem>>) target_semaphore(%arg8 : memref<!tpu.dma_semaphore, #tpu.memory_space<semaphore_mem>>)
      %mul3A_1952 = arith.constant 1280 : i32
      %mul3A_1953 = arith.muli %add3A_1497, %mul3A_1952 : i32
      %add3A_1954 = arith.addi %mul3A_4, %mul3A_1953 : i32
      %dma_start3A_1955 = arith.constant 1 : i32
      %dma_start3A_1956 = arith.constant 0 : i32
      %dma_start3A_1957 = arith.constant 0 : i32
      %dma_start3A_1958 = tpu.memref_slice %arg6[%dma_start3A_1955, %dma_start3A_1956, %dma_start3A_1957] : memref<2x1280x32xf32, #tpu.memory_space<vmem>> -> memref<1x1280x32xf32, #tpu.memory_space<vmem>>
      %dma_start3A_1959 = tpu.memref_squeeze %dma_start3A_1958 : memref<1x1280x32xf32, #tpu.memory_space<vmem>> -> memref<1280x32xf32, #tpu.memory_space<vmem>>
      %dma_start3A_1960 = arith.constant 0 : i32
      %dma_start3A_1961 = tpu.memref_slice %arg4[%add3A_1954, %dma_start3A_1960] : memref<3276800x128xf32, #tpu.memory_space<hbm>> -> memref<1280x32xf32, #tpu.memory_space<hbm>>
      %dma_start3A_1962 = arith.constant 0 : i32
      %dma_start3A_1963 = tpu.memref_slice %arg4[%add3A_1954, %dma_start3A_1962] : memref<3276800x128xf32, #tpu.memory_space<hbm>> -> memref<1280x32xf32, #tpu.memory_space<hbm>>
      %dma_start3A_1964 = arith.constant 0 : i32
      %dma_start3A_1965 = arith.constant 0 : i32
      %dma_start3A_1966 = tpu.memref_slice %arg6[%dma_start3A_1955, %dma_start3A_1964, %dma_start3A_1965] : memref<2x1280x32xf32, #tpu.memory_space<vmem>> -> memref<1x1280x32xf32, #tpu.memory_space<vmem>>
      %dma_start3A_1967 = tpu.memref_squeeze %dma_start3A_1966 : memref<1x1280x32xf32, #tpu.memory_space<vmem>> -> memref<1280x32xf32, #tpu.memory_space<vmem>>
      tpu.enqueue_dma source(%dma_start3A_1967 : memref<1280x32xf32, #tpu.memory_space<vmem>>) target(%dma_start3A_1963 : memref<1280x32xf32, #tpu.memory_space<hbm>>) target_semaphore(%arg12 : memref<!tpu.dma_semaphore, #tpu.memory_space<semaphore_mem>>)
    }
    %scan3A_950 = arith.constant 39 : i32
    %add3A_951 = arith.constant 99840 : i32
    %add3A_952 = arith.addi %mul3A_4, %add3A_951 : i32
    %dma_wait3A_953 = arith.constant 0 : i32
    %dma_wait3A_954 = arith.constant 0 : i32
    %dma_wait3A_955 = arith.constant 0 : i32
    %dma_wait3A_956 = tpu.memref_slice %arg6[%dma_wait3A_953, %dma_wait3A_954, %dma_wait3A_955] : memref<2x1280x32xf32, #tpu.memory_space<vmem>> -> memref<1x1280x32xf32, #tpu.memory_space<vmem>>
    %dma_wait3A_957 = tpu.memref_squeeze %dma_wait3A_956 : memref<1x1280x32xf32, #tpu.memory_space<vmem>> -> memref<1280x32xf32, #tpu.memory_space<vmem>>
    %dma_wait3A_958 = arith.constant 0 : i32
    %dma_wait3A_959 = tpu.memref_slice %arg4[%add3A_952, %dma_wait3A_958] : memref<3276800x128xf32, #tpu.memory_space<hbm>> -> memref<1280x32xf32, #tpu.memory_space<hbm>>
    %dma_wait3A_960 = arith.constant 0 : i32
    %dma_wait3A_961 = tpu.memref_slice %arg4[%add3A_952, %dma_wait3A_960] : memref<3276800x128xf32, #tpu.memory_space<hbm>> -> memref<1280x32xf32, #tpu.memory_space<hbm>>
    %dma_wait3A_962 = arith.constant 0 : i32
    %dma_wait3A_963 = arith.constant 0 : i32
    %dma_wait3A_964 = tpu.memref_slice %arg6[%dma_wait3A_953, %dma_wait3A_962, %dma_wait3A_963] : memref<2x1280x32xf32, #tpu.memory_space<vmem>> -> memref<1x1280x32xf32, #tpu.memory_space<vmem>>
    %dma_wait3A_965 = tpu.memref_squeeze %dma_wait3A_964 : memref<1x1280x32xf32, #tpu.memory_space<vmem>> -> memref<1280x32xf32, #tpu.memory_space<vmem>>
    tpu.wait_dma2 semaphore(%arg11 : memref<!tpu.dma_semaphore, #tpu.memory_space<semaphore_mem>>) src(%dma_wait3A_965 : memref<1280x32xf32, #tpu.memory_space<vmem>>) dst(%dma_wait3A_961 : memref<1280x32xf32, #tpu.memory_space<hbm>>)
    %min3A_966 = arith.constant 0 : i32
    %min3A_967 = arith.constant 79 : i32
    %min3A_968 = arith.minsi %min3A_966, %min3A_967 : i32
    %mul3A_969 = arith.constant 10 : i32
    %mul3A_970 = arith.muli %min3A_968, %mul3A_969 : i32
    %add3A_971 = arith.addi %mul3A_2, %mul3A_970 : i32
    %dma_wait3A_972 = arith.constant 0 : i32
    %dma_wait3A_973 = arith.constant 0 : i32
    %dma_wait3A_974 = arith.constant 0 : i32
    %dma_wait3A_975 = tpu.memref_slice %arg5[%dma_wait3A_972, %dma_wait3A_973, %dma_wait3A_974] : memref<2x10x128xi32, #tpu.memory_space<vmem>> -> memref<1x10x128xi32, #tpu.memory_space<vmem>>
    %dma_wait3A_976 = tpu.memref_squeeze %dma_wait3A_975 : memref<1x10x128xi32, #tpu.memory_space<vmem>> -> memref<10x128xi32, #tpu.memory_space<vmem>>
    %dma_wait3A_977 = arith.constant 0 : i32
    %dma_wait3A_978 = tpu.memref_slice %arg3[%add3A_971, %dma_wait3A_977] : memref<25600x128xi32, #tpu.memory_space<hbm>> -> memref<10x128xi32, #tpu.memory_space<hbm>>
    %dma_wait3A_979 = arith.constant 0 : i32
    %dma_wait3A_980 = arith.constant 0 : i32
    %dma_wait3A_981 = tpu.memref_slice %arg5[%dma_wait3A_972, %dma_wait3A_979, %dma_wait3A_980] : memref<2x10x128xi32, #tpu.memory_space<vmem>> -> memref<1x10x128xi32, #tpu.memory_space<vmem>>
    %dma_wait3A_982 = tpu.memref_squeeze %dma_wait3A_981 : memref<1x10x128xi32, #tpu.memory_space<vmem>> -> memref<10x128xi32, #tpu.memory_space<vmem>>
    %dma_wait3A_983 = arith.constant 0 : i32
    %dma_wait3A_984 = tpu.memref_slice %arg3[%add3A_971, %dma_wait3A_983] : memref<25600x128xi32, #tpu.memory_space<hbm>> -> memref<10x128xi32, #tpu.memory_space<hbm>>
    tpu.wait_dma2 semaphore(%arg7 : memref<!tpu.dma_semaphore, #tpu.memory_space<semaphore_mem>>) src(%dma_wait3A_984 : memref<10x128xi32, #tpu.memory_space<hbm>>) dst(%dma_wait3A_982 : memref<10x128xi32, #tpu.memory_space<vmem>>)
    %add3A_985 = arith.constant 101120 : i32
    %add3A_986 = arith.addi %mul3A_4, %add3A_985 : i32
    %dma_wait3A_987 = arith.constant 1 : i32
    %dma_wait3A_988 = arith.constant 0 : i32
    %dma_wait3A_989 = arith.constant 0 : i32
    %dma_wait3A_990 = tpu.memref_slice %arg6[%dma_wait3A_987, %dma_wait3A_988, %dma_wait3A_989] : memref<2x1280x32xf32, #tpu.memory_space<vmem>> -> memref<1x1280x32xf32, #tpu.memory_space<vmem>>
    %dma_wait3A_991 = tpu.memref_squeeze %dma_wait3A_990 : memref<1x1280x32xf32, #tpu.memory_space<vmem>> -> memref<1280x32xf32, #tpu.memory_space<vmem>>
    %dma_wait3A_992 = arith.constant 0 : i32
    %dma_wait3A_993 = tpu.memref_slice %arg4[%add3A_986, %dma_wait3A_992] : memref<3276800x128xf32, #tpu.memory_space<hbm>> -> memref<1280x32xf32, #tpu.memory_space<hbm>>
    %dma_wait3A_994 = arith.constant 0 : i32
    %dma_wait3A_995 = tpu.memref_slice %arg4[%add3A_986, %dma_wait3A_994] : memref<3276800x128xf32, #tpu.memory_space<hbm>> -> memref<1280x32xf32, #tpu.memory_space<hbm>>
    %dma_wait3A_996 = arith.constant 0 : i32
    %dma_wait3A_997 = arith.constant 0 : i32
    %dma_wait3A_998 = tpu.memref_slice %arg6[%dma_wait3A_987, %dma_wait3A_996, %dma_wait3A_997] : memref<2x1280x32xf32, #tpu.memory_space<vmem>> -> memref<1x1280x32xf32, #tpu.memory_space<vmem>>
    %dma_wait3A_999 = tpu.memref_squeeze %dma_wait3A_998 : memref<1x1280x32xf32, #tpu.memory_space<vmem>> -> memref<1280x32xf32, #tpu.memory_space<vmem>>
    tpu.wait_dma2 semaphore(%arg12 : memref<!tpu.dma_semaphore, #tpu.memory_space<semaphore_mem>>) src(%dma_wait3A_999 : memref<1280x32xf32, #tpu.memory_space<vmem>>) dst(%dma_wait3A_995 : memref<1280x32xf32, #tpu.memory_space<hbm>>)
    %min3A_1000 = arith.constant 0 : i32
    %min3A_1001 = arith.constant 79 : i32
    %min3A_1002 = arith.minsi %min3A_1000, %min3A_1001 : i32
    %mul3A_1003 = arith.constant 10 : i32
    %mul3A_1004 = arith.muli %min3A_1002, %mul3A_1003 : i32
    %add3A_1005 = arith.addi %mul3A_2, %mul3A_1004 : i32
    %dma_wait3A_1006 = arith.constant 1 : i32
    %dma_wait3A_1007 = arith.constant 0 : i32
    %dma_wait3A_1008 = arith.constant 0 : i32
    %dma_wait3A_1009 = tpu.memref_slice %arg5[%dma_wait3A_1006, %dma_wait3A_1007, %dma_wait3A_1008] : memref<2x10x128xi32, #tpu.memory_space<vmem>> -> memref<1x10x128xi32, #tpu.memory_space<vmem>>
    %dma_wait3A_1010 = tpu.memref_squeeze %dma_wait3A_1009 : memref<1x10x128xi32, #tpu.memory_space<vmem>> -> memref<10x128xi32, #tpu.memory_space<vmem>>
    %dma_wait3A_1011 = arith.constant 0 : i32
    %dma_wait3A_1012 = tpu.memref_slice %arg3[%add3A_1005, %dma_wait3A_1011] : memref<25600x128xi32, #tpu.memory_space<hbm>> -> memref<10x128xi32, #tpu.memory_space<hbm>>
    %dma_wait3A_1013 = arith.constant 0 : i32
    %dma_wait3A_1014 = arith.constant 0 : i32
    %dma_wait3A_1015 = tpu.memref_slice %arg5[%dma_wait3A_1006, %dma_wait3A_1013, %dma_wait3A_1014] : memref<2x10x128xi32, #tpu.memory_space<vmem>> -> memref<1x10x128xi32, #tpu.memory_space<vmem>>
    %dma_wait3A_1016 = tpu.memref_squeeze %dma_wait3A_1015 : memref<1x10x128xi32, #tpu.memory_space<vmem>> -> memref<10x128xi32, #tpu.memory_space<vmem>>
    %dma_wait3A_1017 = arith.constant 0 : i32
    %dma_wait3A_1018 = tpu.memref_slice %arg3[%add3A_1005, %dma_wait3A_1017] : memref<25600x128xi32, #tpu.memory_space<hbm>> -> memref<10x128xi32, #tpu.memory_space<hbm>>
    tpu.wait_dma2 semaphore(%arg8 : memref<!tpu.dma_semaphore, #tpu.memory_space<semaphore_mem>>) src(%dma_wait3A_1018 : memref<10x128xi32, #tpu.memory_space<hbm>>) dst(%dma_wait3A_1016 : memref<10x128xi32, #tpu.memory_space<vmem>>)
    return
  }
}

</mosaic_0001>

<sc_bundles>
// kernel: kernel.3.cloned.1.call-start
scs
__scs_entry_jumppad:
0x0: {  	(pc) =	sbr.rel $0x88, $3  }
0x1: {  	(tag) =	ssettag $0x0;
	lr =	simm.s32 $0x1  }
0x2: {  	[smem:$0x3F9F] =	sst lr;
	_ =	strace $0xD0000000  }
0x3: {  	_ = 	snop  }
0x4: {  	_ = 	snop  }
0x5: {  	_ = 	snop  }
0x6: {  	_ = 	snop  }
0x7: {  	_ = 	snop  }
__scs_overlays_trampoline_lowered:
0x8: {  	[smem:$0x3FAE] =	sst s0  }
0x9: {  	[smem:$0x3FAF] =	sst s1  }
0xa: {  	[smem:$0x3FB0] =	sst s2  }
0xb: {  	[smem:$0x3FB1] =	sst s3  }
0xc: {  	[smem:$0x3FB2] =	sst s4  }
0xd: {  	[smem:$0x3FB3] =	sst s5  }
0xe: {  	[smem:$0x3FB4] =	sst s6  }
0xf: {  	[smem:$0x3FB5] =	sst s7  }
0x10: {  	[smem:$0x3FB6] =	sst s8  }
0x11: {  	[smem:$0x3FB7] =	sst s9;
	s0 =	simm.s32 @!p0 $0x0  }
0x12: {  	s1 =	sld [smem:$0x3F9D];
	s0 =	simm.s32 @p0 $0x1  }
0x13: {  	[smem:$0x3FB8] =	sst s0;
	s0 =	simm.s32 @!p1 $0x0  }
0x14: {  	s2 =	sld [smem:$0x3F9C];
	s0 =	simm.s32 @p1 $0x1  }
0x15: {  	[smem:$0x3FB9] =	sst s0;
	s0 =	simm.s32 @!p2 $0x0  }
0x16: {  	s3 =	sld [smem:$0x3FDB];
	s0 =	simm.s32 @p2 $0x1  }
0x17: {  	s4 =	simm.s32 $0x1BF5;
	[smem:$0x3FBB] =	sst s0  }
0x18: {  	s0 =	sld [smem:$0x3F9E];
	_ =	swait.ge [sflag:s4], $0x0  }
0x19: {  	s7 =	sld [smem:$0x3F9F]  }
0x1a: {  	s8 =	sadd.s32 $0xFFFFE003, lr  }
0x1b: {  	s9 =	sadd.s32 $0xFFFFFEF7, lr;
	s5 =	simm.s32 $0xFFFFFFFF;
	p2 =	slt.u32 s8, $0xFFFFF086  }
0x1c: {  	p1 =	slt.u32 s9, $0xF7A;
	s5 =	simm.s32 @!p2 $0x0  }
0x1d: {  	s5 =	simm.s32 @p1 $0x1;
	p0 =	seq.s32 s7, s2  }
0x1e: {  	s7 =	smul.u32 @!p0 $0xF7A, s2;
	p2 =	seq.s32 @!p0 s5, $0x0  }
0x1f: {  	s9 =	smul.u32 $0xF7A, s1;
	s8 =	simm.s32 @!p0 $0x1BF5;
	p2 =	por !p2, p0  }
0x20: {  	[sflag:s8] =	ssyncset.s32 @!p0 $0xFFFFF086;
	s6 =	sadd.s32 @!p0 s3, s7;
	s7 =	simm.s32 @!p0 $0x108  }
0x21: {  	s3 =	sadd.s32 s3, s9;
	s6 =	sadd.s32 @!p0 $0x88, s6;
	s7 =	simm.s32 @p2 $0x1082  }
0x22: {  	[simem:s7], [sflag:s8] =	dma.local @!p0 [hbm:s6], $0xF7A  }
0x23: {  	s9 =	sor.u32 $0xD0000000, s2;
	s6 =	simm.s32 $0x108;
	_ =	swait.ge @!p0 [sflag:s8], $0x0  }
0x24: {  	s3 =	sadd.s32 $0x88, s3;
	s6 =	simm.s32 @!p1 $0x1082;
	[sflag:s4] =	ssyncset.s32 $0xFFFFF086  }
0x25: {  	[simem:s6], [sflag:s4] =	dma.local [hbm:s3], $0xF7A  }
0x26: {  	[smem:$0x3F9F] =	sst s1;
	(tag) =	ssettag s2;
	_ =	strace s9  }
0x27: {  	s1 =	sld [smem:$0x3FAF]  }
0x28: {  	s2 =	sld [smem:$0x3FB0]  }
0x29: {  	s4 =	sld [smem:$0x3FB2]  }
0x2a: {  	p0 =	seq.s32 s5, $0x0;
	s5 =	sld [smem:$0x3FB3]  }
0x2b: {  	s6 =	sld [smem:$0x3FB4]  }
0x2c: {  	s7 =	sld [smem:$0x3FB5]  }
0x2d: {  	s3 =	simm.s32 $0x108;
	s8 =	sld [smem:$0x3FB6]  }
0x2e: {  	s3 =	simm.s32 @!p0 $0x1082;
	s9 =	sld [smem:$0x3FB7]  }
0x2f: {  	lr =	sadd.s32 s0, s3;
	s0 =	sld [smem:$0x3FAE]  }
0x30: {  	s3 =	sld [smem:$0x3FB1]  }
0x31: {  	[smem:$0x3FBA] =	sst s10  }
0x32: {  	s10 =	sld [smem:$0x3FB8];
	_ =	sdelay $0x3  }
0x33: {  	p0 =	seq.s32 s10, $0x1;
	s10 =	sld [smem:$0x3FBA];
	_ =	sdelay $0x3  }
0x34: {  	[smem:$0x3FBA] =	sst s10  }
0x35: {  	s10 =	sld [smem:$0x3FB9];
	_ =	sdelay $0x3  }
0x36: {  	p1 =	seq.s32 s10, $0x1;
	s10 =	sld [smem:$0x3FBA];
	_ =	sdelay $0x3  }
0x37: {  	[smem:$0x3FBA] =	sst s10  }
0x38: {  	s10 =	sld [smem:$0x3FBB]  }
0x39: {  	_ = 	snop;
	(pc) =	sbr.ind lr, $3  }
0x3a: {  	_ = 	snop  }
0x3b: {  	_ = 	snop  }
0x3c: {  	p2 =	seq.s32 s10, $0x1;
	s10 =	sld [smem:$0x3FBA]  }
0x3d: {  	_ =	shalt  }
0x3e: {  	_ =	shalt  }
0x3f: {  	_ =	shalt  }
0x40: {  	_ =	shalt  }
0x41: {  	_ =	shalt  }
0x42: {  	_ =	shalt  }
0x43: {  	_ =	shalt  }
0x44: {  	_ =	shalt  }
0x45: {  	_ =	shalt  }
0x46: {  	_ =	shalt  }
0x47: {  	_ =	shalt  }
0x48: {  	_ =	shalt  }
0x49: {  	_ =	shalt  }
0x4a: {  	_ =	shalt  }
0x4b: {  	_ =	shalt  }
0x4c: {  	_ =	shalt  }
0x4d: {  	_ =	shalt  }
0x4e: {  	_ =	shalt  }
0x4f: {  	_ =	shalt  }
0x50: {  	_ =	shalt  }
0x51: {  	_ =	shalt  }
0x52: {  	_ =	shalt  }
0x53: {  	_ =	shalt  }
0x54: {  	_ =	shalt  }
0x55: {  	_ =	shalt  }
0x56: {  	_ =	shalt  }
0x57: {  	_ =	shalt  }
0x58: {  	_ =	shalt  }
0x59: {  	_ =	shalt  }
0x5a: {  	_ =	shalt  }
0x5b: {  	_ =	shalt  }
0x5c: {  	_ =	shalt  }
0x5d: {  	_ =	shalt  }
0x5e: {  	_ =	shalt  }
0x5f: {  	_ =	shalt  }
0x60: {  	_ =	shalt  }
0x61: {  	_ =	shalt  }
0x62: {  	_ =	shalt  }
0x63: {  	_ =	shalt  }
0x64: {  	_ =	shalt  }
0x65: {  	_ =	shalt  }
0x66: {  	_ =	shalt  }
0x67: {  	_ =	shalt  }
0x68: {  	_ =	shalt  }
0x69: {  	_ =	shalt  }
0x6a: {  	_ =	shalt  }
0x6b: {  	_ =	shalt  }
0x6c: {  	_ =	shalt  }
0x6d: {  	_ =	shalt  }
0x6e: {  	_ =	shalt  }
0x6f: {  	_ =	shalt  }
0x70: {  	_ =	shalt  }
0x71: {  	_ =	shalt  }
0x72: {  	_ =	shalt  }
0x73: {  	_ =	shalt  }
0x74: {  	_ =	shalt  }
0x75: {  	_ =	shalt  }
0x76: {  	_ =	shalt  }
0x77: {  	_ =	shalt  }
0x78: {  	_ =	shalt  }
0x79: {  	_ =	shalt  }
0x7a: {  	_ =	shalt  }
0x7b: {  	_ =	shalt  }
0x7c: {  	_ =	shalt  }
0x7d: {  	_ =	shalt  }
0x7e: {  	_ =	shalt  }
0x7f: {  	_ =	shalt  }
0x80: {  	_ =	shalt  }
0x81: {  	_ =	shalt  }
0x82: {  	_ =	shalt  }
0x83: {  	_ =	shalt  }
0x84: {  	_ =	shalt  }
0x85: {  	_ =	shalt  }
0x86: {  	_ =	shalt  }
0x87: {  	_ =	shalt  }
.Lfunc_end0:
.L_simem_size_0:
called_computation.1_lowered:
.L_overlay_start_0:
0x88: {  	s2 =	sld [smem:$0x3FD9]  }
0x89: {  	s3 =	sld [smem:$0x3FFE];
	_ =	sdelay $0x1  }
0x8a: {  	s1 =	srdreg.scid  }
0x8b: {  	s0 =	sand.u32 $0x1, s1  }
0x8c: {  	s17 =	sshll.u32 s0, $0xA;
	s2 =	sadd.s32 s3, s2  }
0x8d: {  	s2 =	sadd.s32 s2, s17  }
0x8e: {  	[smem:$0x3FC6] =	sst s2  }
0x8f: {  	_ = 	snop  }
0x90: {  	s2 =	sld [smem:$0x3FD0];
	(tm) =	ssettm $0x1  }
0x91: {  	s18 =	sld [smem:$0x3FFB];
	_ =	sdelay $0x3  }
0x92: {  	_ =	strace s18  }
0x93: {  	s3 =	sld [smem:$0x3FFC];
	_ =	sdelay $0x3  }
0x94: {  	_ =	strace s3  }
0x95: {  	s3 =	sld [smem:$0x3FFD];
	_ =	sdelay $0x3  }
0x96: {  	_ =	strace s3  }
0x97: {  	_ =	strace $0x8FFFFFFF  }
0x98: {  	s19 =	sld [smem:$0x3FDB];
	_ =	sdelay $0x1  }
0x99: {  	s4 =	simm.s32 $_scs_section_size  }
0x9a: {  	s5 =	simm.s32 $_size__tile_overlayer_lowered;
	s6 =	simm.s32 $_tile_overlayer_lowered  }
0x9b: {  	s22 =	simm.s32 $0x1BFF;
	s21 =	sshll.u32 s6, $0x1;
	s3 =	sadd.s32 s4, s19  }
0x9c: {  	s7 =	simm.s32 $0x0;
	s20 =	sshll.u32 s5, $0x1;
	s5 =	sadd.s32 s21, s3  }
0x9d: {  	[timem:s7], [sflag:s22] =	dma.local [hbm:s5], s20  }
0x9e: {  	_ =	swait.ge [sflag:s22], s20  }
0x9f: {  	s4 =	ssub.s32 $0x0, s20;
	[sflag:s22] =	ssyncset.done $0x0  }
0xa0: {  	[sflag:s22] =	ssyncadd.s32 s4;
	_ =	sdelay $0x1  }
0xa1: {  	s23 =	simm.s32 $0x1B8B  }
0xa2: {  	_ =	swait.ge [sflag:s23], $0x1  }
0xa3: {  	[sflag:s23] =	ssyncset.done $0x0  }
0xa4: {  	s25 =	simm.s32 $0x1B8E;
	s24 =	sld [smem:$0x3FFE];
	[sflag:s23] =	ssyncadd.s32 $0xFFFFFFFF  }
0xa5: {  	s26 =	simm.s32 $execute0_lowered;
	[smem:$0x3FD2] =	sst s25  }
0xa6: {  	s5 =	sshll.u32 s26, $0x1;
	_ =	strace $0x80000046;
	[dreg:$0x1] =	wrdreg $0xFFFFFFFF  }
0xa7: {  	s28 =	simm.s32 $_size_execute0_lowered;
	s3 =	sadd.s32 s3, s5;
	[dreg:$0x0] =	wrdreg $0x0  }
0xa8: {  	s5 =	sshll.u32 s28, $0x1;
	[dreg:$0x2] =	wrdreg s3  }
0xa9: {  	[dreg:$0x3] =	wrdreg s5  }
0xaa: {  	[dreg:$0x4] =	wrdreg $0xC0  }
0xab: {  	_ =	task [dreg:s7], $0x5FFFF  }
0xac: {  	[dreg:$0x1] =	wrdreg $0xFFFFFFFF  }
0xad: {  	[dreg:$0x0] =	wrdreg $0x60  }
0xae: {  	[dreg:$0x2] =	wrdreg s2  }
0xaf: {  	[dreg:$0x3] =	wrdreg s24  }
0xb0: {  	[dreg:$0x4] =	wrdreg $0x9  }
0xb1: {  	_ =	task.clear_ibuf [dreg:s7], $0x5FFFF;
	_ =	strace $0x90000046  }
0xb2: {  	s29 =	simm.s32 $0x9;
	_ =	strace $0x80000048  }
0xb3: {  	_ =	swait.ge [sflag:s29], $0x1  }
0xb4: {  	[sflag:s29] =	ssyncadd.s32 $0xFFFFFFFF  }
0xb5: {  	_ =	strace $0x90000048  }
0xb6: {  	_ =	sfence  }
0xb7: {  	s30 =	sld [smem:$0x0];
	_ =	sdelay $0x2  }
0xb8: {  	s31 =	sshll.u32 s1, $0xD;
	s1 =	sshrl.u32 s1, $0x2  }
0xb9: {  	s3 =	sand.u32 $0x4000, s31;
	s1 =	sadd.s32 s1, s30  }
0xba: {  	s0 =	sor.u32 s3, s0;
	s1 =	sshll.u32 s1, $0x11  }
0xbb: {  	s0 =	sor.u32 s1, s0  }
0xbc: {  	s0 =	sadd.s32 $0x8F2B, s0  }
0xbd: {  	[sflag:s0] =	ssyncadd.remote.s32 $0x1  }
0xbe: {  	_ =	sfence.sel $0xFFFF  }
0xbf: {  	[dreg:$0x0] =	wrdreg $0xFFFFFFFF;
	(pc) =	sbr.abs _section_cstart, $3  }
0xc0: {  	[dreg:$0x1] =	wrdreg $0xFFFFFFFF  }
0xc1: {  	_ =	task.clear_ibuf [dreg:s7], $0x2FFFF;
	_ =	strace $0x9FFFFFFF  }
0xc2: {  	(tm) =	ssettm $0x7FFFFFFF  }
0xc3: {  	_ =	shalt  }
tec
execute0_lowered:
.L_overlay_start_1:
0x0: {  	(tag) =	ssettag $0x1  }
0x1: {  	s2 =	rddreg [dreg:$0x0]  }
0x2: {  	s0 =	rddreg [dreg:$0x1]  }
0x3: {  	s1 =	srdreg.scid;
	s10 =	stileid.u32;
	s3 =	simm.s32 $0x0  }
0x4: {  	s14 =	simm.s32 $0x500;
	s15 =	simm.s32 $0x1;
	s16 =	simm.s32 $0x80  }
0x5: {  	s17 =	simm.s32 $0xA00;
	s13 =	simm.s32 $0x2A00;
	s18 =	simm.s32 $0x180  }
0x6: {  	s19 =	simm.s32 $0x3A00;
	s20 =	simm.s32 $0x200;
	s28 =	simm.s32 $0x7A00  }
0x7: {  	s29 =	simm.s32 $0x400;
	s30 =	simm.s32 $0x8A00;
	s31 =	simm.s32 $0x480  }
0x8: {  	s11 =	simm.s32 $0x2;
	s12 =	simm.s32 $0x0;
	s1 =	sand.u32 $0x1, s1  }
0x9: {  	s4 =	sshll.u32 s10, $0x1;
	[smem:$0x7FF] =	sst s3;
	s10 =	smul.u32 $0x32000, s10  }
0xa: {  	s5 =	sor.u32 s1, s4;
	s7 =	ssub.s32 $0x2, s1;
	s1 =	smul.u32 $0x19000, s1  }
0xb: {  	_ =	strace $0x80000047;
	s4 =	sadd.s32 $0x800, s0;
	s6 =	smul.u32 $0x3200, s5  }
0xc: {  	s0 =	sadd.s32 $0x64800, s0;
	s8 =	smul.u32 $0x190000, s5;
	s9 =	sshrl.u32 s7, $0x1  }
0xd: {  	[dreg:$0xe] =	wrdreg s12;
	s5 =	smul.u32 $0x320, s5;
	s7 =	ssub.s32 s7, s9  }
0xe: {  	s1 =	sadd.s32 s1, s10;
	s9 =	simm.s32 $0x3;
	s6 =	sadd.s32 s4, s6  }
0xf: {  	s10 =	simm.s32 $0x20;
	s8 =	sadd.s32 s0, s8;
	[dreg:$0x5] =	wrdreg s6  }
0x10: {  	s24 =	sadd.s32 $0x28, s5;
	s1 =	sshll.u32 s1, $0x4;
	[dreg:$0x8] =	wrdreg s8  }
0x11: {  	s5 =	sadd.s32 $0x32, s5;
	s25 =	smax.u32 s7, $0x1;
	[dreg:$0x3] =	wrdreg s24  }
0x12: {  	s7 =	simm.s32 $0x5;
	s21 =	sadd.s32 $0xA0, s6;
	[dreg:$0x4] =	wrdreg s5  }
0x13: {  	s22 =	sadd.s32 $0x140, s6;
	s6 =	sadd.s32 $0x1E0, s6;
	[dreg:$0xb] =	wrdreg s25  }
0x14: {  	s23 =	sadd.s32 $0x5000, s8;
	s0 =	sadd.s32 s1, s0;
	[dreg:$0x6] =	wrdreg s21  }
0x15: {  	s24 =	simm.s32 $0x280;
	s25 =	simm.s32 $0x5A00;
	[dreg:$0x7] =	wrdreg s22  }
0x16: {  	s1 =	simm.s32 $0x380;
	s8 =	simm.s32 $0xAA00;
	[dreg:$0x9] =	wrdreg s6  }
0x17: {  	s5 =	simm.s32 $0x6;
	[dreg:$0xa] =	wrdreg s23;
	s26 =	sadd.s32 $0xF000, s0  }
0x18: {  	s0 =	sadd.s32 $0xA000, s0;
	s21 =	simm.s32 $0x1A00;
	s22 =	simm.s32 $0x100  }
0x19: {  	s23 =	simm.s32 $0x4A00;
	s6 =	simm.s32 $0x4;
	[dreg:$0xc] =	wrdreg s26  }
0x1a: {  	[dreg:$0xd] =	wrdreg s0;
	s26 =	simm.s32 $0x300;
	s0 =	simm.s32 $0x6A00  }
.LBB2_1:
0x1b: {  	s12 =	rddreg [dreg:$0x5]  }
0x1c: {  	[tilespmem:s3], [sflag:$0x1] =	stream.linear.gather [hbm4b:s12+s3], $0x500, $0x38;
	[tilespmem:$0x14A00] =	vst v63  }
0x1d: {  	s12 =	rddreg [dreg:$0x6]  }
0x1e: {  	[tilespmem:s14], [sflag:$0x2] =	stream.linear.gather [hbm4b:s12+s3], $0x500, $0x38;
	[tilespmem:$0x14A00] =	vst v63  }
0x1f: {  	_ =	swait.ge [sflag:s15], $0x500  }
0x20: {  	[sflag:s15] =	ssyncset.done $0x0  }
0x21: {  	[sflag:s15] =	ssyncadd.s32 $0xFFFFFB00  }
0x22: {  	[tilespmem:s17], [sflag:$0x3] =	stream.indirect.gather [hbm4b:s2+s16], $0x20, s3, s16, $0xb8;
	[tilespmem:$0x14A00] =	vst v63  }
0x23: {  	_ = 	snop  }
0x24: {  	[tilespmem:s21], [sflag:$0x3] =	stream.indirect.gather [hbm4b:s2+s16], $0x20, s16, s16, $0xb8;
	[tilespmem:$0x14A00] =	vst v63  }
0x25: {  	_ = 	snop  }
0x26: {  	[tilespmem:s13], [sflag:$0x3] =	stream.indirect.gather [hbm4b:s2+s16], $0x20, s22, s16, $0xb8;
	[tilespmem:$0x14A00] =	vst v63  }
0x27: {  	_ = 	snop  }
0x28: {  	[tilespmem:s19], [sflag:$0x3] =	stream.indirect.gather [hbm4b:s2+s16], $0x20, s18, s16, $0xb8;
	[tilespmem:$0x14A00] =	vst v63  }
0x29: {  	_ = 	snop  }
0x2a: {  	[tilespmem:s23], [sflag:$0x3] =	stream.indirect.gather [hbm4b:s2+s16], $0x20, s20, s16, $0xb8;
	[tilespmem:$0x14A00] =	vst v63  }
0x2b: {  	_ = 	snop  }
0x2c: {  	[tilespmem:s25], [sflag:$0x3] =	stream.indirect.gather [hbm4b:s2+s16], $0x20, s24, s16, $0xb8;
	[tilespmem:$0x14A00] =	vst v63  }
0x2d: {  	_ = 	snop  }
0x2e: {  	[tilespmem:s0], [sflag:$0x3] =	stream.indirect.gather [hbm4b:s2+s16], $0x20, s26, s16, $0xb8;
	[tilespmem:$0x14A00] =	vst v63  }
0x2f: {  	_ = 	snop  }
0x30: {  	[tilespmem:s28], [sflag:$0x3] =	stream.indirect.gather [hbm4b:s2+s16], $0x20, s1, s16, $0xb8;
	[tilespmem:$0x14A00] =	vst v63  }
0x31: {  	_ = 	snop  }
0x32: {  	[tilespmem:s30], [sflag:$0x3] =	stream.indirect.gather [hbm4b:s2+s16], $0x20, s29, s16, $0xb8;
	[tilespmem:$0x14A00] =	vst v63  }
0x33: {  	s13 =	simm.s32 $0x9A00  }
0x34: {  	[tilespmem:s13], [sflag:$0x3] =	stream.indirect.gather [hbm4b:s2+s16], $0x20, s31, s16, $0xb8;
	[tilespmem:$0x14A00] =	vst v63  }
0x35: {  	_ =	swait.ge [sflag:s9], $0x1000  }
0x36: {  	[sflag:s9] =	ssyncset.done $0x0  }
0x37: {  	[sflag:s9] =	ssyncadd.s32 $0xFFFFF000  }
0x38: {  	_ =	swait.ge [sflag:s9], $0x1000  }
0x39: {  	[sflag:s9] =	ssyncset.done $0x0  }
0x3a: {  	[sflag:s9] =	ssyncadd.s32 $0xFFFFF000  }
0x3b: {  	_ =	swait.ge [sflag:s9], $0x1000  }
0x3c: {  	[sflag:s9] =	ssyncset.done $0x0  }
0x3d: {  	[sflag:s9] =	ssyncadd.s32 $0xFFFFF000  }
0x3e: {  	_ =	swait.ge [sflag:s9], $0x1000  }
0x3f: {  	[sflag:s9] =	ssyncset.done $0x0  }
0x40: {  	[sflag:s9] =	ssyncadd.s32 $0xFFFFF000  }
0x41: {  	_ =	swait.ge [sflag:s9], $0x1000  }
0x42: {  	[sflag:s9] =	ssyncset.done $0x0  }
0x43: {  	[sflag:s9] =	ssyncadd.s32 $0xFFFFF000  }
0x44: {  	_ =	swait.ge [sflag:s9], $0x1000  }
0x45: {  	[sflag:s9] =	ssyncset.done $0x0  }
0x46: {  	[sflag:s9] =	ssyncadd.s32 $0xFFFFF000  }
0x47: {  	_ =	swait.ge [sflag:s9], $0x1000  }
0x48: {  	[sflag:s9] =	ssyncset.done $0x0  }
0x49: {  	[sflag:s9] =	ssyncadd.s32 $0xFFFFF000  }
0x4a: {  	_ =	swait.ge [sflag:s9], $0x1000  }
0x4b: {  	[sflag:s9] =	ssyncset.done $0x0  }
0x4c: {  	[sflag:s9] =	ssyncadd.s32 $0xFFFFF000  }
0x4d: {  	_ =	swait.ge [sflag:s9], $0x1000  }
0x4e: {  	[sflag:s9] =	ssyncset.done $0x0  }
0x4f: {  	[sflag:s9] =	ssyncadd.s32 $0xFFFFF000  }
0x50: {  	_ =	swait.ge [sflag:s9], $0x1000  }
0x51: {  	[sflag:s9] =	ssyncset.done $0x0  }
0x52: {  	s13 =	rddreg [dreg:$0x7];
	[sflag:s9] =	ssyncadd.s32 $0xFFFFF000  }
0x53: {  	[tilespmem:s3], [sflag:$0x1] =	stream.linear.gather [hbm4b:s13+s3], $0x500, $0x38;
	[tilespmem:$0x14A00] =	vst v63  }
0x54: {  	s13 =	rddreg [dreg:$0x8]  }
0x55: {  	[hbm4b:s13+s10] =	stream.strided.scatter [tilespmem:s17], [sflag:$0x5], $0xA000, s16, s10, $0x38;
	[tilespmem:$0x14A00] =	vst v63  }
0x56: {  	_ =	swait.ge [sflag:s11], $0x500  }
0x57: {  	[sflag:s11] =	ssyncset.done $0x0  }
0x58: {  	[sflag:s11] =	ssyncadd.s32 $0xFFFFFB00  }
0x59: {  	[tilespmem:s8], [sflag:$0x4] =	stream.indirect.gather [hbm4b:s2+s16], $0x20, s14, s16, $0xb8;
	[tilespmem:$0x14A00] =	vst v63  }
0x5a: {  	s12 =	simm.s32 $0x580;
	s13 =	simm.s32 $0xBA00  }
0x5b: {  	[tilespmem:s13], [sflag:$0x4] =	stream.indirect.gather [hbm4b:s2+s16], $0x20, s12, s16, $0xb8;
	[tilespmem:$0x14A00] =	vst v63  }
0x5c: {  	s12 =	simm.s32 $0x600;
	s13 =	simm.s32 $0xCA00  }
0x5d: {  	[tilespmem:s13], [sflag:$0x4] =	stream.indirect.gather [hbm4b:s2+s16], $0x20, s12, s16, $0xb8;
	[tilespmem:$0x14A00] =	vst v63  }
0x5e: {  	s12 =	simm.s32 $0x680;
	s13 =	simm.s32 $0xDA00  }
0x5f: {  	[tilespmem:s13], [sflag:$0x4] =	stream.indirect.gather [hbm4b:s2+s16], $0x20, s12, s16, $0xb8;
	[tilespmem:$0x14A00] =	vst v63  }
0x60: {  	s12 =	simm.s32 $0x700;
	s13 =	simm.s32 $0xEA00  }
0x61: {  	[tilespmem:s13], [sflag:$0x4] =	stream.indirect.gather [hbm4b:s2+s16], $0x20, s12, s16, $0xb8;
	[tilespmem:$0x14A00] =	vst v63  }
0x62: {  	s12 =	simm.s32 $0x780;
	s13 =	simm.s32 $0xFA00  }
0x63: {  	[tilespmem:s13], [sflag:$0x4] =	stream.indirect.gather [hbm4b:s2+s16], $0x20, s12, s16, $0xb8;
	[tilespmem:$0x14A00] =	vst v63  }
0x64: {  	s12 =	simm.s32 $0x800;
	s13 =	simm.s32 $0x10A00  }
0x65: {  	[tilespmem:s13], [sflag:$0x4] =	stream.indirect.gather [hbm4b:s2+s16], $0x20, s12, s16, $0xb8;
	[tilespmem:$0x14A00] =	vst v63  }
0x66: {  	s12 =	simm.s32 $0x880;
	s13 =	simm.s32 $0x11A00  }
0x67: {  	[tilespmem:s13], [sflag:$0x4] =	stream.indirect.gather [hbm4b:s2+s16], $0x20, s12, s16, $0xb8;
	[tilespmem:$0x14A00] =	vst v63  }
0x68: {  	s12 =	simm.s32 $0x900;
	s13 =	simm.s32 $0x12A00  }
0x69: {  	[tilespmem:s13], [sflag:$0x4] =	stream.indirect.gather [hbm4b:s2+s16], $0x20, s12, s16, $0xb8;
	[tilespmem:$0x14A00] =	vst v63  }
0x6a: {  	s12 =	simm.s32 $0x980;
	s13 =	simm.s32 $0x13A00  }
0x6b: {  	[tilespmem:s13], [sflag:$0x4] =	stream.indirect.gather [hbm4b:s2+s16], $0x20, s12, s16, $0xb8;
	[tilespmem:$0x14A00] =	vst v63  }
0x6c: {  	_ =	swait.ge [sflag:s6], $0x1000  }
0x6d: {  	[sflag:s6] =	ssyncset.done $0x0  }
0x6e: {  	[sflag:s6] =	ssyncadd.s32 $0xFFFFF000  }
0x6f: {  	_ =	swait.ge [sflag:s6], $0x1000  }
0x70: {  	[sflag:s6] =	ssyncset.done $0x0  }
0x71: {  	[sflag:s6] =	ssyncadd.s32 $0xFFFFF000  }
0x72: {  	_ =	swait.ge [sflag:s6], $0x1000  }
0x73: {  	[sflag:s6] =	ssyncset.done $0x0  }
0x74: {  	[sflag:s6] =	ssyncadd.s32 $0xFFFFF000  }
0x75: {  	_ =	swait.ge [sflag:s6], $0x1000  }
0x76: {  	[sflag:s6] =	ssyncset.done $0x0  }
0x77: {  	[sflag:s6] =	ssyncadd.s32 $0xFFFFF000  }
0x78: {  	_ =	swait.ge [sflag:s6], $0x1000  }
0x79: {  	[sflag:s6] =	ssyncset.done $0x0  }
0x7a: {  	[sflag:s6] =	ssyncadd.s32 $0xFFFFF000  }
0x7b: {  	_ =	swait.ge [sflag:s6], $0x1000  }
0x7c: {  	[sflag:s6] =	ssyncset.done $0x0  }
0x7d: {  	[sflag:s6] =	ssyncadd.s32 $0xFFFFF000  }
0x7e: {  	_ =	swait.ge [sflag:s6], $0x1000  }
0x7f: {  	[sflag:s6] =	ssyncset.done $0x0  }
0x80: {  	[sflag:s6] =	ssyncadd.s32 $0xFFFFF000  }
0x81: {  	_ =	swait.ge [sflag:s6], $0x1000  }
0x82: {  	[sflag:s6] =	ssyncset.done $0x0  }
0x83: {  	[sflag:s6] =	ssyncadd.s32 $0xFFFFF000  }
0x84: {  	_ =	swait.ge [sflag:s6], $0x1000  }
0x85: {  	[sflag:s6] =	ssyncset.done $0x0  }
0x86: {  	[sflag:s6] =	ssyncadd.s32 $0xFFFFF000  }
0x87: {  	_ =	swait.ge [sflag:s6], $0x1000  }
0x88: {  	[sflag:s6] =	ssyncset.done $0x0  }
0x89: {  	s13 =	rddreg [dreg:$0x9];
	[sflag:s6] =	ssyncadd.s32 $0xFFFFF000  }
0x8a: {  	[tilespmem:s14], [sflag:$0x2] =	stream.linear.gather [hbm4b:s13+s3], $0x500, $0x38;
	[tilespmem:$0x14A00] =	vst v63  }
0x8b: {  	s13 =	rddreg [dreg:$0xa]  }
0x8c: {  	[hbm4b:s13+s10] =	stream.strided.scatter [tilespmem:s8], [sflag:$0x6], $0xA000, s16, s10, $0x38;
	[tilespmem:$0x14A00] =	vst v63  }
0x8d: {  	_ =	swait.ge [sflag:s15], $0x500  }
0x8e: {  	[sflag:s15] =	ssyncset.done $0x0  }
0x8f: {  	[sflag:s15] =	ssyncadd.s32 $0xFFFFFB00  }
0x90: {  	_ =	swait.ge [sflag:s7], $0xA000  }
0x91: {  	[sflag:s7] =	ssyncset.done $0x0  }
0x92: {  	[sflag:s7] =	ssyncadd.s32 $0xFFFF6000  }
0x93: {  	[tilespmem:s17], [sflag:$0x3] =	stream.indirect.gather [hbm4b:s2+s16], $0x20, s3, s16, $0xb8;
	[tilespmem:$0x14A00] =	vst v63  }
0x94: {  	_ = 	snop  }
0x95: {  	[tilespmem:s21], [sflag:$0x3] =	stream.indirect.gather [hbm4b:s2+s16], $0x20, s16, s16, $0xb8;
	[tilespmem:$0x14A00] =	vst v63  }
0x96: {  	s13 =	simm.s32 $0x2A00  }
0x97: {  	[tilespmem:s13], [sflag:$0x3] =	stream.indirect.gather [hbm4b:s2+s16], $0x20, s22, s16, $0xb8;
	[tilespmem:$0x14A00] =	vst v63  }
0x98: {  	_ = 	snop  }
0x99: {  	[tilespmem:s19], [sflag:$0x3] =	stream.indirect.gather [hbm4b:s2+s16], $0x20, s18, s16, $0xb8;
	[tilespmem:$0x14A00] =	vst v63  }
0x9a: {  	_ = 	snop  }
0x9b: {  	[tilespmem:s23], [sflag:$0x3] =	stream.indirect.gather [hbm4b:s2+s16], $0x20, s20, s16, $0xb8;
	[tilespmem:$0x14A00] =	vst v63  }
0x9c: {  	_ = 	snop  }
0x9d: {  	[tilespmem:s25], [sflag:$0x3] =	stream.indirect.gather [hbm4b:s2+s16], $0x20, s24, s16, $0xb8;
	[tilespmem:$0x14A00] =	vst v63  }
0x9e: {  	_ = 	snop  }
0x9f: {  	[tilespmem:s0], [sflag:$0x3] =	stream.indirect.gather [hbm4b:s2+s16], $0x20, s26, s16, $0xb8;
	[tilespmem:$0x14A00] =	vst v63  }
0xa0: {  	_ = 	snop  }
0xa1: {  	[tilespmem:s28], [sflag:$0x3] =	stream.indirect.gather [hbm4b:s2+s16], $0x20, s1, s16, $0xb8;
	[tilespmem:$0x14A00] =	vst v63  }
0xa2: {  	_ = 	snop  }
0xa3: {  	[tilespmem:s30], [sflag:$0x3] =	stream.indirect.gather [hbm4b:s2+s16], $0x20, s29, s16, $0xb8;
	[tilespmem:$0x14A00] =	vst v63  }
0xa4: {  	s18 =	simm.s32 $0x9A00  }
0xa5: {  	[tilespmem:s18], [sflag:$0x3] =	stream.indirect.gather [hbm4b:s2+s16], $0x20, s31, s16, $0xb8;
	[tilespmem:$0x14A00] =	vst v63  }
0xa6: {  	_ =	swait.ge [sflag:s9], $0x1000  }
0xa7: {  	[sflag:s9] =	ssyncset.done $0x0  }
0xa8: {  	[sflag:s9] =	ssyncadd.s32 $0xFFFFF000  }
0xa9: {  	_ =	swait.ge [sflag:s9], $0x1000  }
0xaa: {  	[sflag:s9] =	ssyncset.done $0x0  }
0xab: {  	[sflag:s9] =	ssyncadd.s32 $0xFFFFF000  }
0xac: {  	_ =	swait.ge [sflag:s9], $0x1000  }
0xad: {  	[sflag:s9] =	ssyncset.done $0x0  }
0xae: {  	[sflag:s9] =	ssyncadd.s32 $0xFFFFF000  }
0xaf: {  	_ =	swait.ge [sflag:s9], $0x1000  }
0xb0: {  	[sflag:s9] =	ssyncset.done $0x0  }
0xb1: {  	[sflag:s9] =	ssyncadd.s32 $0xFFFFF000  }
0xb2: {  	_ =	swait.ge [sflag:s9], $0x1000  }
0xb3: {  	[sflag:s9] =	ssyncset.done $0x0  }
0xb4: {  	[sflag:s9] =	ssyncadd.s32 $0xFFFFF000  }
0xb5: {  	_ =	swait.ge [sflag:s9], $0x1000  }
0xb6: {  	[sflag:s9] =	ssyncset.done $0x0  }
0xb7: {  	[sflag:s9] =	ssyncadd.s32 $0xFFFFF000  }
0xb8: {  	_ =	swait.ge [sflag:s9], $0x1000  }
0xb9: {  	[sflag:s9] =	ssyncset.done $0x0  }
0xba: {  	[sflag:s9] =	ssyncadd.s32 $0xFFFFF000  }
0xbb: {  	_ =	swait.ge [sflag:s9], $0x1000  }
0xbc: {  	[sflag:s9] =	ssyncset.done $0x0  }
0xbd: {  	[sflag:s9] =	ssyncadd.s32 $0xFFFFF000  }
0xbe: {  	_ =	swait.ge [sflag:s9], $0x1000  }
0xbf: {  	[sflag:s9] =	ssyncset.done $0x0  }
0xc0: {  	s19 =	smin.u32 s3, $0x4B;
	[sflag:s9] =	ssyncadd.s32 $0xFFFFF000  }
0xc1: {  	s12 =	smul.u32 $0xA, s19;
	_ =	swait.ge [sflag:s9], $0x1000  }
0xc2: {  	s20 =	rddreg [dreg:$0x3]  }
0xc3: {  	s12 =	sadd.s32 s12, s20  }
0xc4: {  	s12 =	sshll.u32 s12, $0x4  }
0xc5: {  	[sflag:s9] =	ssyncset.done $0x0;
	s12 =	sand.u32 $0x1FFFE0, s12  }
0xc6: {  	[sflag:s9] =	ssyncadd.s32 $0xFFFFF000;
	s12 =	sadd.s32 s4, s12  }
0xc7: {  	[tilespmem:s3], [sflag:$0x1] =	stream.linear.gather [hbm4b:s12+s3], $0x500, $0x38;
	[tilespmem:$0x14A00] =	vst v63  }
0xc8: {  	s18 =	rddreg [dreg:$0xd]  }
0xc9: {  	[hbm4b:s18+s10] =	stream.strided.scatter [tilespmem:s17], [sflag:$0x5], $0xA000, s16, s10, $0x38;
	[tilespmem:$0x14A00] =	vst v63  }
0xca: {  	_ =	swait.ge [sflag:s11], $0x500  }
0xcb: {  	[sflag:s11] =	ssyncset.done $0x0  }
0xcc: {  	[sflag:s11] =	ssyncadd.s32 $0xFFFFFB00  }
0xcd: {  	_ =	swait.ge [sflag:s5], $0xA000  }
0xce: {  	[sflag:s5] =	ssyncset.done $0x0  }
0xcf: {  	[sflag:s5] =	ssyncadd.s32 $0xFFFF6000  }
0xd0: {  	[tilespmem:s8], [sflag:$0x4] =	stream.indirect.gather [hbm4b:s2+s16], $0x20, s14, s16, $0xb8;
	[tilespmem:$0x14A00] =	vst v63  }
0xd1: {  	s23 =	simm.s32 $0x580;
	s24 =	simm.s32 $0xBA00  }
0xd2: {  	[tilespmem:s24], [sflag:$0x4] =	stream.indirect.gather [hbm4b:s2+s16], $0x20, s23, s16, $0xb8;
	[tilespmem:$0x14A00] =	vst v63  }
0xd3: {  	s25 =	simm.s32 $0x600;
	s26 =	simm.s32 $0xCA00  }
0xd4: {  	[tilespmem:s26], [sflag:$0x4] =	stream.indirect.gather [hbm4b:s2+s16], $0x20, s25, s16, $0xb8;
	[tilespmem:$0x14A00] =	vst v63  }
0xd5: {  	s13 =	simm.s32 $0xDA00;
	s12 =	simm.s32 $0x680  }
0xd6: {  	[tilespmem:s13], [sflag:$0x4] =	stream.indirect.gather [hbm4b:s2+s16], $0x20, s12, s16, $0xb8;
	[tilespmem:$0x14A00] =	vst v63  }
0xd7: {  	s19 =	simm.s32 $0x700;
	s20 =	simm.s32 $0xEA00  }
0xd8: {  	[tilespmem:s20], [sflag:$0x4] =	stream.indirect.gather [hbm4b:s2+s16], $0x20, s19, s16, $0xb8;
	[tilespmem:$0x14A00] =	vst v63  }
0xd9: {  	s23 =	simm.s32 $0x780;
	s24 =	simm.s32 $0xFA00  }
0xda: {  	[tilespmem:s24], [sflag:$0x4] =	stream.indirect.gather [hbm4b:s2+s16], $0x20, s23, s16, $0xb8;
	[tilespmem:$0x14A00] =	vst v63  }
0xdb: {  	s25 =	simm.s32 $0x800;
	s26 =	simm.s32 $0x10A00  }
0xdc: {  	[tilespmem:s26], [sflag:$0x4] =	stream.indirect.gather [hbm4b:s2+s16], $0x20, s25, s16, $0xb8;
	[tilespmem:$0x14A00] =	vst v63  }
0xdd: {  	s12 =	simm.s32 $0x880;
	s13 =	simm.s32 $0x11A00  }
0xde: {  	[tilespmem:s13], [sflag:$0x4] =	stream.indirect.gather [hbm4b:s2+s16], $0x20, s12, s16, $0xb8;
	[tilespmem:$0x14A00] =	vst v63  }
0xdf: {  	s19 =	simm.s32 $0x900;
	s20 =	simm.s32 $0x12A00  }
0xe0: {  	[tilespmem:s20], [sflag:$0x4] =	stream.indirect.gather [hbm4b:s2+s16], $0x20, s19, s16, $0xb8;
	[tilespmem:$0x14A00] =	vst v63  }
0xe1: {  	s23 =	simm.s32 $0x980;
	s24 =	simm.s32 $0x13A00  }
0xe2: {  	[tilespmem:s24], [sflag:$0x4] =	stream.indirect.gather [hbm4b:s2+s16], $0x20, s23, s16, $0xb8;
	[tilespmem:$0x14A00] =	vst v63  }
0xe3: {  	_ =	swait.ge [sflag:s6], $0x1000  }
0xe4: {  	[sflag:s6] =	ssyncset.done $0x0  }
0xe5: {  	[sflag:s6] =	ssyncadd.s32 $0xFFFFF000  }
0xe6: {  	_ =	swait.ge [sflag:s6], $0x1000  }
0xe7: {  	[sflag:s6] =	ssyncset.done $0x0  }
0xe8: {  	[sflag:s6] =	ssyncadd.s32 $0xFFFFF000  }
0xe9: {  	_ =	swait.ge [sflag:s6], $0x1000  }
0xea: {  	[sflag:s6] =	ssyncset.done $0x0  }
0xeb: {  	[sflag:s6] =	ssyncadd.s32 $0xFFFFF000  }
0xec: {  	_ =	swait.ge [sflag:s6], $0x1000  }
0xed: {  	[sflag:s6] =	ssyncset.done $0x0  }
0xee: {  	[sflag:s6] =	ssyncadd.s32 $0xFFFFF000  }
0xef: {  	_ =	swait.ge [sflag:s6], $0x1000  }
0xf0: {  	[sflag:s6] =	ssyncset.done $0x0  }
0xf1: {  	[sflag:s6] =	ssyncadd.s32 $0xFFFFF000  }
0xf2: {  	_ =	swait.ge [sflag:s6], $0x1000  }
0xf3: {  	[sflag:s6] =	ssyncset.done $0x0  }
0xf4: {  	[sflag:s6] =	ssyncadd.s32 $0xFFFFF000  }
0xf5: {  	_ =	swait.ge [sflag:s6], $0x1000  }
0xf6: {  	[sflag:s6] =	ssyncset.done $0x0  }
0xf7: {  	[sflag:s6] =	ssyncadd.s32 $0xFFFFF000  }
0xf8: {  	_ =	swait.ge [sflag:s6], $0x1000  }
0xf9: {  	[sflag:s6] =	ssyncset.done $0x0  }
0xfa: {  	[sflag:s6] =	ssyncadd.s32 $0xFFFFF000  }
0xfb: {  	_ =	swait.ge [sflag:s6], $0x1000  }
0xfc: {  	[sflag:s6] =	ssyncset.done $0x0  }
0xfd: {  	s0 =	simm.s32 $0x13A00;
	s25 =	smin.u32 s3, $0x4A;
	[sflag:s6] =	ssyncadd.s32 $0xFFFFF000  }
0xfe: {  	s28 =	simm.s32 $0x980;
	s12 =	smul.u32 $0xA, s25;
	_ =	swait.ge [sflag:s6], $0x1000  }
0xff: {  	s1 =	simm.s32 $0x480;
	s29 =	simm.s32 $0x12A00;
	s26 =	rddreg [dreg:$0x4]  }
0x100: {  	s30 =	simm.s32 $0x5A00;
	s31 =	simm.s32 $0x300;
	s12 =	sadd.s32 s12, s26  }
0x101: {  	s18 =	sadd.s32 $0xA000, s18;
	s13 =	simm.s32 $0x2;
	s12 =	sshll.u32 s12, $0x4  }
0x102: {  	s25 =	simm.s32 $0x3A00;
	[sflag:s6] =	ssyncset.done $0x0;
	s12 =	sand.u32 $0x1FFFE0, s12  }
0x103: {  	s19 =	rddreg [dreg:$0xc];
	[sflag:s6] =	ssyncadd.s32 $0xFFFFF000;
	s12 =	sadd.s32 s4, s12  }
0x104: {  	[tilespmem:s14], [sflag:$0x2] =	stream.linear.gather [hbm4b:s12+s3], $0x500, $0x38;
	[tilespmem:$0x14A00] =	vst v63  }
0x105: {  	s23 =	simm.s32 $0x8A00;
	s26 =	simm.s32 $0x200;
	s12 =	sadd.s32 $0xA000, s19  }
.LBB2_2:
0x106: {  	[hbm4b:s19+s10] =	stream.strided.scatter [tilespmem:s8], [sflag:$0x6], $0xA000, s16, s10, $0x38;
	[tilespmem:$0x14A00] =	vst v63  }
0x107: {  	_ =	swait.ge [sflag:s15], $0x500  }
0x108: {  	[sflag:s15] =	ssyncset.done $0x0  }
0x109: {  	[sflag:s15] =	ssyncadd.s32 $0xFFFFFB00  }
0x10a: {  	_ =	swait.ge [sflag:s7], $0xA000  }
0x10b: {  	[sflag:s7] =	ssyncset.done $0x0  }
0x10c: {  	[sflag:s7] =	ssyncadd.s32 $0xFFFF6000  }
0x10d: {  	[tilespmem:s17], [sflag:$0x3] =	stream.indirect.gather [hbm4b:s2+s16], $0x20, s3, s16, $0xb8;
	[tilespmem:$0x14A00] =	vst v63  }
0x10e: {  	_ = 	snop  }
0x10f: {  	[tilespmem:s21], [sflag:$0x3] =	stream.indirect.gather [hbm4b:s2+s16], $0x20, s16, s16, $0xb8;
	[tilespmem:$0x14A00] =	vst v63  }
0x110: {  	s24 =	simm.s32 $0x2A00  }
0x111: {  	[tilespmem:s24], [sflag:$0x3] =	stream.indirect.gather [hbm4b:s2+s16], $0x20, s22, s16, $0xb8;
	[tilespmem:$0x14A00] =	vst v63  }
0x112: {  	s22 =	simm.s32 $0x180  }
0x113: {  	[tilespmem:s25], [sflag:$0x3] =	stream.indirect.gather [hbm4b:s2+s16], $0x20, s22, s16, $0xb8;
	[tilespmem:$0x14A00] =	vst v63  }
0x114: {  	s24 =	simm.s32 $0x4A00  }
0x115: {  	[tilespmem:s24], [sflag:$0x3] =	stream.indirect.gather [hbm4b:s2+s16], $0x20, s26, s16, $0xb8;
	[tilespmem:$0x14A00] =	vst v63  }
0x116: {  	s22 =	simm.s32 $0x280  }
0x117: {  	[tilespmem:s30], [sflag:$0x3] =	stream.indirect.gather [hbm4b:s2+s16], $0x20, s22, s16, $0xb8;
	[tilespmem:$0x14A00] =	vst v63  }
0x118: {  	s24 =	simm.s32 $0x6A00  }
0x119: {  	[tilespmem:s24], [sflag:$0x3] =	stream.indirect.gather [hbm4b:s2+s16], $0x20, s31, s16, $0xb8;
	[tilespmem:$0x14A00] =	vst v63  }
0x11a: {  	s22 =	simm.s32 $0x380;
	s24 =	simm.s32 $0x7A00  }
0x11b: {  	[tilespmem:s24], [sflag:$0x3] =	stream.indirect.gather [hbm4b:s2+s16], $0x20, s22, s16, $0xb8;
	[tilespmem:$0x14A00] =	vst v63  }
0x11c: {  	s22 =	simm.s32 $0x400  }
0x11d: {  	[tilespmem:s23], [sflag:$0x3] =	stream.indirect.gather [hbm4b:s2+s16], $0x20, s22, s16, $0xb8;
	[tilespmem:$0x14A00] =	vst v63  }
0x11e: {  	s24 =	simm.s32 $0x9A00  }
0x11f: {  	[tilespmem:s24], [sflag:$0x3] =	stream.indirect.gather [hbm4b:s2+s16], $0x20, s1, s16, $0xb8;
	[tilespmem:$0x14A00] =	vst v63  }
0x120: {  	_ =	swait.ge [sflag:s9], $0x1000  }
0x121: {  	[sflag:s9] =	ssyncset.done $0x0  }
0x122: {  	[sflag:s9] =	ssyncadd.s32 $0xFFFFF000  }
0x123: {  	_ =	swait.ge [sflag:s9], $0x1000  }
0x124: {  	[sflag:s9] =	ssyncset.done $0x0  }
0x125: {  	[sflag:s9] =	ssyncadd.s32 $0xFFFFF000  }
0x126: {  	_ =	swait.ge [sflag:s9], $0x1000  }
0x127: {  	[sflag:s9] =	ssyncset.done $0x0  }
0x128: {  	[sflag:s9] =	ssyncadd.s32 $0xFFFFF000  }
0x129: {  	_ =	swait.ge [sflag:s9], $0x1000  }
0x12a: {  	[sflag:s9] =	ssyncset.done $0x0  }
0x12b: {  	[sflag:s9] =	ssyncadd.s32 $0xFFFFF000  }
0x12c: {  	_ =	swait.ge [sflag:s9], $0x1000  }
0x12d: {  	[sflag:s9] =	ssyncset.done $0x0  }
0x12e: {  	[sflag:s9] =	ssyncadd.s32 $0xFFFFF000  }
0x12f: {  	_ =	swait.ge [sflag:s9], $0x1000  }
0x130: {  	[sflag:s9] =	ssyncset.done $0x0  }
0x131: {  	[sflag:s9] =	ssyncadd.s32 $0xFFFFF000  }
0x132: {  	_ =	swait.ge [sflag:s9], $0x1000  }
0x133: {  	[sflag:s9] =	ssyncset.done $0x0  }
0x134: {  	[sflag:s9] =	ssyncadd.s32 $0xFFFFF000  }
0x135: {  	_ =	swait.ge [sflag:s9], $0x1000  }
0x136: {  	[sflag:s9] =	ssyncset.done $0x0  }
0x137: {  	[sflag:s9] =	ssyncadd.s32 $0xFFFFF000  }
0x138: {  	_ =	swait.ge [sflag:s9], $0x1000  }
0x139: {  	s20 =	smov.u32 s13;
	[sflag:s9] =	ssyncset.done $0x0  }
0x13a: {  	s22 =	smin.u32 s20, $0x4B;
	[sflag:s9] =	ssyncadd.s32 $0xFFFFF000  }
0x13b: {  	s21 =	smul.u32 $0xA, s22;
	_ =	swait.ge [sflag:s9], $0x1000  }
0x13c: {  	s24 =	rddreg [dreg:$0x3]  }
0x13d: {  	s21 =	sadd.s32 s21, s24  }
0x13e: {  	s21 =	sshll.u32 s21, $0x4  }
0x13f: {  	[sflag:s9] =	ssyncset.done $0x0;
	s21 =	sand.u32 $0x1FFFE0, s21  }
0x140: {  	[sflag:s9] =	ssyncadd.s32 $0xFFFFF000;
	s21 =	sadd.s32 s4, s21  }
0x141: {  	[tilespmem:s3], [sflag:$0x1] =	stream.linear.gather [hbm4b:s21+s3], $0x500, $0x38;
	[tilespmem:$0x14A00] =	vst v63  }
0x142: {  	_ = 	snop  }
0x143: {  	[hbm4b:s18+s10] =	stream.strided.scatter [tilespmem:s17], [sflag:$0x5], $0xA000, s16, s10, $0x38;
	[tilespmem:$0x14A00] =	vst v63  }
0x144: {  	_ =	swait.ge [sflag:s11], $0x500  }
0x145: {  	[sflag:s11] =	ssyncset.done $0x0  }
0x146: {  	[sflag:s11] =	ssyncadd.s32 $0xFFFFFB00  }
0x147: {  	_ =	swait.ge [sflag:s5], $0xA000  }
0x148: {  	[sflag:s5] =	ssyncset.done $0x0  }
0x149: {  	[sflag:s5] =	ssyncadd.s32 $0xFFFF6000  }
0x14a: {  	[tilespmem:s8], [sflag:$0x4] =	stream.indirect.gather [hbm4b:s2+s16], $0x20, s14, s16, $0xb8;
	[tilespmem:$0x14A00] =	vst v63  }
0x14b: {  	s24 =	simm.s32 $0xBA00;
	s21 =	simm.s32 $0x580  }
0x14c: {  	[tilespmem:s24], [sflag:$0x4] =	stream.indirect.gather [hbm4b:s2+s16], $0x20, s21, s16, $0xb8;
	[tilespmem:$0x14A00] =	vst v63  }
0x14d: {  	s21 =	simm.s32 $0x600;
	s24 =	simm.s32 $0xCA00  }
0x14e: {  	[tilespmem:s24], [sflag:$0x4] =	stream.indirect.gather [hbm4b:s2+s16], $0x20, s21, s16, $0xb8;
	[tilespmem:$0x14A00] =	vst v63  }
0x14f: {  	s21 =	simm.s32 $0x680;
	s24 =	simm.s32 $0xDA00  }
0x150: {  	[tilespmem:s24], [sflag:$0x4] =	stream.indirect.gather [hbm4b:s2+s16], $0x20, s21, s16, $0xb8;
	[tilespmem:$0x14A00] =	vst v63  }
0x151: {  	s21 =	simm.s32 $0x700;
	s24 =	simm.s32 $0xEA00  }
0x152: {  	[tilespmem:s24], [sflag:$0x4] =	stream.indirect.gather [hbm4b:s2+s16], $0x20, s21, s16, $0xb8;
	[tilespmem:$0x14A00] =	vst v63  }
0x153: {  	s21 =	simm.s32 $0x780;
	s24 =	simm.s32 $0xFA00  }
0x154: {  	[tilespmem:s24], [sflag:$0x4] =	stream.indirect.gather [hbm4b:s2+s16], $0x20, s21, s16, $0xb8;
	[tilespmem:$0x14A00] =	vst v63  }
0x155: {  	s21 =	simm.s32 $0x800;
	s24 =	simm.s32 $0x10A00  }
0x156: {  	[tilespmem:s24], [sflag:$0x4] =	stream.indirect.gather [hbm4b:s2+s16], $0x20, s21, s16, $0xb8;
	[tilespmem:$0x14A00] =	vst v63  }
0x157: {  	s21 =	simm.s32 $0x880;
	s24 =	simm.s32 $0x11A00  }
0x158: {  	[tilespmem:s24], [sflag:$0x4] =	stream.indirect.gather [hbm4b:s2+s16], $0x20, s21, s16, $0xb8;
	[tilespmem:$0x14A00] =	vst v63  }
0x159: {  	s24 =	simm.s32 $0x900  }
0x15a: {  	[tilespmem:s29], [sflag:$0x4] =	stream.indirect.gather [hbm4b:s2+s16], $0x20, s24, s16, $0xb8;
	[tilespmem:$0x14A00] =	vst v63  }
0x15b: {  	_ = 	snop  }
0x15c: {  	[tilespmem:s0], [sflag:$0x4] =	stream.indirect.gather [hbm4b:s2+s16], $0x20, s28, s16, $0xb8;
	[tilespmem:$0x14A00] =	vst v63  }
0x15d: {  	_ =	swait.ge [sflag:s6], $0x1000  }
0x15e: {  	[sflag:s6] =	ssyncset.done $0x0  }
0x15f: {  	[sflag:s6] =	ssyncadd.s32 $0xFFFFF000  }
0x160: {  	_ =	swait.ge [sflag:s6], $0x1000  }
0x161: {  	[sflag:s6] =	ssyncset.done $0x0  }
0x162: {  	[sflag:s6] =	ssyncadd.s32 $0xFFFFF000  }
0x163: {  	_ =	swait.ge [sflag:s6], $0x1000  }
0x164: {  	[sflag:s6] =	ssyncset.done $0x0  }
0x165: {  	[sflag:s6] =	ssyncadd.s32 $0xFFFFF000  }
0x166: {  	_ =	swait.ge [sflag:s6], $0x1000  }
0x167: {  	[sflag:s6] =	ssyncset.done $0x0  }
0x168: {  	[sflag:s6] =	ssyncadd.s32 $0xFFFFF000  }
0x169: {  	_ =	swait.ge [sflag:s6], $0x1000  }
0x16a: {  	[sflag:s6] =	ssyncset.done $0x0  }
0x16b: {  	[sflag:s6] =	ssyncadd.s32 $0xFFFFF000  }
0x16c: {  	_ =	swait.ge [sflag:s6], $0x1000  }
0x16d: {  	[sflag:s6] =	ssyncset.done $0x0  }
0x16e: {  	[sflag:s6] =	ssyncadd.s32 $0xFFFFF000  }
0x16f: {  	_ =	swait.ge [sflag:s6], $0x1000  }
0x170: {  	[sflag:s6] =	ssyncset.done $0x0  }
0x171: {  	[sflag:s6] =	ssyncadd.s32 $0xFFFFF000  }
0x172: {  	_ =	swait.ge [sflag:s6], $0x1000  }
0x173: {  	[sflag:s6] =	ssyncset.done $0x0  }
0x174: {  	[sflag:s6] =	ssyncadd.s32 $0xFFFFF000  }
0x175: {  	_ =	swait.ge [sflag:s6], $0x1000  }
0x176: {  	[sflag:s6] =	ssyncset.done $0x0  }
0x177: {  	s20 =	smin.u32 s20, $0x4A;
	[sflag:s6] =	ssyncadd.s32 $0xFFFFF000  }
0x178: {  	s20 =	smul.u32 $0xA, s20;
	_ =	swait.ge [sflag:s6], $0x1000  }
0x179: {  	s19 =	smov.u32 s12;
	p0 =	sne.s32 s13, $0x4C;
	s24 =	rddreg [dreg:$0x4]  }
.Ltmp0:
0x17a: {  	s13 =	sadd.s32 $0x2, s13;
	s20 =	sadd.s32 s20, s24;
	(pc) =	sbr.rel @p0 .LBB2_2-.Ltmp0, $4  }
0x17b: {  	s12 =	sadd.s32 $0xA000, s12;
	s22 =	simm.s32 $0x100;
	s20 =	sshll.u32 s20, $0x4  }
0x17c: {  	s18 =	sadd.s32 $0xA000, s18;
	[sflag:s6] =	ssyncset.done $0x0;
	s20 =	sand.u32 $0x1FFFE0, s20  }
0x17d: {  	s21 =	simm.s32 $0x1A00;
	[sflag:s6] =	ssyncadd.s32 $0xFFFFF000;
	s20 =	sadd.s32 s4, s20  }
0x17e: {  	[tilespmem:s14], [sflag:$0x2] =	stream.linear.gather [hbm4b:s20+s3], $0x500, $0x38;
	[tilespmem:$0x14A00] =	vst v63  }
0x17f: {  	[hbm4b:s19+s10] =	stream.strided.scatter [tilespmem:s8], [sflag:$0x6], $0xA000, s16, s10, $0x38;
	[tilespmem:$0x14A00] =	vst v63  }
0x180: {  	_ =	swait.ge [sflag:s7], $0xA000  }
0x181: {  	[sflag:s7] =	ssyncset.done $0x0  }
0x182: {  	[sflag:s7] =	ssyncadd.s32 $0xFFFF6000  }
0x183: {  	_ =	swait.ge [sflag:s15], $0x500  }
0x184: {  	[sflag:s15] =	ssyncset.done $0x0  }
0x185: {  	[sflag:s15] =	ssyncadd.s32 $0xFFFFFB00  }
0x186: {  	_ =	swait.ge [sflag:s5], $0xA000  }
0x187: {  	[sflag:s5] =	ssyncset.done $0x0  }
0x188: {  	[sflag:s5] =	ssyncadd.s32 $0xFFFF6000  }
0x189: {  	_ =	swait.ge [sflag:s11], $0x500  }
0x18a: {  	s0 =	rddreg [dreg:$0xe]  }
0x18b: {  	s13 =	simm.s32 $0x2A00;
	s12 =	rddreg [dreg:$0xb];
	s0 =	sadd.s32 $0x1, s0  }
0x18c: {  	s18 =	simm.s32 $0x180;
	s19 =	simm.s32 $0x3A00;
	p0 =	sne.s32 s0, s12  }
.Ltmp1:
0x18d: {  	s20 =	simm.s32 $0x200;
	s23 =	simm.s32 $0x4A00;
	(pc) =	sbr.rel @p0 .LBB2_1-.Ltmp1, $4  }
0x18e: {  	s24 =	simm.s32 $0x280;
	s25 =	simm.s32 $0x5A00;
	s26 =	simm.s32 $0x300  }
0x18f: {  	s1 =	simm.s32 $0x380;
	s28 =	simm.s32 $0x7A00;
	s29 =	simm.s32 $0x400  }
0x190: {  	s30 =	simm.s32 $0x8A00;
	s31 =	simm.s32 $0x480;
	[sflag:s11] =	ssyncset.done $0x0  }
0x191: {  	[sflag:s11] =	ssyncadd.s32 $0xFFFFFB00;
	[dreg:$0xe] =	wrdreg s0;
	s0 =	simm.s32 $0x6A00  }
0x192: {  	_ =	sfence.sel $0x180000  }
0x193: {  	[bflag:$0x0] =	sbarrier.arrive $0xFFFF  }
0x194: {  	_ =	strace $0x90000047  }
0x195: {  	s0 =	stileid.u32;
	[bflag:$0x2] =	sbarrier.arrive $0xFFFF  }
0x196: {  	p0 =	sne.s32 s0, $0x0;
	s0 =	rddreg [dreg:$0x2]  }
0x197: {  	s0 =	sadd.s32 @!p0 $0x100000, s0  }
0x198: {  	[sflag:s0] =	ssyncadd.tile.s32 @!p0 $0x1;
	_ =	shalt  }
.Lfunc_end2:
_tile_overlayer_lowered:
.L_overlay_start_2:
0x199: {  	(tag) =	ssettag $0x2  }
0x19a: {  	s0 =	rddreg [dreg:$0x0];
	s2 =	stileid.u32  }
0x19b: {  	s1 =	rddreg [dreg:$0x1];
	p0 =	sne.s32 s2, $0x0  }
0x19c: {  	s3 =	rddreg [dreg:$0x2];
	[bflag:$0x3] =	sbarrier.arrive $0xFFFF;
	s2 =	simm.s32 @!p0 $0x1C07  }
0x19d: {  	[timem:s3], [sflag:s2] =	dma.local @!p0 [hbm:s0], s1  }
0x19e: {  	s0 =	simm.s32 @!p0 $0x7  }
0x19f: {  	_ =	swait.ge @!p0 [sflag:s0], s1  }
0x1a0: {  	s1 =	ssub.s32 @!p0 $0x0, s1;
	[sflag:s0] =	ssyncset.done @!p0 $0x0  }
0x1a1: {  	[sflag:s0] =	ssyncadd.s32 @!p0 s1  }
0x1a2: {  	[bflag:$0x3] =	sbarrier.arrive $0xFFFF  }
0x1a3: {  	_ =	shalt  }

// kernel: sparse-core-data-format-call.cloned.1.call-start
scs
called_computation_lowered:
.L_overlay_start_0:
0x0: {  	s2 =	sld [smem:$0x3FD9]  }
0x1: {  	s3 =	sld [smem:$0x3FFE];
	_ =	sdelay $0x1  }
0x2: {  	s1 =	srdreg.scid  }
0x3: {  	s0 =	sand.u32 $0x1, s1  }
0x4: {  	s18 =	sshll.u32 s0, $0xA;
	s2 =	sadd.s32 s3, s2  }
0x5: {  	s2 =	sadd.s32 s2, s18  }
0x6: {  	[smem:$0x3FC6] =	sst s2  }
0x7: {  	_ = 	snop  }
0x8: {  	s2 =	sld [smem:$0x3FD0];
	(tm) =	ssettm $0x1  }
0x9: {  	s19 =	sld [smem:$0x3FFB];
	_ =	sdelay $0x3  }
0xa: {  	_ =	strace s19  }
0xb: {  	s3 =	sld [smem:$0x3FFC];
	_ =	sdelay $0x3  }
0xc: {  	_ =	strace s3  }
0xd: {  	s3 =	sld [smem:$0x3FFD];
	_ =	sdelay $0x3  }
0xe: {  	_ =	strace s3  }
0xf: {  	_ =	strace $0x8FFFFFFF  }
0x10: {  	s20 =	sld [smem:$0x3FDB];
	_ =	sdelay $0x1  }
0x11: {  	s4 =	simm.s32 $_scs_section_size  }
0x12: {  	s5 =	simm.s32 $_size__tile_overlayer_lowered;
	s6 =	simm.s32 $_tile_overlayer_lowered  }
0x13: {  	s23 =	simm.s32 $0x1BFF;
	s22 =	sshll.u32 s6, $0x1;
	s3 =	sadd.s32 s4, s20  }
0x14: {  	s7 =	simm.s32 $0x0;
	s21 =	sshll.u32 s5, $0x1;
	s5 =	sadd.s32 s22, s3  }
0x15: {  	[timem:s7], [sflag:s23] =	dma.local [hbm:s5], s21  }
0x16: {  	_ =	swait.ge [sflag:s23], s21  }
0x17: {  	s4 =	ssub.s32 $0x0, s21;
	[sflag:s23] =	ssyncset.done $0x0  }
0x18: {  	[sflag:s23] =	ssyncadd.s32 s4;
	_ =	sdelay $0x1  }
0x19: {  	s24 =	simm.s32 $0x1B8B  }
0x1a: {  	_ =	swait.ge [sflag:s24], $0x1  }
0x1b: {  	[sflag:s24] =	ssyncset.done $0x0  }
0x1c: {  	s26 =	simm.s32 $0x1B8E;
	s25 =	sld [smem:$0x3FFE];
	[sflag:s24] =	ssyncadd.s32 $0xFFFFFFFF  }
0x1d: {  	s27 =	simm.s32 $execute0_lowered;
	[smem:$0x3FD2] =	sst s26  }
0x1e: {  	s5 =	sshll.u32 s27, $0x1;
	_ =	strace $0x80000049;
	[dreg:$0x1] =	wrdreg $0xFFFFFFFF  }
0x1f: {  	s28 =	simm.s32 $_size_execute0_lowered;
	s3 =	sadd.s32 s3, s5;
	[dreg:$0x0] =	wrdreg $0x0  }
0x20: {  	s5 =	sshll.u32 s28, $0x1;
	[dreg:$0x2] =	wrdreg s3  }
0x21: {  	[dreg:$0x3] =	wrdreg s5  }
0x22: {  	[dreg:$0x4] =	wrdreg $0xC0  }
0x23: {  	_ =	task [dreg:s7], $0x5FFFF  }
0x24: {  	[dreg:$0x1] =	wrdreg $0xFFFFFFFF  }
0x25: {  	[dreg:$0x0] =	wrdreg $0x60  }
0x26: {  	[dreg:$0x2] =	wrdreg s25  }
0x27: {  	[dreg:$0x3] =	wrdreg s2  }
0x28: {  	[dreg:$0x4] =	wrdreg $0x9  }
0x29: {  	_ =	task.clear_ibuf [dreg:s7], $0x5FFFF;
	_ =	strace $0x90000049  }
0x2a: {  	s29 =	simm.s32 $0x9;
	_ =	strace $0x8000004B  }
0x2b: {  	_ =	swait.ge [sflag:s29], $0x1  }
0x2c: {  	[sflag:s29] =	ssyncadd.s32 $0xFFFFFFFF  }
0x2d: {  	_ =	strace $0x9000004B  }
0x2e: {  	_ =	sfence  }
0x2f: {  	s30 =	sld [smem:$0x0];
	_ =	sdelay $0x2  }
0x30: {  	s31 =	sshll.u32 s1, $0xD;
	s1 =	sshrl.u32 s1, $0x2  }
0x31: {  	s3 =	sand.u32 $0x4000, s31;
	s1 =	sadd.s32 s1, s30  }
0x32: {  	s0 =	sor.u32 s3, s0;
	s1 =	sshll.u32 s1, $0x11  }
0x33: {  	s0 =	sor.u32 s1, s0  }
0x34: {  	s0 =	sadd.s32 $0x8F2B, s0  }
0x35: {  	[sflag:s0] =	ssyncadd.remote.s32 $0x1  }
0x36: {  	_ =	sfence.sel $0xFFFF  }
0x37: {  	[dreg:$0x0] =	wrdreg $0xFFFFFFFF;
	(pc) =	sbr.abs _section_cstart, $3  }
0x38: {  	[dreg:$0x1] =	wrdreg $0xFFFFFFFF  }
0x39: {  	_ =	task.clear_ibuf [dreg:s7], $0x2FFFF;
	_ =	strace $0x9FFFFFFF  }
0x3a: {  	(tm) =	ssettm $0x7FFFFFFF  }
0x3b: {  	_ =	shalt  }
tec
execute0_lowered:
.L_overlay_start_1:
0x0: {  	(tag) =	ssettag $0x1  }
0x1: {  	s0 =	srdreg.scid  }
0x2: {  	s1 =	sshll.u32 s0, $0x4  }
0x3: {  	s0 =	stileid.u32;
	s1 =	sand.u32 $0x10, s1  }
0x4: {  	s1 =	sor.u32 s0, s1  }
0x5: {  	s6 =	rddreg [dreg:$0x0];
	s4 =	simm.s32 $0x1;
	s2 =	sshll.u32 s1, $0x7  }
0x6: {  	s7 =	simm.s32 $0x2;
	s12 =	simm.s32 $0x0;
	s1 =	ssub.s32 $0x4000, s2  }
0x7: {  	s8 =	simm.s32 $0x20000;
	s13 =	simm.s32 $0x0;
	s3 =	sand.u32 $0xF80, s1  }
0x8: {  	s9 =	simm.s32 $0x0;
	s5 =	sshrl.u32 s1, $0xC;
	p0 =	sne.s32 s3, $0x0  }
.Ltmp0:
0x9: {  	s1 =	rddreg [dreg:$0x2];
	s4 =	simm.s32 @!p0 $0x0;
	(pc) =	sbr.rel .LBB1_1-.Ltmp0, $4  }
0xa: {  	s11 =	simm.s32 $0x0;
	s3 =	rddreg [dreg:$0x1];
	s5 =	sadd.s32 s4, s5  }
0xb: {  	_ =	strace $0x8000004A;
	s4 =	simm.s32 $0x1;
	s5 =	smul.u32 $0xC8, s5  }
0xc: {  	s6 =	sadd.s32 $0x64800, s6;
	s10 =	smov.u32 s2;
	[sflag:s4] =	ssyncpa.u1 $0x0  }
0xd: {  	p0 =	por $0x0, $0x0;
	[sflag:s7] =	ssyncpa.u1 $0x0;
	s7 =	sor.u32 $0x1, s5  }
.LBB1_4:
0xe: {  	s16 =	sshll.u32 s13, $0x3;
	s17 =	sand.u32 $0x78, s13  }
0xf: {  	s30 =	sand.u32 $0xF800, s13;
	s12 =	sshll.u32 s12, $0x10;
	s16 =	sand.u32 $0x3C00, s16  }
0x10: {  	s31 =	sand.u32 $0x7, s13;
	s16 =	sor.u32 s17, s16;
	s17 =	sadd.s32 s3, s30  }
0x11: {  	s13 =	sshll.u32 s31, $0x12;
	s16 =	sshrl.u32 s16, $0x3;
	s12 =	sadd.s32 s12, s17  }
0x12: {  	[tilespmem:s15+$0x0 ss:$0x81] =	vst.msk $0xffff, v0;
	s13 =	sor.u32 $0x400, s13;
	s12 =	sadd.s32 s16, s12  }
0x13: {  	[hbm4b:s12+s13] =	stream.strided.scatter [tilespmem:s14], [sflag:$0x2], $0x1000, s8, s13, $0x20;
	[tilespmem:$0x4040] =	vst v63  }
.LBB1_5:
0x14: {  	s14 =	sadd.s32 $0x1, s9  }
0x15: {  	s12 =	sadd.s32 $0x1000, s10;
	s16 =	smov.u32 s10;
	p2 =	sgt.s32 s14, $0xC7  }
0x16: {  	s16 =	smov.u32 @p2 s12  }
0x17: {  	s14 =	simm.s32 @p2 $0x0;
	p2 =	sgt.s32 s16, $0x3FFF  }
0x18: {  	s16 =	smov.u32 @p2 s2;
	p2 =	sne.s32 s11, s7  }
.Ltmp1:
0x19: {  	p1 =	slt.u32 s11, $0x2;
	(pc) =	sbr.rel @!p2 .LBB1_6-.Ltmp1, $4  }
0x1a: {  	s15 =	simm.s32 @!p1 $0x2  }
0x1b: {  	s13 =	smov.u32 s10;
	p0 =	por !p0, !p0;
	_ =	swait.ge @!p1 [sflag:s15], $0x1000  }
0x1c: {  	s12 =	smov.u32 s9;
	[sflag:s15] =	ssyncset.done @!p1 $0x0;
	s9 =	smov.u32 s14  }
0x1d: {  	s11 =	sadd.s32 $0x1, s11;
	[sflag:s15] =	ssyncadd.s32 @!p1 $0xFFFFF000;
	s10 =	smov.u32 s16  }
.LBB1_1:
0x1e: {  	p1 =	sge.u32 s11, s5  }
0x1f: {  	s14 =	sand.u32 @!p1 $0x1FFFFFF, s9  }
0x20: {  	s15 =	smulhi.u32 @!p1 $0x147AE15, s14;
	_ =	sdelay $0x1  }
0x21: {  	s15 =	smul.u32 @!p1 $0xC8, s15  }
0x22: {  	s16 =	sxor.u32 @!p1 $0xFFFFFFFF, s11;
	s17 =	smul.u32 @!p1 $0xC80, s10  }
0x23: {  	s31 =	sadd.s32 $0xFFFFFFFF, s11;
	s16 =	sshll.u32 @!p1 s16, $0xC;
	s14 =	ssub.s32 @!p1 s14, s15  }
0x24: {  	s15 =	sand.u32 @!p1 $0x1000, s16;
	s16 =	sadd.s32 @!p1 s6, s17;
	s14 =	sshll.u32 @!p1 s14, $0x4  }
0x25: {  	s17 =	simm.s32 @!p1 $0x6400;
	s14 =	sadd.s32 @!p1 s14, s16;
	s16 =	simm.s32 @!p1 $0x20  }
0x26: {  	[tilespmem:s15], [sflag:$0x1] =	stream.strided.gather @!p1 [hbm4b:s14+s16], $0x1000, s17, s16, $0x38;
	[tilespmem:$0x4040] =	vst v63  }
0x27: {  	p1 =	sge.u32 s31, s5  }
.Ltmp2:
0x28: {  	_ = 	snop;
	(pc) =	sbr.rel @p1 .LBB1_5-.Ltmp2, $1  }
0x29: {  	_ =	sdelay $0x3  }
0x2a: {  	s14 =	simm.s32 $0x1  }
0x2b: {  	_ =	swait.ge [sflag:s4], $0x1000;
	s14 =	simm.s32 @!p0 $0x0  }
0x2c: {  	[sflag:s4] =	ssyncset.done $0x0;
	s15 =	sshll.u32 s14, $0xC  }
0x2d: {  	[sflag:s4] =	ssyncadd.s32 $0xFFFFF000;
	s18 =	sor.u32 $0x10, s15  }
0x2e: {  	s14 =	smul.u32 $0x4080, s14;
	v1 =	vld [tilespmem:s18+$0x0]  }
0x2f: {  	s30 =	sand.u32 $0x1, s11;
	v0 =	vld [tilespmem:s18+$0xFFFFFFF0]  }
0x30: {  	s15 =	smul.u32 $0x4080, s30;
	s14 =	sshrl.u32 s14, $0x2  }
0x31: {  	s16 =	sor.u32 $0x2000, s14  }
0x32: {  	s31 =	sshrl.u32 s15, $0x2;
	s15 =	sadd.s32 $0x0, s16  }
0x33: {  	s17 =	simm.s32 $0x4;
	s18 =	sadd.s32 $0x20, s18;
	s14 =	sor.u32 $0x2000, s31;
	[tilespmem:s15+$0x810 ss:$0x81] =	vst.msk $0xffff, v1  }
.LBB1_3:
0x34: {  	v1 =	vld [tilespmem:s18+$0x0];
	p1 =	sne.s32 s17, $0x1FC;
	[tilespmem:s15+$0x0 ss:$0x81] =	vst.msk $0xffff, v0;
	s15 =	smov.u32 s17;
	s17 =	sadd.s32 $0x4, s17  }
.Ltmp3:
0x35: {  	v0 =	vld [tilespmem:s18+$0xFFFFFFF0];
	(pc) =	sbr.rel @p1 .LBB1_3-.Ltmp3, $4  }
0x36: {  	_ = 	snop  }
0x37: {  	s15 =	sshra.s32 s15, $0x2  }
0x38: {  	s15 =	sadd.s32 s15, s16  }
0x39: {  	s18 =	sadd.s32 $0x20, s18;
	[tilespmem:s15+$0x810 ss:$0x81] =	vst.msk $0xffff, v1  }
.Ltmp4:
0x3a: {  	_ = 	snop;
	(pc) =	sbr.rel .LBB1_4-.Ltmp4, $1  }
0x3b: {  	_ =	sdelay $0x3  }
.LBB1_6:
0x3c: {  	_ =	sfence.sel $0x180000  }
0x3d: {  	s2 =	simm.s32 $0x1;
	[bflag:$0x0] =	sbarrier.arrive $0xFFFF  }
0x3e: {  	s31 =	simm.s32 $0x2;
	[sflag:s2] =	ssyncpa.u1 $0x1  }
0x3f: {  	[sflag:s31] =	ssyncpa.u1 $0x1  }
0x40: {  	p0 =	sne.s32 s0, $0x0;
	_ =	strace $0x9000004A  }
0x41: {  	s0 =	sadd.s32 @!p0 $0x100000, s1;
	[bflag:$0x2] =	sbarrier.arrive $0xFFFF  }
0x42: {  	[sflag:s0] =	ssyncadd.tile.s32 @!p0 $0x1;
	_ =	shalt  }
.Lfunc_end1:
_tile_overlayer_lowered:
.L_overlay_start_2:
0x43: {  	(tag) =	ssettag $0x2  }
0x44: {  	s0 =	rddreg [dreg:$0x0];
	s2 =	stileid.u32  }
0x45: {  	s1 =	rddreg [dreg:$0x1];
	p0 =	sne.s32 s2, $0x0  }
0x46: {  	s3 =	rddreg [dreg:$0x2];
	[bflag:$0x3] =	sbarrier.arrive $0xFFFF;
	s2 =	simm.s32 @!p0 $0x1C01  }
0x47: {  	[timem:s3], [sflag:s2] =	dma.local @!p0 [hbm:s0], s1  }
0x48: {  	s0 =	simm.s32 @!p0 $0x1  }
0x49: {  	_ =	swait.ge @!p0 [sflag:s0], s1  }
0x4a: {  	s1 =	ssub.s32 @!p0 $0x0, s1;
	[sflag:s0] =	ssyncset.done @!p0 $0x0  }
0x4b: {  	[sflag:s0] =	ssyncadd.s32 @!p0 s1  }
0x4c: {  	[bflag:$0x3] =	sbarrier.arrive $0xFFFF  }
0x4d: {  	_ =	shalt  }

</sc_bundles>
